<compile_context>
chip_gen: v7x
topology: tpu7x:2x2x1
jax: 0.10.2.dev20260603
libtpu: 0.0.44.dev20260713+nightly
codegen_flags: <defaults>
</compile_context>

<pallas_src>
import functools

import jax
import jax.numpy as jnp
from jax import lax
from jax.experimental import pallas as pl
from jax.experimental.pallas import tpu as pltpu
from jax.experimental.pallas import tpu_sc as plsc

D = 128
SEQ = 200
BATCH = 1024
L = 16

NC = 2
NS = 16
NW = NC * NS
B_PER_W = BATCH // NW

NBUF = 4

_CHUNKS = ((0, 128), (128, 72))


def _emb_body(x_hbm, tok_hbm, pos_hbm, out_hbm, pos_v, idxs, rows, sem_i,
              sem_g, sem_w):
    wid = lax.axis_index("s") * NC + lax.axis_index("c")
    base = wid * B_PER_W
    pos_cp = pltpu.async_copy(pos_hbm, pos_v, sem_w)

    def fire_idx(i, buf):
        pltpu.async_copy(x_hbm.at[base + i], idxs[buf], sem_i)

    def wait_idx(buf):
        pltpu.make_async_copy(x_hbm.at[base], idxs[buf], sem_i).wait()

    def fire_gathers(buf):
        for off, n in _CHUNKS:
            pltpu.async_copy(
                tok_hbm.at[idxs[buf].at[pl.ds(off, n)]],
                rows[buf].at[pl.ds(off, n)],
                sem_g,
            )

    def wait_gathers(buf):
        for off, n in _CHUNKS:
            pltpu.make_async_copy(
                tok_hbm.at[idxs[buf].at[pl.ds(off, n)]],
                rows[buf].at[pl.ds(off, n)],
                sem_g,
            ).wait()

    def add_pos(buf):
        def row_body(r, c):
            for j in range(D // L):
                sl = pl.ds(j * L, L)
                rows[buf][r, sl] = rows[buf][r, sl] + pos_v[r, sl]
            return c

        lax.fori_loop(0, SEQ, row_body, 0)

    def fire_write(i, buf):
        pltpu.async_copy(rows[buf], out_hbm.at[base + i], sem_w)

    def wait_write():
        pltpu.make_async_copy(rows[0], out_hbm.at[base], sem_w).wait()

    def step(i, par, steady):
        if steady or i + 3 < B_PER_W:
            fire_idx(i + 3, (par + 3) % NBUF)
        if steady or i + 2 < B_PER_W:
            if steady or i - 2 >= 0:
                wait_write()
            wait_idx((par + 2) % NBUF)
            fire_gathers((par + 2) % NBUF)
        wait_gathers(par)
        add_pos(par)
        fire_write(i, par)

    for i in range(3):
        fire_idx(i, i)
    for i in range(2):
        wait_idx(i)
        fire_gathers(i)
    pos_cp.wait()

    for i in range(4):
        step(i, i, False)

    def steady_body(g, c):
        for par in range(NBUF):
            step(g * NBUF + par, par, True)
        return c

    lax.fori_loop(1, B_PER_W // NBUF - 1, steady_body, 0)

    for i in range(B_PER_W - 4, B_PER_W):
        step(i, i % NBUF, False)
    for _ in range(4):
        wait_write()


@functools.partial(
    pl.kernel,
    mesh=plsc.VectorSubcoreMesh(core_axis_name="c", subcore_axis_name="s"),
    out_type=jax.ShapeDtypeStruct((BATCH, SEQ, D), jnp.float32),
    scratch_types=[
        pltpu.VMEM((SEQ, D), jnp.float32),
        [pltpu.VMEM((SEQ,), jnp.int32) for _ in range(NBUF)],
        [pltpu.VMEM((SEQ, D), jnp.float32) for _ in range(NBUF)],
        pltpu.SemaphoreType.DMA,
        pltpu.SemaphoreType.DMA,
        pltpu.SemaphoreType.DMA,
    ],
)
def _emb_kernel(x_hbm, tok_hbm, pos_hbm, out_hbm, pos_v, idxs, rows, sem_i,
                sem_g, sem_w):
    _emb_body(x_hbm, tok_hbm, pos_hbm, out_hbm, pos_v, idxs, rows, sem_i,
              sem_g, sem_w)


def kernel(x, token_table, pos_table):
    return _emb_kernel(x, token_table, pos_table)

# --- scband reference (transcript-rebuilt; emitter-appended) ---
"""Pipeline reference for scband-registry-embeddings-37263136260727 (READ-ONLY COPY).

The authoritative reference and input builder live on the scoring server;
editing this copy changes nothing except your own understanding.
"""

import jax, jax.numpy as jnp
import numpy as np

VOCAB_SIZE = 100000
D_MODEL = 128
MAX_LEN = 200
BATCH = 1024
SEQ_LEN = 200


def setup_inputs(seed: int = 0) -> dict:
    key = jax.random.key(seed)
    k_x, k_tok, k_pos = jax.random.split(key, 3)
    x = jax.random.randint(k_x, (BATCH, SEQ_LEN), 0, VOCAB_SIZE, dtype=jnp.int64 if jax.config.jax_enable_x64 else jnp.int32)
    token_table = jax.random.normal(k_tok, (VOCAB_SIZE, D_MODEL), dtype=jnp.float32)
    pos_table = jax.random.normal(k_pos, (MAX_LEN, D_MODEL), dtype=jnp.float32)
    return {"x": x, "token_table": token_table, "pos_table": pos_table}


def reference(x, token_table, pos_table):
    batch_size, seq_len = x.shape
    positions = jnp.broadcast_to(jnp.arange(seq_len)[None, :], (batch_size, seq_len))
    token_embeddings = jnp.take(token_table, x, axis=0)
    pos_embeddings = jnp.take(pos_table, positions, axis=0)
    embeddings = token_embeddings + pos_embeddings
    # registry side-effect (appending to a python list) omitted: no numerical effect
    return embeddings

if __name__ == "__main__":
    import jax
    _d = setup_inputs()
    print(jax.jit(kernel)(*tuple(_d.values())))

</pallas_src>

<mosaic_0001>
#map = affine_map<(d0, d1) -> (0, 0)>
#map1 = affine_map<(d0, d1) -> (0, 0, 0)>
module attributes {stable_mosaic.version = 14 : i64} {
  func.func @_emb_kernel(%arg0: i32, %arg1: i32, %arg2: memref<1024x200xi32, #tpu.memory_space<hbm>>, %arg3: memref<100000x128xf32, #tpu.memory_space<hbm>>, %arg4: memref<200x128xf32, #tpu.memory_space<hbm>>, %arg5: memref<1024x200x128xf32, #tpu.memory_space<hbm>>, %arg6: memref<200x128xf32, #tpu.memory_space<vmem>>, %arg7: memref<200xi32, #tpu.memory_space<vmem>>, %arg8: memref<200xi32, #tpu.memory_space<vmem>>, %arg9: memref<200xi32, #tpu.memory_space<vmem>>, %arg10: memref<200xi32, #tpu.memory_space<vmem>>, %arg11: memref<200x128xf32, #tpu.memory_space<vmem>>, %arg12: memref<200x128xf32, #tpu.memory_space<vmem>>, %arg13: memref<200x128xf32, #tpu.memory_space<vmem>>, %arg14: memref<200x128xf32, #tpu.memory_space<vmem>>, %arg15: memref<!tpu.dma_semaphore, #tpu.memory_space<semaphore_mem>>, %arg16: memref<!tpu.dma_semaphore, #tpu.memory_space<semaphore_mem>>, %arg17: memref<!tpu.dma_semaphore, #tpu.memory_space<semaphore_mem>>) attributes {dimension_semantics = [#tpu.dimension_semantics<core_parallel>, #tpu.dimension_semantics<subcore_parallel>], iteration_bounds = array<i64: 2, 16>, scalar_prefetch = 0 : i64, scratch_operands = 12 : i64, tpu.core_type = #tpu.core_type<sc_vector_subcore>, window_params = [{transform_indices = #map}, {transform_indices = #map}, {transform_indices = #map}, {transform_indices = #map1}]} {
    %mul3A = arith.constant 2 : i32
    %mul3A_0 = arith.muli %arg1, %mul3A : i32
    %add3A = arith.addi %mul3A_0, %arg0 : i32
    %mul3A_1 = arith.constant 32 : i32
    %mul3A_2 = arith.muli %add3A, %mul3A_1 : i32
    tpu.enqueue_dma source(%arg4 : memref<200x128xf32, #tpu.memory_space<hbm>>) target(%arg6 : memref<200x128xf32, #tpu.memory_space<vmem>>) target_semaphore(%arg17 : memref<!tpu.dma_semaphore, #tpu.memory_space<semaphore_mem>>)
    %add3A_3 = arith.constant 0 : i32
    %add3A_4 = arith.addi %mul3A_2, %add3A_3 : i32
    %dma_start3A = arith.constant 0 : i32
    %dma_start3A_5 = tpu.memref_slice %arg2[%add3A_4, %dma_start3A] : memref<1024x200xi32, #tpu.memory_space<hbm>> -> memref<1x200xi32, #tpu.memory_space<hbm>>
    %dma_start3A_6 = tpu.memref_squeeze %dma_start3A_5 : memref<1x200xi32, #tpu.memory_space<hbm>> -> memref<200xi32, #tpu.memory_space<hbm>>
    %dma_start3A_7 = arith.constant 0 : i32
    %dma_start3A_8 = tpu.memref_slice %arg2[%add3A_4, %dma_start3A_7] : memref<1024x200xi32, #tpu.memory_space<hbm>> -> memref<1x200xi32, #tpu.memory_space<hbm>>
    %dma_start3A_9 = tpu.memref_squeeze %dma_start3A_8 : memref<1x200xi32, #tpu.memory_space<hbm>> -> memref<200xi32, #tpu.memory_space<hbm>>
    tpu.enqueue_dma source(%dma_start3A_9 : memref<200xi32, #tpu.memory_space<hbm>>) target(%arg7 : memref<200xi32, #tpu.memory_space<vmem>>) target_semaphore(%arg15 : memref<!tpu.dma_semaphore, #tpu.memory_space<semaphore_mem>>)
    %add3A_10 = arith.constant 1 : i32
    %add3A_11 = arith.addi %mul3A_2, %add3A_10 : i32
    %dma_start3A_12 = arith.constant 0 : i32
    %dma_start3A_13 = tpu.memref_slice %arg2[%add3A_11, %dma_start3A_12] : memref<1024x200xi32, #tpu.memory_space<hbm>> -> memref<1x200xi32, #tpu.memory_space<hbm>>
    %dma_start3A_14 = tpu.memref_squeeze %dma_start3A_13 : memref<1x200xi32, #tpu.memory_space<hbm>> -> memref<200xi32, #tpu.memory_space<hbm>>
    %dma_start3A_15 = arith.constant 0 : i32
    %dma_start3A_16 = tpu.memref_slice %arg2[%add3A_11, %dma_start3A_15] : memref<1024x200xi32, #tpu.memory_space<hbm>> -> memref<1x200xi32, #tpu.memory_space<hbm>>
    %dma_start3A_17 = tpu.memref_squeeze %dma_start3A_16 : memref<1x200xi32, #tpu.memory_space<hbm>> -> memref<200xi32, #tpu.memory_space<hbm>>
    tpu.enqueue_dma source(%dma_start3A_17 : memref<200xi32, #tpu.memory_space<hbm>>) target(%arg8 : memref<200xi32, #tpu.memory_space<vmem>>) target_semaphore(%arg15 : memref<!tpu.dma_semaphore, #tpu.memory_space<semaphore_mem>>)
    %add3A_18 = arith.constant 2 : i32
    %add3A_19 = arith.addi %mul3A_2, %add3A_18 : i32
    %dma_start3A_20 = arith.constant 0 : i32
    %dma_start3A_21 = tpu.memref_slice %arg2[%add3A_19, %dma_start3A_20] : memref<1024x200xi32, #tpu.memory_space<hbm>> -> memref<1x200xi32, #tpu.memory_space<hbm>>
    %dma_start3A_22 = tpu.memref_squeeze %dma_start3A_21 : memref<1x200xi32, #tpu.memory_space<hbm>> -> memref<200xi32, #tpu.memory_space<hbm>>
    %dma_start3A_23 = arith.constant 0 : i32
    %dma_start3A_24 = tpu.memref_slice %arg2[%add3A_19, %dma_start3A_23] : memref<1024x200xi32, #tpu.memory_space<hbm>> -> memref<1x200xi32, #tpu.memory_space<hbm>>
    %dma_start3A_25 = tpu.memref_squeeze %dma_start3A_24 : memref<1x200xi32, #tpu.memory_space<hbm>> -> memref<200xi32, #tpu.memory_space<hbm>>
    tpu.enqueue_dma source(%dma_start3A_25 : memref<200xi32, #tpu.memory_space<hbm>>) target(%arg9 : memref<200xi32, #tpu.memory_space<vmem>>) target_semaphore(%arg15 : memref<!tpu.dma_semaphore, #tpu.memory_space<semaphore_mem>>)
    %dma_wait3A = arith.constant 0 : i32
    %dma_wait3A_26 = tpu.memref_slice %arg2[%mul3A_2, %dma_wait3A] : memref<1024x200xi32, #tpu.memory_space<hbm>> -> memref<1x200xi32, #tpu.memory_space<hbm>>
    %dma_wait3A_27 = tpu.memref_squeeze %dma_wait3A_26 : memref<1x200xi32, #tpu.memory_space<hbm>> -> memref<200xi32, #tpu.memory_space<hbm>>
    %dma_wait3A_28 = arith.constant 0 : i32
    %dma_wait3A_29 = tpu.memref_slice %arg2[%mul3A_2, %dma_wait3A_28] : memref<1024x200xi32, #tpu.memory_space<hbm>> -> memref<1x200xi32, #tpu.memory_space<hbm>>
    %dma_wait3A_30 = tpu.memref_squeeze %dma_wait3A_29 : memref<1x200xi32, #tpu.memory_space<hbm>> -> memref<200xi32, #tpu.memory_space<hbm>>
    tpu.wait_dma2 semaphore(%arg15 : memref<!tpu.dma_semaphore, #tpu.memory_space<semaphore_mem>>) src(%dma_wait3A_30 : memref<200xi32, #tpu.memory_space<hbm>>) dst(%arg7 : memref<200xi32, #tpu.memory_space<vmem>>)
    %dma_start3A_31 = arith.constant 0 : i32
    %dma_start3A_32 = arith.constant 0 : i32
    %dma_start3A_33 = tpu.memref_slice %arg11[%dma_start3A_31, %dma_start3A_32] : memref<200x128xf32, #tpu.memory_space<vmem>> -> memref<128x128xf32, #tpu.memory_space<vmem>>
    %dma_start3A_34 = arith.constant 0 : i32
    %dma_start3A_35 = tpu.memref_slice %arg7[%dma_start3A_34] : memref<200xi32, #tpu.memory_space<vmem>> -> memref<128xi32, #tpu.memory_space<vmem>>
    %dma_start3A_36 = arith.constant 0 : i32
    %dma_start3A_37 = arith.constant 0 : i32
    %dma_start3A_38 = tpu.memref_slice %arg3[%dma_start3A_36, %dma_start3A_37] : memref<100000x128xf32, #tpu.memory_space<hbm>> -> memref<100000x128xf32, #tpu.memory_space<hbm>>
    tpu.enqueue_indirect_dma source(%dma_start3A_38 : memref<100000x128xf32, #tpu.memory_space<hbm>>) target(%dma_start3A_33 : memref<128x128xf32, #tpu.memory_space<vmem>>) offsets(%dma_start3A_35 : memref<128xi32, #tpu.memory_space<vmem>>) semaphore(%arg16 : memref<!tpu.dma_semaphore, #tpu.memory_space<semaphore_mem>>)
    %dma_start3A_39 = arith.constant 128 : i32
    %dma_start3A_40 = arith.constant 0 : i32
    %dma_start3A_41 = tpu.memref_slice %arg11[%dma_start3A_39, %dma_start3A_40] : memref<200x128xf32, #tpu.memory_space<vmem>> -> memref<72x128xf32, #tpu.memory_space<vmem>>
    %dma_start3A_42 = arith.constant 128 : i32
    %dma_start3A_43 = tpu.memref_slice %arg7[%dma_start3A_42] : memref<200xi32, #tpu.memory_space<vmem>> -> memref<72xi32, #tpu.memory_space<vmem>>
    %dma_start3A_44 = arith.constant 0 : i32
    %dma_start3A_45 = arith.constant 0 : i32
    %dma_start3A_46 = tpu.memref_slice %arg3[%dma_start3A_44, %dma_start3A_45] : memref<100000x128xf32, #tpu.memory_space<hbm>> -> memref<100000x128xf32, #tpu.memory_space<hbm>>
    tpu.enqueue_indirect_dma source(%dma_start3A_46 : memref<100000x128xf32, #tpu.memory_space<hbm>>) target(%dma_start3A_41 : memref<72x128xf32, #tpu.memory_space<vmem>>) offsets(%dma_start3A_43 : memref<72xi32, #tpu.memory_space<vmem>>) semaphore(%arg16 : memref<!tpu.dma_semaphore, #tpu.memory_space<semaphore_mem>>)
    %dma_wait3A_47 = arith.constant 0 : i32
    %dma_wait3A_48 = tpu.memref_slice %arg2[%mul3A_2, %dma_wait3A_47] : memref<1024x200xi32, #tpu.memory_space<hbm>> -> memref<1x200xi32, #tpu.memory_space<hbm>>
    %dma_wait3A_49 = tpu.memref_squeeze %dma_wait3A_48 : memref<1x200xi32, #tpu.memory_space<hbm>> -> memref<200xi32, #tpu.memory_space<hbm>>
    %dma_wait3A_50 = arith.constant 0 : i32
    %dma_wait3A_51 = tpu.memref_slice %arg2[%mul3A_2, %dma_wait3A_50] : memref<1024x200xi32, #tpu.memory_space<hbm>> -> memref<1x200xi32, #tpu.memory_space<hbm>>
    %dma_wait3A_52 = tpu.memref_squeeze %dma_wait3A_51 : memref<1x200xi32, #tpu.memory_space<hbm>> -> memref<200xi32, #tpu.memory_space<hbm>>
    tpu.wait_dma2 semaphore(%arg15 : memref<!tpu.dma_semaphore, #tpu.memory_space<semaphore_mem>>) src(%dma_wait3A_52 : memref<200xi32, #tpu.memory_space<hbm>>) dst(%arg8 : memref<200xi32, #tpu.memory_space<vmem>>)
    %dma_start3A_53 = arith.constant 0 : i32
    %dma_start3A_54 = arith.constant 0 : i32
    %dma_start3A_55 = tpu.memref_slice %arg12[%dma_start3A_53, %dma_start3A_54] : memref<200x128xf32, #tpu.memory_space<vmem>> -> memref<128x128xf32, #tpu.memory_space<vmem>>
    %dma_start3A_56 = arith.constant 0 : i32
    %dma_start3A_57 = tpu.memref_slice %arg8[%dma_start3A_56] : memref<200xi32, #tpu.memory_space<vmem>> -> memref<128xi32, #tpu.memory_space<vmem>>
    %dma_start3A_58 = arith.constant 0 : i32
    %dma_start3A_59 = arith.constant 0 : i32
    %dma_start3A_60 = tpu.memref_slice %arg3[%dma_start3A_58, %dma_start3A_59] : memref<100000x128xf32, #tpu.memory_space<hbm>> -> memref<100000x128xf32, #tpu.memory_space<hbm>>
    tpu.enqueue_indirect_dma source(%dma_start3A_60 : memref<100000x128xf32, #tpu.memory_space<hbm>>) target(%dma_start3A_55 : memref<128x128xf32, #tpu.memory_space<vmem>>) offsets(%dma_start3A_57 : memref<128xi32, #tpu.memory_space<vmem>>) semaphore(%arg16 : memref<!tpu.dma_semaphore, #tpu.memory_space<semaphore_mem>>)
    %dma_start3A_61 = arith.constant 128 : i32
    %dma_start3A_62 = arith.constant 0 : i32
    %dma_start3A_63 = tpu.memref_slice %arg12[%dma_start3A_61, %dma_start3A_62] : memref<200x128xf32, #tpu.memory_space<vmem>> -> memref<72x128xf32, #tpu.memory_space<vmem>>
    %dma_start3A_64 = arith.constant 128 : i32
    %dma_start3A_65 = tpu.memref_slice %arg8[%dma_start3A_64] : memref<200xi32, #tpu.memory_space<vmem>> -> memref<72xi32, #tpu.memory_space<vmem>>
    %dma_start3A_66 = arith.constant 0 : i32
    %dma_start3A_67 = arith.constant 0 : i32
    %dma_start3A_68 = tpu.memref_slice %arg3[%dma_start3A_66, %dma_start3A_67] : memref<100000x128xf32, #tpu.memory_space<hbm>> -> memref<100000x128xf32, #tpu.memory_space<hbm>>
    tpu.enqueue_indirect_dma source(%dma_start3A_68 : memref<100000x128xf32, #tpu.memory_space<hbm>>) target(%dma_start3A_63 : memref<72x128xf32, #tpu.memory_space<vmem>>) offsets(%dma_start3A_65 : memref<72xi32, #tpu.memory_space<vmem>>) semaphore(%arg16 : memref<!tpu.dma_semaphore, #tpu.memory_space<semaphore_mem>>)
    tpu.wait_dma2 semaphore(%arg17 : memref<!tpu.dma_semaphore, #tpu.memory_space<semaphore_mem>>) src(%arg4 : memref<200x128xf32, #tpu.memory_space<hbm>>) dst(%arg6 : memref<200x128xf32, #tpu.memory_space<vmem>>)
    %add3A_69 = arith.constant 3 : i32
    %add3A_70 = arith.addi %mul3A_2, %add3A_69 : i32
    %dma_start3A_71 = arith.constant 0 : i32
    %dma_start3A_72 = tpu.memref_slice %arg2[%add3A_70, %dma_start3A_71] : memref<1024x200xi32, #tpu.memory_space<hbm>> -> memref<1x200xi32, #tpu.memory_space<hbm>>
    %dma_start3A_73 = tpu.memref_squeeze %dma_start3A_72 : memref<1x200xi32, #tpu.memory_space<hbm>> -> memref<200xi32, #tpu.memory_space<hbm>>
    %dma_start3A_74 = arith.constant 0 : i32
    %dma_start3A_75 = tpu.memref_slice %arg2[%add3A_70, %dma_start3A_74] : memref<1024x200xi32, #tpu.memory_space<hbm>> -> memref<1x200xi32, #tpu.memory_space<hbm>>
    %dma_start3A_76 = tpu.memref_squeeze %dma_start3A_75 : memref<1x200xi32, #tpu.memory_space<hbm>> -> memref<200xi32, #tpu.memory_space<hbm>>
    tpu.enqueue_dma source(%dma_start3A_76 : memref<200xi32, #tpu.memory_space<hbm>>) target(%arg10 : memref<200xi32, #tpu.memory_space<vmem>>) target_semaphore(%arg15 : memref<!tpu.dma_semaphore, #tpu.memory_space<semaphore_mem>>)
    %dma_wait3A_77 = arith.constant 0 : i32
    %dma_wait3A_78 = tpu.memref_slice %arg2[%mul3A_2, %dma_wait3A_77] : memref<1024x200xi32, #tpu.memory_space<hbm>> -> memref<1x200xi32, #tpu.memory_space<hbm>>
    %dma_wait3A_79 = tpu.memref_squeeze %dma_wait3A_78 : memref<1x200xi32, #tpu.memory_space<hbm>> -> memref<200xi32, #tpu.memory_space<hbm>>
    %dma_wait3A_80 = arith.constant 0 : i32
    %dma_wait3A_81 = tpu.memref_slice %arg2[%mul3A_2, %dma_wait3A_80] : memref<1024x200xi32, #tpu.memory_space<hbm>> -> memref<1x200xi32, #tpu.memory_space<hbm>>
    %dma_wait3A_82 = tpu.memref_squeeze %dma_wait3A_81 : memref<1x200xi32, #tpu.memory_space<hbm>> -> memref<200xi32, #tpu.memory_space<hbm>>
    tpu.wait_dma2 semaphore(%arg15 : memref<!tpu.dma_semaphore, #tpu.memory_space<semaphore_mem>>) src(%dma_wait3A_82 : memref<200xi32, #tpu.memory_space<hbm>>) dst(%arg9 : memref<200xi32, #tpu.memory_space<vmem>>)
    %dma_start3A_83 = arith.constant 0 : i32
    %dma_start3A_84 = arith.constant 0 : i32
    %dma_start3A_85 = tpu.memref_slice %arg13[%dma_start3A_83, %dma_start3A_84] : memref<200x128xf32, #tpu.memory_space<vmem>> -> memref<128x128xf32, #tpu.memory_space<vmem>>
    %dma_start3A_86 = arith.constant 0 : i32
    %dma_start3A_87 = tpu.memref_slice %arg9[%dma_start3A_86] : memref<200xi32, #tpu.memory_space<vmem>> -> memref<128xi32, #tpu.memory_space<vmem>>
    %dma_start3A_88 = arith.constant 0 : i32
    %dma_start3A_89 = arith.constant 0 : i32
    %dma_start3A_90 = tpu.memref_slice %arg3[%dma_start3A_88, %dma_start3A_89] : memref<100000x128xf32, #tpu.memory_space<hbm>> -> memref<100000x128xf32, #tpu.memory_space<hbm>>
    tpu.enqueue_indirect_dma source(%dma_start3A_90 : memref<100000x128xf32, #tpu.memory_space<hbm>>) target(%dma_start3A_85 : memref<128x128xf32, #tpu.memory_space<vmem>>) offsets(%dma_start3A_87 : memref<128xi32, #tpu.memory_space<vmem>>) semaphore(%arg16 : memref<!tpu.dma_semaphore, #tpu.memory_space<semaphore_mem>>)
    %dma_start3A_91 = arith.constant 128 : i32
    %dma_start3A_92 = arith.constant 0 : i32
    %dma_start3A_93 = tpu.memref_slice %arg13[%dma_start3A_91, %dma_start3A_92] : memref<200x128xf32, #tpu.memory_space<vmem>> -> memref<72x128xf32, #tpu.memory_space<vmem>>
    %dma_start3A_94 = arith.constant 128 : i32
    %dma_start3A_95 = tpu.memref_slice %arg9[%dma_start3A_94] : memref<200xi32, #tpu.memory_space<vmem>> -> memref<72xi32, #tpu.memory_space<vmem>>
    %dma_start3A_96 = arith.constant 0 : i32
    %dma_start3A_97 = arith.constant 0 : i32
    %dma_start3A_98 = tpu.memref_slice %arg3[%dma_start3A_96, %dma_start3A_97] : memref<100000x128xf32, #tpu.memory_space<hbm>> -> memref<100000x128xf32, #tpu.memory_space<hbm>>
    tpu.enqueue_indirect_dma source(%dma_start3A_98 : memref<100000x128xf32, #tpu.memory_space<hbm>>) target(%dma_start3A_93 : memref<72x128xf32, #tpu.memory_space<vmem>>) offsets(%dma_start3A_95 : memref<72xi32, #tpu.memory_space<vmem>>) semaphore(%arg16 : memref<!tpu.dma_semaphore, #tpu.memory_space<semaphore_mem>>)
    %dma_wait3A_99 = arith.constant 0 : i32
    %dma_wait3A_100 = arith.constant 0 : i32
    %dma_wait3A_101 = tpu.memref_slice %arg11[%dma_wait3A_99, %dma_wait3A_100] : memref<200x128xf32, #tpu.memory_space<vmem>> -> memref<128x128xf32, #tpu.memory_space<vmem>>
    %dma_wait3A_102 = arith.constant 0 : i32
    %dma_wait3A_103 = tpu.memref_slice %arg7[%dma_wait3A_102] : memref<200xi32, #tpu.memory_space<vmem>> -> memref<128xi32, #tpu.memory_space<vmem>>
    %dma_wait3A_104 = arith.constant 0 : i32
    %dma_wait3A_105 = arith.constant 0 : i32
    %dma_wait3A_106 = tpu.memref_slice %arg3[%dma_wait3A_104, %dma_wait3A_105] : memref<100000x128xf32, #tpu.memory_space<hbm>> -> memref<100000x128xf32, #tpu.memory_space<hbm>>
    tpu.wait_indirect_dma semaphore(%arg16 : memref<!tpu.dma_semaphore, #tpu.memory_space<semaphore_mem>>) src(%dma_wait3A_106 : memref<100000x128xf32, #tpu.memory_space<hbm>>) dst(%dma_wait3A_101 : memref<128x128xf32, #tpu.memory_space<vmem>>)
    %dma_wait3A_107 = arith.constant 128 : i32
    %dma_wait3A_108 = arith.constant 0 : i32
    %dma_wait3A_109 = tpu.memref_slice %arg11[%dma_wait3A_107, %dma_wait3A_108] : memref<200x128xf32, #tpu.memory_space<vmem>> -> memref<72x128xf32, #tpu.memory_space<vmem>>
    %dma_wait3A_110 = arith.constant 128 : i32
    %dma_wait3A_111 = tpu.memref_slice %arg7[%dma_wait3A_110] : memref<200xi32, #tpu.memory_space<vmem>> -> memref<72xi32, #tpu.memory_space<vmem>>
    %dma_wait3A_112 = arith.constant 0 : i32
    %dma_wait3A_113 = arith.constant 0 : i32
    %dma_wait3A_114 = tpu.memref_slice %arg3[%dma_wait3A_112, %dma_wait3A_113] : memref<100000x128xf32, #tpu.memory_space<hbm>> -> memref<100000x128xf32, #tpu.memory_space<hbm>>
    tpu.wait_indirect_dma semaphore(%arg16 : memref<!tpu.dma_semaphore, #tpu.memory_space<semaphore_mem>>) src(%dma_wait3A_114 : memref<100000x128xf32, #tpu.memory_space<hbm>>) dst(%dma_wait3A_109 : memref<72x128xf32, #tpu.memory_space<vmem>>)
    %scan3A = arith.constant 0 : i32
    %scan3A_115 = arith.constant 0 : i32
    %scan3A_116 = arith.constant 200 : i32
    %scan3A_117 = arith.addi %scan3A_115, %scan3A_116 : i32
    %scan3A_118 = arith.constant 1 : i32
    scf.for %scan3A_566 = %scan3A_115 to %scan3A_117 step %scan3A_118  : i32 {
      %get3A = arith.index_cast %scan3A_566 : i32 to index
      %get3A_567 = arith.constant 0 : index
      %get3A_568 = tpu.vector_load %arg11[%get3A, %get3A_567] {strides = array<i32>} : memref<200x128xf32, #tpu.memory_space<vmem>>, vector<1x16xf32>,
      %get3A_569 = vector.shape_cast %get3A_568 : vector<1x16xf32> to vector<16xf32>
      %get3A_570 = arith.index_cast %scan3A_566 : i32 to index
      %get3A_571 = arith.constant 0 : index
      %get3A_572 = tpu.vector_load %arg6[%get3A_570, %get3A_571] {strides = array<i32>} : memref<200x128xf32, #tpu.memory_space<vmem>>, vector<1x16xf32>,
      %get3A_573 = vector.shape_cast %get3A_572 : vector<1x16xf32> to vector<16xf32>
      %add3A_574 = arith.addf %get3A_569, %get3A_573 : vector<16xf32>
      %swap3A = arith.index_cast %scan3A_566 : i32 to index
      %swap3A_575 = arith.constant 0 : index
      %swap3A_576 = tpu.vector_load %arg11[%swap3A, %swap3A_575] {strides = array<i32>} : memref<200x128xf32, #tpu.memory_space<vmem>>, vector<1x16xf32>,
      %swap3A_577 = vector.shape_cast %swap3A_576 : vector<1x16xf32> to vector<16xf32>
      %swap3A_578 = vector.shape_cast %add3A_574 : vector<16xf32> to vector<1x16xf32>
      tpu.vector_store %arg11[%swap3A, %swap3A_575], %swap3A_578 {strides = array<i32>} : memref<200x128xf32, #tpu.memory_space<vmem>>, vector<1x16xf32>,
      %get3A_579 = arith.index_cast %scan3A_566 : i32 to index
      %get3A_580 = arith.constant 16 : index
      %get3A_581 = tpu.vector_load %arg11[%get3A_579, %get3A_580] {strides = array<i32>} : memref<200x128xf32, #tpu.memory_space<vmem>>, vector<1x16xf32>,
      %get3A_582 = vector.shape_cast %get3A_581 : vector<1x16xf32> to vector<16xf32>
      %get3A_583 = arith.index_cast %scan3A_566 : i32 to index
      %get3A_584 = arith.constant 16 : index
      %get3A_585 = tpu.vector_load %arg6[%get3A_583, %get3A_584] {strides = array<i32>} : memref<200x128xf32, #tpu.memory_space<vmem>>, vector<1x16xf32>,
      %get3A_586 = vector.shape_cast %get3A_585 : vector<1x16xf32> to vector<16xf32>
      %add3A_587 = arith.addf %get3A_582, %get3A_586 : vector<16xf32>
      %swap3A_588 = arith.index_cast %scan3A_566 : i32 to index
      %swap3A_589 = arith.constant 16 : index
      %swap3A_590 = tpu.vector_load %arg11[%swap3A_588, %swap3A_589] {strides = array<i32>} : memref<200x128xf32, #tpu.memory_space<vmem>>, vector<1x16xf32>,
      %swap3A_591 = vector.shape_cast %swap3A_590 : vector<1x16xf32> to vector<16xf32>
      %swap3A_592 = vector.shape_cast %add3A_587 : vector<16xf32> to vector<1x16xf32>
      tpu.vector_store %arg11[%swap3A_588, %swap3A_589], %swap3A_592 {strides = array<i32>} : memref<200x128xf32, #tpu.memory_space<vmem>>, vector<1x16xf32>,
      %get3A_593 = arith.index_cast %scan3A_566 : i32 to index
      %get3A_594 = arith.constant 32 : index
      %get3A_595 = tpu.vector_load %arg11[%get3A_593, %get3A_594] {strides = array<i32>} : memref<200x128xf32, #tpu.memory_space<vmem>>, vector<1x16xf32>,
      %get3A_596 = vector.shape_cast %get3A_595 : vector<1x16xf32> to vector<16xf32>
      %get3A_597 = arith.index_cast %scan3A_566 : i32 to index
      %get3A_598 = arith.constant 32 : index
      %get3A_599 = tpu.vector_load %arg6[%get3A_597, %get3A_598] {strides = array<i32>} : memref<200x128xf32, #tpu.memory_space<vmem>>, vector<1x16xf32>,
      %get3A_600 = vector.shape_cast %get3A_599 : vector<1x16xf32> to vector<16xf32>
      %add3A_601 = arith.addf %get3A_596, %get3A_600 : vector<16xf32>
      %swap3A_602 = arith.index_cast %scan3A_566 : i32 to index
      %swap3A_603 = arith.constant 32 : index
      %swap3A_604 = tpu.vector_load %arg11[%swap3A_602, %swap3A_603] {strides = array<i32>} : memref<200x128xf32, #tpu.memory_space<vmem>>, vector<1x16xf32>,
      %swap3A_605 = vector.shape_cast %swap3A_604 : vector<1x16xf32> to vector<16xf32>
      %swap3A_606 = vector.shape_cast %add3A_601 : vector<16xf32> to vector<1x16xf32>
      tpu.vector_store %arg11[%swap3A_602, %swap3A_603], %swap3A_606 {strides = array<i32>} : memref<200x128xf32, #tpu.memory_space<vmem>>, vector<1x16xf32>,
      %get3A_607 = arith.index_cast %scan3A_566 : i32 to index
      %get3A_608 = arith.constant 48 : index
      %get3A_609 = tpu.vector_load %arg11[%get3A_607, %get3A_608] {strides = array<i32>} : memref<200x128xf32, #tpu.memory_space<vmem>>, vector<1x16xf32>,
      %get3A_610 = vector.shape_cast %get3A_609 : vector<1x16xf32> to vector<16xf32>
      %get3A_611 = arith.index_cast %scan3A_566 : i32 to index
      %get3A_612 = arith.constant 48 : index
      %get3A_613 = tpu.vector_load %arg6[%get3A_611, %get3A_612] {strides = array<i32>} : memref<200x128xf32, #tpu.memory_space<vmem>>, vector<1x16xf32>,
      %get3A_614 = vector.shape_cast %get3A_613 : vector<1x16xf32> to vector<16xf32>
      %add3A_615 = arith.addf %get3A_610, %get3A_614 : vector<16xf32>
      %swap3A_616 = arith.index_cast %scan3A_566 : i32 to index
      %swap3A_617 = arith.constant 48 : index
      %swap3A_618 = tpu.vector_load %arg11[%swap3A_616, %swap3A_617] {strides = array<i32>} : memref<200x128xf32, #tpu.memory_space<vmem>>, vector<1x16xf32>,
      %swap3A_619 = vector.shape_cast %swap3A_618 : vector<1x16xf32> to vector<16xf32>
      %swap3A_620 = vector.shape_cast %add3A_615 : vector<16xf32> to vector<1x16xf32>
      tpu.vector_store %arg11[%swap3A_616, %swap3A_617], %swap3A_620 {strides = array<i32>} : memref<200x128xf32, #tpu.memory_space<vmem>>, vector<1x16xf32>,
      %get3A_621 = arith.index_cast %scan3A_566 : i32 to index
      %get3A_622 = arith.constant 64 : index
      %get3A_623 = tpu.vector_load %arg11[%get3A_621, %get3A_622] {strides = array<i32>} : memref<200x128xf32, #tpu.memory_space<vmem>>, vector<1x16xf32>,
      %get3A_624 = vector.shape_cast %get3A_623 : vector<1x16xf32> to vector<16xf32>
      %get3A_625 = arith.index_cast %scan3A_566 : i32 to index
      %get3A_626 = arith.constant 64 : index
      %get3A_627 = tpu.vector_load %arg6[%get3A_625, %get3A_626] {strides = array<i32>} : memref<200x128xf32, #tpu.memory_space<vmem>>, vector<1x16xf32>,
      %get3A_628 = vector.shape_cast %get3A_627 : vector<1x16xf32> to vector<16xf32>
      %add3A_629 = arith.addf %get3A_624, %get3A_628 : vector<16xf32>
      %swap3A_630 = arith.index_cast %scan3A_566 : i32 to index
      %swap3A_631 = arith.constant 64 : index
      %swap3A_632 = tpu.vector_load %arg11[%swap3A_630, %swap3A_631] {strides = array<i32>} : memref<200x128xf32, #tpu.memory_space<vmem>>, vector<1x16xf32>,
      %swap3A_633 = vector.shape_cast %swap3A_632 : vector<1x16xf32> to vector<16xf32>
      %swap3A_634 = vector.shape_cast %add3A_629 : vector<16xf32> to vector<1x16xf32>
      tpu.vector_store %arg11[%swap3A_630, %swap3A_631], %swap3A_634 {strides = array<i32>} : memref<200x128xf32, #tpu.memory_space<vmem>>, vector<1x16xf32>,
      %get3A_635 = arith.index_cast %scan3A_566 : i32 to index
      %get3A_636 = arith.constant 80 : index
      %get3A_637 = tpu.vector_load %arg11[%get3A_635, %get3A_636] {strides = array<i32>} : memref<200x128xf32, #tpu.memory_space<vmem>>, vector<1x16xf32>,
      %get3A_638 = vector.shape_cast %get3A_637 : vector<1x16xf32> to vector<16xf32>
      %get3A_639 = arith.index_cast %scan3A_566 : i32 to index
      %get3A_640 = arith.constant 80 : index
      %get3A_641 = tpu.vector_load %arg6[%get3A_639, %get3A_640] {strides = array<i32>} : memref<200x128xf32, #tpu.memory_space<vmem>>, vector<1x16xf32>,
      %get3A_642 = vector.shape_cast %get3A_641 : vector<1x16xf32> to vector<16xf32>
      %add3A_643 = arith.addf %get3A_638, %get3A_642 : vector<16xf32>
      %swap3A_644 = arith.index_cast %scan3A_566 : i32 to index
      %swap3A_645 = arith.constant 80 : index
      %swap3A_646 = tpu.vector_load %arg11[%swap3A_644, %swap3A_645] {strides = array<i32>} : memref<200x128xf32, #tpu.memory_space<vmem>>, vector<1x16xf32>,
      %swap3A_647 = vector.shape_cast %swap3A_646 : vector<1x16xf32> to vector<16xf32>
      %swap3A_648 = vector.shape_cast %add3A_643 : vector<16xf32> to vector<1x16xf32>
      tpu.vector_store %arg11[%swap3A_644, %swap3A_645], %swap3A_648 {strides = array<i32>} : memref<200x128xf32, #tpu.memory_space<vmem>>, vector<1x16xf32>,
      %get3A_649 = arith.index_cast %scan3A_566 : i32 to index
      %get3A_650 = arith.constant 96 : index
      %get3A_651 = tpu.vector_load %arg11[%get3A_649, %get3A_650] {strides = array<i32>} : memref<200x128xf32, #tpu.memory_space<vmem>>, vector<1x16xf32>,
      %get3A_652 = vector.shape_cast %get3A_651 : vector<1x16xf32> to vector<16xf32>
      %get3A_653 = arith.index_cast %scan3A_566 : i32 to index
      %get3A_654 = arith.constant 96 : index
      %get3A_655 = tpu.vector_load %arg6[%get3A_653, %get3A_654] {strides = array<i32>} : memref<200x128xf32, #tpu.memory_space<vmem>>, vector<1x16xf32>,
      %get3A_656 = vector.shape_cast %get3A_655 : vector<1x16xf32> to vector<16xf32>
      %add3A_657 = arith.addf %get3A_652, %get3A_656 : vector<16xf32>
      %swap3A_658 = arith.index_cast %scan3A_566 : i32 to index
      %swap3A_659 = arith.constant 96 : index
      %swap3A_660 = tpu.vector_load %arg11[%swap3A_658, %swap3A_659] {strides = array<i32>} : memref<200x128xf32, #tpu.memory_space<vmem>>, vector<1x16xf32>,
      %swap3A_661 = vector.shape_cast %swap3A_660 : vector<1x16xf32> to vector<16xf32>
      %swap3A_662 = vector.shape_cast %add3A_657 : vector<16xf32> to vector<1x16xf32>
      tpu.vector_store %arg11[%swap3A_658, %swap3A_659], %swap3A_662 {strides = array<i32>} : memref<200x128xf32, #tpu.memory_space<vmem>>, vector<1x16xf32>,
      %get3A_663 = arith.index_cast %scan3A_566 : i32 to index
      %get3A_664 = arith.constant 112 : index
      %get3A_665 = tpu.vector_load %arg11[%get3A_663, %get3A_664] {strides = array<i32>} : memref<200x128xf32, #tpu.memory_space<vmem>>, vector<1x16xf32>,
      %get3A_666 = vector.shape_cast %get3A_665 : vector<1x16xf32> to vector<16xf32>
      %get3A_667 = arith.index_cast %scan3A_566 : i32 to index
      %get3A_668 = arith.constant 112 : index
      %get3A_669 = tpu.vector_load %arg6[%get3A_667, %get3A_668] {strides = array<i32>} : memref<200x128xf32, #tpu.memory_space<vmem>>, vector<1x16xf32>,
      %get3A_670 = vector.shape_cast %get3A_669 : vector<1x16xf32> to vector<16xf32>
      %add3A_671 = arith.addf %get3A_666, %get3A_670 : vector<16xf32>
      %swap3A_672 = arith.index_cast %scan3A_566 : i32 to index
      %swap3A_673 = arith.constant 112 : index
      %swap3A_674 = tpu.vector_load %arg11[%swap3A_672, %swap3A_673] {strides = array<i32>} : memref<200x128xf32, #tpu.memory_space<vmem>>, vector<1x16xf32>,
      %swap3A_675 = vector.shape_cast %swap3A_674 : vector<1x16xf32> to vector<16xf32>
      %swap3A_676 = vector.shape_cast %add3A_671 : vector<16xf32> to vector<1x16xf32>
      tpu.vector_store %arg11[%swap3A_672, %swap3A_673], %swap3A_676 {strides = array<i32>} : memref<200x128xf32, #tpu.memory_space<vmem>>, vector<1x16xf32>,
    }
    %scan3A_119 = arith.constant 200 : i32
    %add3A_120 = arith.constant 0 : i32
    %add3A_121 = arith.addi %mul3A_2, %add3A_120 : i32
    %dma_start3A_122 = arith.constant 0 : i32
    %dma_start3A_123 = arith.constant 0 : i32
    %dma_start3A_124 = tpu.memref_slice %arg5[%add3A_121, %dma_start3A_122, %dma_start3A_123] : memref<1024x200x128xf32, #tpu.memory_space<hbm>> -> memref<1x200x128xf32, #tpu.memory_space<hbm>>
    %dma_start3A_125 = tpu.memref_squeeze %dma_start3A_124 : memref<1x200x128xf32, #tpu.memory_space<hbm>> -> memref<200x128xf32, #tpu.memory_space<hbm>>
    %dma_start3A_126 = arith.constant 0 : i32
    %dma_start3A_127 = arith.constant 0 : i32
    %dma_start3A_128 = tpu.memref_slice %arg5[%add3A_121, %dma_start3A_126, %dma_start3A_127] : memref<1024x200x128xf32, #tpu.memory_space<hbm>> -> memref<1x200x128xf32, #tpu.memory_space<hbm>>
    %dma_start3A_129 = tpu.memref_squeeze %dma_start3A_128 : memref<1x200x128xf32, #tpu.memory_space<hbm>> -> memref<200x128xf32, #tpu.memory_space<hbm>>
    tpu.enqueue_dma source(%arg11 : memref<200x128xf32, #tpu.memory_space<vmem>>) target(%dma_start3A_129 : memref<200x128xf32, #tpu.memory_space<hbm>>) target_semaphore(%arg17 : memref<!tpu.dma_semaphore, #tpu.memory_space<semaphore_mem>>)
    %add3A_130 = arith.constant 4 : i32
    %add3A_131 = arith.addi %mul3A_2, %add3A_130 : i32
    %dma_start3A_132 = arith.constant 0 : i32
    %dma_start3A_133 = tpu.memref_slice %arg2[%add3A_131, %dma_start3A_132] : memref<1024x200xi32, #tpu.memory_space<hbm>> -> memref<1x200xi32, #tpu.memory_space<hbm>>
    %dma_start3A_134 = tpu.memref_squeeze %dma_start3A_133 : memref<1x200xi32, #tpu.memory_space<hbm>> -> memref<200xi32, #tpu.memory_space<hbm>>
    %dma_start3A_135 = arith.constant 0 : i32
    %dma_start3A_136 = tpu.memref_slice %arg2[%add3A_131, %dma_start3A_135] : memref<1024x200xi32, #tpu.memory_space<hbm>> -> memref<1x200xi32, #tpu.memory_space<hbm>>
    %dma_start3A_137 = tpu.memref_squeeze %dma_start3A_136 : memref<1x200xi32, #tpu.memory_space<hbm>> -> memref<200xi32, #tpu.memory_space<hbm>>
    tpu.enqueue_dma source(%dma_start3A_137 : memref<200xi32, #tpu.memory_space<hbm>>) target(%arg7 : memref<200xi32, #tpu.memory_space<vmem>>) target_semaphore(%arg15 : memref<!tpu.dma_semaphore, #tpu.memory_space<semaphore_mem>>)
    %dma_wait3A_138 = arith.constant 0 : i32
    %dma_wait3A_139 = tpu.memref_slice %arg2[%mul3A_2, %dma_wait3A_138] : memref<1024x200xi32, #tpu.memory_space<hbm>> -> memref<1x200xi32, #tpu.memory_space<hbm>>
    %dma_wait3A_140 = tpu.memref_squeeze %dma_wait3A_139 : memref<1x200xi32, #tpu.memory_space<hbm>> -> memref<200xi32, #tpu.memory_space<hbm>>
    %dma_wait3A_141 = arith.constant 0 : i32
    %dma_wait3A_142 = tpu.memref_slice %arg2[%mul3A_2, %dma_wait3A_141] : memref<1024x200xi32, #tpu.memory_space<hbm>> -> memref<1x200xi32, #tpu.memory_space<hbm>>
    %dma_wait3A_143 = tpu.memref_squeeze %dma_wait3A_142 : memref<1x200xi32, #tpu.memory_space<hbm>> -> memref<200xi32, #tpu.memory_space<hbm>>
    tpu.wait_dma2 semaphore(%arg15 : memref<!tpu.dma_semaphore, #tpu.memory_space<semaphore_mem>>) src(%dma_wait3A_143 : memref<200xi32, #tpu.memory_space<hbm>>) dst(%arg10 : memref<200xi32, #tpu.memory_space<vmem>>)
    %dma_start3A_144 = arith.constant 0 : i32
    %dma_start3A_145 = arith.constant 0 : i32
    %dma_start3A_146 = tpu.memref_slice %arg14[%dma_start3A_144, %dma_start3A_145] : memref<200x128xf32, #tpu.memory_space<vmem>> -> memref<128x128xf32, #tpu.memory_space<vmem>>
    %dma_start3A_147 = arith.constant 0 : i32
    %dma_start3A_148 = tpu.memref_slice %arg10[%dma_start3A_147] : memref<200xi32, #tpu.memory_space<vmem>> -> memref<128xi32, #tpu.memory_space<vmem>>
    %dma_start3A_149 = arith.constant 0 : i32
    %dma_start3A_150 = arith.constant 0 : i32
    %dma_start3A_151 = tpu.memref_slice %arg3[%dma_start3A_149, %dma_start3A_150] : memref<100000x128xf32, #tpu.memory_space<hbm>> -> memref<100000x128xf32, #tpu.memory_space<hbm>>
    tpu.enqueue_indirect_dma source(%dma_start3A_151 : memref<100000x128xf32, #tpu.memory_space<hbm>>) target(%dma_start3A_146 : memref<128x128xf32, #tpu.memory_space<vmem>>) offsets(%dma_start3A_148 : memref<128xi32, #tpu.memory_space<vmem>>) semaphore(%arg16 : memref<!tpu.dma_semaphore, #tpu.memory_space<semaphore_mem>>)
    %dma_start3A_152 = arith.constant 128 : i32
    %dma_start3A_153 = arith.constant 0 : i32
    %dma_start3A_154 = tpu.memref_slice %arg14[%dma_start3A_152, %dma_start3A_153] : memref<200x128xf32, #tpu.memory_space<vmem>> -> memref<72x128xf32, #tpu.memory_space<vmem>>
    %dma_start3A_155 = arith.constant 128 : i32
    %dma_start3A_156 = tpu.memref_slice %arg10[%dma_start3A_155] : memref<200xi32, #tpu.memory_space<vmem>> -> memref<72xi32, #tpu.memory_space<vmem>>
    %dma_start3A_157 = arith.constant 0 : i32
    %dma_start3A_158 = arith.constant 0 : i32
    %dma_start3A_159 = tpu.memref_slice %arg3[%dma_start3A_157, %dma_start3A_158] : memref<100000x128xf32, #tpu.memory_space<hbm>> -> memref<100000x128xf32, #tpu.memory_space<hbm>>
    tpu.enqueue_indirect_dma source(%dma_start3A_159 : memref<100000x128xf32, #tpu.memory_space<hbm>>) target(%dma_start3A_154 : memref<72x128xf32, #tpu.memory_space<vmem>>) offsets(%dma_start3A_156 : memref<72xi32, #tpu.memory_space<vmem>>) semaphore(%arg16 : memref<!tpu.dma_semaphore, #tpu.memory_space<semaphore_mem>>)
    %dma_wait3A_160 = arith.constant 0 : i32
    %dma_wait3A_161 = arith.constant 0 : i32
    %dma_wait3A_162 = tpu.memref_slice %arg12[%dma_wait3A_160, %dma_wait3A_161] : memref<200x128xf32, #tpu.memory_space<vmem>> -> memref<128x128xf32, #tpu.memory_space<vmem>>
    %dma_wait3A_163 = arith.constant 0 : i32
    %dma_wait3A_164 = tpu.memref_slice %arg8[%dma_wait3A_163] : memref<200xi32, #tpu.memory_space<vmem>> -> memref<128xi32, #tpu.memory_space<vmem>>
    %dma_wait3A_165 = arith.constant 0 : i32
    %dma_wait3A_166 = arith.constant 0 : i32
    %dma_wait3A_167 = tpu.memref_slice %arg3[%dma_wait3A_165, %dma_wait3A_166] : memref<100000x128xf32, #tpu.memory_space<hbm>> -> memref<100000x128xf32, #tpu.memory_space<hbm>>
    tpu.wait_indirect_dma semaphore(%arg16 : memref<!tpu.dma_semaphore, #tpu.memory_space<semaphore_mem>>) src(%dma_wait3A_167 : memref<100000x128xf32, #tpu.memory_space<hbm>>) dst(%dma_wait3A_162 : memref<128x128xf32, #tpu.memory_space<vmem>>)
    %dma_wait3A_168 = arith.constant 128 : i32
    %dma_wait3A_169 = arith.constant 0 : i32
    %dma_wait3A_170 = tpu.memref_slice %arg12[%dma_wait3A_168, %dma_wait3A_169] : memref<200x128xf32, #tpu.memory_space<vmem>> -> memref<72x128xf32, #tpu.memory_space<vmem>>
    %dma_wait3A_171 = arith.constant 128 : i32
    %dma_wait3A_172 = tpu.memref_slice %arg8[%dma_wait3A_171] : memref<200xi32, #tpu.memory_space<vmem>> -> memref<72xi32, #tpu.memory_space<vmem>>
    %dma_wait3A_173 = arith.constant 0 : i32
    %dma_wait3A_174 = arith.constant 0 : i32
    %dma_wait3A_175 = tpu.memref_slice %arg3[%dma_wait3A_173, %dma_wait3A_174] : memref<100000x128xf32, #tpu.memory_space<hbm>> -> memref<100000x128xf32, #tpu.memory_space<hbm>>
    tpu.wait_indirect_dma semaphore(%arg16 : memref<!tpu.dma_semaphore, #tpu.memory_space<semaphore_mem>>) src(%dma_wait3A_175 : memref<100000x128xf32, #tpu.memory_space<hbm>>) dst(%dma_wait3A_170 : memref<72x128xf32, #tpu.memory_space<vmem>>)
    %scan3A_176 = arith.constant 0 : i32
    %scan3A_177 = arith.constant 0 : i32
    %scan3A_178 = arith.constant 200 : i32
    %scan3A_179 = arith.addi %scan3A_177, %scan3A_178 : i32
    %scan3A_180 = arith.constant 1 : i32
    scf.for %scan3A_566 = %scan3A_177 to %scan3A_179 step %scan3A_180  : i32 {
      %get3A = arith.index_cast %scan3A_566 : i32 to index
      %get3A_567 = arith.constant 0 : index
      %get3A_568 = tpu.vector_load %arg12[%get3A, %get3A_567] {strides = array<i32>} : memref<200x128xf32, #tpu.memory_space<vmem>>, vector<1x16xf32>,
      %get3A_569 = vector.shape_cast %get3A_568 : vector<1x16xf32> to vector<16xf32>
      %get3A_570 = arith.index_cast %scan3A_566 : i32 to index
      %get3A_571 = arith.constant 0 : index
      %get3A_572 = tpu.vector_load %arg6[%get3A_570, %get3A_571] {strides = array<i32>} : memref<200x128xf32, #tpu.memory_space<vmem>>, vector<1x16xf32>,
      %get3A_573 = vector.shape_cast %get3A_572 : vector<1x16xf32> to vector<16xf32>
      %add3A_574 = arith.addf %get3A_569, %get3A_573 : vector<16xf32>
      %swap3A = arith.index_cast %scan3A_566 : i32 to index
      %swap3A_575 = arith.constant 0 : index
      %swap3A_576 = tpu.vector_load %arg12[%swap3A, %swap3A_575] {strides = array<i32>} : memref<200x128xf32, #tpu.memory_space<vmem>>, vector<1x16xf32>,
      %swap3A_577 = vector.shape_cast %swap3A_576 : vector<1x16xf32> to vector<16xf32>
      %swap3A_578 = vector.shape_cast %add3A_574 : vector<16xf32> to vector<1x16xf32>
      tpu.vector_store %arg12[%swap3A, %swap3A_575], %swap3A_578 {strides = array<i32>} : memref<200x128xf32, #tpu.memory_space<vmem>>, vector<1x16xf32>,
      %get3A_579 = arith.index_cast %scan3A_566 : i32 to index
      %get3A_580 = arith.constant 16 : index
      %get3A_581 = tpu.vector_load %arg12[%get3A_579, %get3A_580] {strides = array<i32>} : memref<200x128xf32, #tpu.memory_space<vmem>>, vector<1x16xf32>,
      %get3A_582 = vector.shape_cast %get3A_581 : vector<1x16xf32> to vector<16xf32>
      %get3A_583 = arith.index_cast %scan3A_566 : i32 to index
      %get3A_584 = arith.constant 16 : index
      %get3A_585 = tpu.vector_load %arg6[%get3A_583, %get3A_584] {strides = array<i32>} : memref<200x128xf32, #tpu.memory_space<vmem>>, vector<1x16xf32>,
      %get3A_586 = vector.shape_cast %get3A_585 : vector<1x16xf32> to vector<16xf32>
      %add3A_587 = arith.addf %get3A_582, %get3A_586 : vector<16xf32>
      %swap3A_588 = arith.index_cast %scan3A_566 : i32 to index
      %swap3A_589 = arith.constant 16 : index
      %swap3A_590 = tpu.vector_load %arg12[%swap3A_588, %swap3A_589] {strides = array<i32>} : memref<200x128xf32, #tpu.memory_space<vmem>>, vector<1x16xf32>,
      %swap3A_591 = vector.shape_cast %swap3A_590 : vector<1x16xf32> to vector<16xf32>
      %swap3A_592 = vector.shape_cast %add3A_587 : vector<16xf32> to vector<1x16xf32>
      tpu.vector_store %arg12[%swap3A_588, %swap3A_589], %swap3A_592 {strides = array<i32>} : memref<200x128xf32, #tpu.memory_space<vmem>>, vector<1x16xf32>,
      %get3A_593 = arith.index_cast %scan3A_566 : i32 to index
      %get3A_594 = arith.constant 32 : index
      %get3A_595 = tpu.vector_load %arg12[%get3A_593, %get3A_594] {strides = array<i32>} : memref<200x128xf32, #tpu.memory_space<vmem>>, vector<1x16xf32>,
      %get3A_596 = vector.shape_cast %get3A_595 : vector<1x16xf32> to vector<16xf32>
      %get3A_597 = arith.index_cast %scan3A_566 : i32 to index
      %get3A_598 = arith.constant 32 : index
      %get3A_599 = tpu.vector_load %arg6[%get3A_597, %get3A_598] {strides = array<i32>} : memref<200x128xf32, #tpu.memory_space<vmem>>, vector<1x16xf32>,
      %get3A_600 = vector.shape_cast %get3A_599 : vector<1x16xf32> to vector<16xf32>
      %add3A_601 = arith.addf %get3A_596, %get3A_600 : vector<16xf32>
      %swap3A_602 = arith.index_cast %scan3A_566 : i32 to index
      %swap3A_603 = arith.constant 32 : index
      %swap3A_604 = tpu.vector_load %arg12[%swap3A_602, %swap3A_603] {strides = array<i32>} : memref<200x128xf32, #tpu.memory_space<vmem>>, vector<1x16xf32>,
      %swap3A_605 = vector.shape_cast %swap3A_604 : vector<1x16xf32> to vector<16xf32>
      %swap3A_606 = vector.shape_cast %add3A_601 : vector<16xf32> to vector<1x16xf32>
      tpu.vector_store %arg12[%swap3A_602, %swap3A_603], %swap3A_606 {strides = array<i32>} : memref<200x128xf32, #tpu.memory_space<vmem>>, vector<1x16xf32>,
      %get3A_607 = arith.index_cast %scan3A_566 : i32 to index
      %get3A_608 = arith.constant 48 : index
      %get3A_609 = tpu.vector_load %arg12[%get3A_607, %get3A_608] {strides = array<i32>} : memref<200x128xf32, #tpu.memory_space<vmem>>, vector<1x16xf32>,
      %get3A_610 = vector.shape_cast %get3A_609 : vector<1x16xf32> to vector<16xf32>
      %get3A_611 = arith.index_cast %scan3A_566 : i32 to index
      %get3A_612 = arith.constant 48 : index
      %get3A_613 = tpu.vector_load %arg6[%get3A_611, %get3A_612] {strides = array<i32>} : memref<200x128xf32, #tpu.memory_space<vmem>>, vector<1x16xf32>,
      %get3A_614 = vector.shape_cast %get3A_613 : vector<1x16xf32> to vector<16xf32>
      %add3A_615 = arith.addf %get3A_610, %get3A_614 : vector<16xf32>
      %swap3A_616 = arith.index_cast %scan3A_566 : i32 to index
      %swap3A_617 = arith.constant 48 : index
      %swap3A_618 = tpu.vector_load %arg12[%swap3A_616, %swap3A_617] {strides = array<i32>} : memref<200x128xf32, #tpu.memory_space<vmem>>, vector<1x16xf32>,
      %swap3A_619 = vector.shape_cast %swap3A_618 : vector<1x16xf32> to vector<16xf32>
      %swap3A_620 = vector.shape_cast %add3A_615 : vector<16xf32> to vector<1x16xf32>
      tpu.vector_store %arg12[%swap3A_616, %swap3A_617], %swap3A_620 {strides = array<i32>} : memref<200x128xf32, #tpu.memory_space<vmem>>, vector<1x16xf32>,
      %get3A_621 = arith.index_cast %scan3A_566 : i32 to index
      %get3A_622 = arith.constant 64 : index
      %get3A_623 = tpu.vector_load %arg12[%get3A_621, %get3A_622] {strides = array<i32>} : memref<200x128xf32, #tpu.memory_space<vmem>>, vector<1x16xf32>,
      %get3A_624 = vector.shape_cast %get3A_623 : vector<1x16xf32> to vector<16xf32>
      %get3A_625 = arith.index_cast %scan3A_566 : i32 to index
      %get3A_626 = arith.constant 64 : index
      %get3A_627 = tpu.vector_load %arg6[%get3A_625, %get3A_626] {strides = array<i32>} : memref<200x128xf32, #tpu.memory_space<vmem>>, vector<1x16xf32>,
      %get3A_628 = vector.shape_cast %get3A_627 : vector<1x16xf32> to vector<16xf32>
      %add3A_629 = arith.addf %get3A_624, %get3A_628 : vector<16xf32>
      %swap3A_630 = arith.index_cast %scan3A_566 : i32 to index
      %swap3A_631 = arith.constant 64 : index
      %swap3A_632 = tpu.vector_load %arg12[%swap3A_630, %swap3A_631] {strides = array<i32>} : memref<200x128xf32, #tpu.memory_space<vmem>>, vector<1x16xf32>,
      %swap3A_633 = vector.shape_cast %swap3A_632 : vector<1x16xf32> to vector<16xf32>
      %swap3A_634 = vector.shape_cast %add3A_629 : vector<16xf32> to vector<1x16xf32>
      tpu.vector_store %arg12[%swap3A_630, %swap3A_631], %swap3A_634 {strides = array<i32>} : memref<200x128xf32, #tpu.memory_space<vmem>>, vector<1x16xf32>,
      %get3A_635 = arith.index_cast %scan3A_566 : i32 to index
      %get3A_636 = arith.constant 80 : index
      %get3A_637 = tpu.vector_load %arg12[%get3A_635, %get3A_636] {strides = array<i32>} : memref<200x128xf32, #tpu.memory_space<vmem>>, vector<1x16xf32>,
      %get3A_638 = vector.shape_cast %get3A_637 : vector<1x16xf32> to vector<16xf32>
      %get3A_639 = arith.index_cast %scan3A_566 : i32 to index
      %get3A_640 = arith.constant 80 : index
      %get3A_641 = tpu.vector_load %arg6[%get3A_639, %get3A_640] {strides = array<i32>} : memref<200x128xf32, #tpu.memory_space<vmem>>, vector<1x16xf32>,
      %get3A_642 = vector.shape_cast %get3A_641 : vector<1x16xf32> to vector<16xf32>
      %add3A_643 = arith.addf %get3A_638, %get3A_642 : vector<16xf32>
      %swap3A_644 = arith.index_cast %scan3A_566 : i32 to index
      %swap3A_645 = arith.constant 80 : index
      %swap3A_646 = tpu.vector_load %arg12[%swap3A_644, %swap3A_645] {strides = array<i32>} : memref<200x128xf32, #tpu.memory_space<vmem>>, vector<1x16xf32>,
      %swap3A_647 = vector.shape_cast %swap3A_646 : vector<1x16xf32> to vector<16xf32>
      %swap3A_648 = vector.shape_cast %add3A_643 : vector<16xf32> to vector<1x16xf32>
      tpu.vector_store %arg12[%swap3A_644, %swap3A_645], %swap3A_648 {strides = array<i32>} : memref<200x128xf32, #tpu.memory_space<vmem>>, vector<1x16xf32>,
      %get3A_649 = arith.index_cast %scan3A_566 : i32 to index
      %get3A_650 = arith.constant 96 : index
      %get3A_651 = tpu.vector_load %arg12[%get3A_649, %get3A_650] {strides = array<i32>} : memref<200x128xf32, #tpu.memory_space<vmem>>, vector<1x16xf32>,
      %get3A_652 = vector.shape_cast %get3A_651 : vector<1x16xf32> to vector<16xf32>
      %get3A_653 = arith.index_cast %scan3A_566 : i32 to index
      %get3A_654 = arith.constant 96 : index
      %get3A_655 = tpu.vector_load %arg6[%get3A_653, %get3A_654] {strides = array<i32>} : memref<200x128xf32, #tpu.memory_space<vmem>>, vector<1x16xf32>,
      %get3A_656 = vector.shape_cast %get3A_655 : vector<1x16xf32> to vector<16xf32>
      %add3A_657 = arith.addf %get3A_652, %get3A_656 : vector<16xf32>
      %swap3A_658 = arith.index_cast %scan3A_566 : i32 to index
      %swap3A_659 = arith.constant 96 : index
      %swap3A_660 = tpu.vector_load %arg12[%swap3A_658, %swap3A_659] {strides = array<i32>} : memref<200x128xf32, #tpu.memory_space<vmem>>, vector<1x16xf32>,
      %swap3A_661 = vector.shape_cast %swap3A_660 : vector<1x16xf32> to vector<16xf32>
      %swap3A_662 = vector.shape_cast %add3A_657 : vector<16xf32> to vector<1x16xf32>
      tpu.vector_store %arg12[%swap3A_658, %swap3A_659], %swap3A_662 {strides = array<i32>} : memref<200x128xf32, #tpu.memory_space<vmem>>, vector<1x16xf32>,
      %get3A_663 = arith.index_cast %scan3A_566 : i32 to index
      %get3A_664 = arith.constant 112 : index
      %get3A_665 = tpu.vector_load %arg12[%get3A_663, %get3A_664] {strides = array<i32>} : memref<200x128xf32, #tpu.memory_space<vmem>>, vector<1x16xf32>,
      %get3A_666 = vector.shape_cast %get3A_665 : vector<1x16xf32> to vector<16xf32>
      %get3A_667 = arith.index_cast %scan3A_566 : i32 to index
      %get3A_668 = arith.constant 112 : index
      %get3A_669 = tpu.vector_load %arg6[%get3A_667, %get3A_668] {strides = array<i32>} : memref<200x128xf32, #tpu.memory_space<vmem>>, vector<1x16xf32>,
      %get3A_670 = vector.shape_cast %get3A_669 : vector<1x16xf32> to vector<16xf32>
      %add3A_671 = arith.addf %get3A_666, %get3A_670 : vector<16xf32>
      %swap3A_672 = arith.index_cast %scan3A_566 : i32 to index
      %swap3A_673 = arith.constant 112 : index
      %swap3A_674 = tpu.vector_load %arg12[%swap3A_672, %swap3A_673] {strides = array<i32>} : memref<200x128xf32, #tpu.memory_space<vmem>>, vector<1x16xf32>,
      %swap3A_675 = vector.shape_cast %swap3A_674 : vector<1x16xf32> to vector<16xf32>
      %swap3A_676 = vector.shape_cast %add3A_671 : vector<16xf32> to vector<1x16xf32>
      tpu.vector_store %arg12[%swap3A_672, %swap3A_673], %swap3A_676 {strides = array<i32>} : memref<200x128xf32, #tpu.memory_space<vmem>>, vector<1x16xf32>,
    }
    %scan3A_181 = arith.constant 200 : i32
    %add3A_182 = arith.constant 1 : i32
    %add3A_183 = arith.addi %mul3A_2, %add3A_182 : i32
    %dma_start3A_184 = arith.constant 0 : i32
    %dma_start3A_185 = arith.constant 0 : i32
    %dma_start3A_186 = tpu.memref_slice %arg5[%add3A_183, %dma_start3A_184, %dma_start3A_185] : memref<1024x200x128xf32, #tpu.memory_space<hbm>> -> memref<1x200x128xf32, #tpu.memory_space<hbm>>
    %dma_start3A_187 = tpu.memref_squeeze %dma_start3A_186 : memref<1x200x128xf32, #tpu.memory_space<hbm>> -> memref<200x128xf32, #tpu.memory_space<hbm>>
    %dma_start3A_188 = arith.constant 0 : i32
    %dma_start3A_189 = arith.constant 0 : i32
    %dma_start3A_190 = tpu.memref_slice %arg5[%add3A_183, %dma_start3A_188, %dma_start3A_189] : memref<1024x200x128xf32, #tpu.memory_space<hbm>> -> memref<1x200x128xf32, #tpu.memory_space<hbm>>
    %dma_start3A_191 = tpu.memref_squeeze %dma_start3A_190 : memref<1x200x128xf32, #tpu.memory_space<hbm>> -> memref<200x128xf32, #tpu.memory_space<hbm>>
    tpu.enqueue_dma source(%arg12 : memref<200x128xf32, #tpu.memory_space<vmem>>) target(%dma_start3A_191 : memref<200x128xf32, #tpu.memory_space<hbm>>) target_semaphore(%arg17 : memref<!tpu.dma_semaphore, #tpu.memory_space<semaphore_mem>>)
    %add3A_192 = arith.constant 5 : i32
    %add3A_193 = arith.addi %mul3A_2, %add3A_192 : i32
    %dma_start3A_194 = arith.constant 0 : i32
    %dma_start3A_195 = tpu.memref_slice %arg2[%add3A_193, %dma_start3A_194] : memref<1024x200xi32, #tpu.memory_space<hbm>> -> memref<1x200xi32, #tpu.memory_space<hbm>>
    %dma_start3A_196 = tpu.memref_squeeze %dma_start3A_195 : memref<1x200xi32, #tpu.memory_space<hbm>> -> memref<200xi32, #tpu.memory_space<hbm>>
    %dma_start3A_197 = arith.constant 0 : i32
    %dma_start3A_198 = tpu.memref_slice %arg2[%add3A_193, %dma_start3A_197] : memref<1024x200xi32, #tpu.memory_space<hbm>> -> memref<1x200xi32, #tpu.memory_space<hbm>>
    %dma_start3A_199 = tpu.memref_squeeze %dma_start3A_198 : memref<1x200xi32, #tpu.memory_space<hbm>> -> memref<200xi32, #tpu.memory_space<hbm>>
    tpu.enqueue_dma source(%dma_start3A_199 : memref<200xi32, #tpu.memory_space<hbm>>) target(%arg8 : memref<200xi32, #tpu.memory_space<vmem>>) target_semaphore(%arg15 : memref<!tpu.dma_semaphore, #tpu.memory_space<semaphore_mem>>)
    %dma_wait3A_200 = arith.constant 0 : i32
    %dma_wait3A_201 = arith.constant 0 : i32
    %dma_wait3A_202 = tpu.memref_slice %arg5[%mul3A_2, %dma_wait3A_200, %dma_wait3A_201] : memref<1024x200x128xf32, #tpu.memory_space<hbm>> -> memref<1x200x128xf32, #tpu.memory_space<hbm>>
    %dma_wait3A_203 = tpu.memref_squeeze %dma_wait3A_202 : memref<1x200x128xf32, #tpu.memory_space<hbm>> -> memref<200x128xf32, #tpu.memory_space<hbm>>
    %dma_wait3A_204 = arith.constant 0 : i32
    %dma_wait3A_205 = arith.constant 0 : i32
    %dma_wait3A_206 = tpu.memref_slice %arg5[%mul3A_2, %dma_wait3A_204, %dma_wait3A_205] : memref<1024x200x128xf32, #tpu.memory_space<hbm>> -> memref<1x200x128xf32, #tpu.memory_space<hbm>>
    %dma_wait3A_207 = tpu.memref_squeeze %dma_wait3A_206 : memref<1x200x128xf32, #tpu.memory_space<hbm>> -> memref<200x128xf32, #tpu.memory_space<hbm>>
    tpu.wait_dma2 semaphore(%arg17 : memref<!tpu.dma_semaphore, #tpu.memory_space<semaphore_mem>>) src(%arg11 : memref<200x128xf32, #tpu.memory_space<vmem>>) dst(%dma_wait3A_207 : memref<200x128xf32, #tpu.memory_space<hbm>>)
    %dma_wait3A_208 = arith.constant 0 : i32
    %dma_wait3A_209 = tpu.memref_slice %arg2[%mul3A_2, %dma_wait3A_208] : memref<1024x200xi32, #tpu.memory_space<hbm>> -> memref<1x200xi32, #tpu.memory_space<hbm>>
    %dma_wait3A_210 = tpu.memref_squeeze %dma_wait3A_209 : memref<1x200xi32, #tpu.memory_space<hbm>> -> memref<200xi32, #tpu.memory_space<hbm>>
    %dma_wait3A_211 = arith.constant 0 : i32
    %dma_wait3A_212 = tpu.memref_slice %arg2[%mul3A_2, %dma_wait3A_211] : memref<1024x200xi32, #tpu.memory_space<hbm>> -> memref<1x200xi32, #tpu.memory_space<hbm>>
    %dma_wait3A_213 = tpu.memref_squeeze %dma_wait3A_212 : memref<1x200xi32, #tpu.memory_space<hbm>> -> memref<200xi32, #tpu.memory_space<hbm>>
    tpu.wait_dma2 semaphore(%arg15 : memref<!tpu.dma_semaphore, #tpu.memory_space<semaphore_mem>>) src(%dma_wait3A_213 : memref<200xi32, #tpu.memory_space<hbm>>) dst(%arg7 : memref<200xi32, #tpu.memory_space<vmem>>)
    %dma_start3A_214 = arith.constant 0 : i32
    %dma_start3A_215 = arith.constant 0 : i32
    %dma_start3A_216 = tpu.memref_slice %arg11[%dma_start3A_214, %dma_start3A_215] : memref<200x128xf32, #tpu.memory_space<vmem>> -> memref<128x128xf32, #tpu.memory_space<vmem>>
    %dma_start3A_217 = arith.constant 0 : i32
    %dma_start3A_218 = tpu.memref_slice %arg7[%dma_start3A_217] : memref<200xi32, #tpu.memory_space<vmem>> -> memref<128xi32, #tpu.memory_space<vmem>>
    %dma_start3A_219 = arith.constant 0 : i32
    %dma_start3A_220 = arith.constant 0 : i32
    %dma_start3A_221 = tpu.memref_slice %arg3[%dma_start3A_219, %dma_start3A_220] : memref<100000x128xf32, #tpu.memory_space<hbm>> -> memref<100000x128xf32, #tpu.memory_space<hbm>>
    tpu.enqueue_indirect_dma source(%dma_start3A_221 : memref<100000x128xf32, #tpu.memory_space<hbm>>) target(%dma_start3A_216 : memref<128x128xf32, #tpu.memory_space<vmem>>) offsets(%dma_start3A_218 : memref<128xi32, #tpu.memory_space<vmem>>) semaphore(%arg16 : memref<!tpu.dma_semaphore, #tpu.memory_space<semaphore_mem>>)
    %dma_start3A_222 = arith.constant 128 : i32
    %dma_start3A_223 = arith.constant 0 : i32
    %dma_start3A_224 = tpu.memref_slice %arg11[%dma_start3A_222, %dma_start3A_223] : memref<200x128xf32, #tpu.memory_space<vmem>> -> memref<72x128xf32, #tpu.memory_space<vmem>>
    %dma_start3A_225 = arith.constant 128 : i32
    %dma_start3A_226 = tpu.memref_slice %arg7[%dma_start3A_225] : memref<200xi32, #tpu.memory_space<vmem>> -> memref<72xi32, #tpu.memory_space<vmem>>
    %dma_start3A_227 = arith.constant 0 : i32
    %dma_start3A_228 = arith.constant 0 : i32
    %dma_start3A_229 = tpu.memref_slice %arg3[%dma_start3A_227, %dma_start3A_228] : memref<100000x128xf32, #tpu.memory_space<hbm>> -> memref<100000x128xf32, #tpu.memory_space<hbm>>
    tpu.enqueue_indirect_dma source(%dma_start3A_229 : memref<100000x128xf32, #tpu.memory_space<hbm>>) target(%dma_start3A_224 : memref<72x128xf32, #tpu.memory_space<vmem>>) offsets(%dma_start3A_226 : memref<72xi32, #tpu.memory_space<vmem>>) semaphore(%arg16 : memref<!tpu.dma_semaphore, #tpu.memory_space<semaphore_mem>>)
    %dma_wait3A_230 = arith.constant 0 : i32
    %dma_wait3A_231 = arith.constant 0 : i32
    %dma_wait3A_232 = tpu.memref_slice %arg13[%dma_wait3A_230, %dma_wait3A_231] : memref<200x128xf32, #tpu.memory_space<vmem>> -> memref<128x128xf32, #tpu.memory_space<vmem>>
    %dma_wait3A_233 = arith.constant 0 : i32
    %dma_wait3A_234 = tpu.memref_slice %arg9[%dma_wait3A_233] : memref<200xi32, #tpu.memory_space<vmem>> -> memref<128xi32, #tpu.memory_space<vmem>>
    %dma_wait3A_235 = arith.constant 0 : i32
    %dma_wait3A_236 = arith.constant 0 : i32
    %dma_wait3A_237 = tpu.memref_slice %arg3[%dma_wait3A_235, %dma_wait3A_236] : memref<100000x128xf32, #tpu.memory_space<hbm>> -> memref<100000x128xf32, #tpu.memory_space<hbm>>
    tpu.wait_indirect_dma semaphore(%arg16 : memref<!tpu.dma_semaphore, #tpu.memory_space<semaphore_mem>>) src(%dma_wait3A_237 : memref<100000x128xf32, #tpu.memory_space<hbm>>) dst(%dma_wait3A_232 : memref<128x128xf32, #tpu.memory_space<vmem>>)
    %dma_wait3A_238 = arith.constant 128 : i32
    %dma_wait3A_239 = arith.constant 0 : i32
    %dma_wait3A_240 = tpu.memref_slice %arg13[%dma_wait3A_238, %dma_wait3A_239] : memref<200x128xf32, #tpu.memory_space<vmem>> -> memref<72x128xf32, #tpu.memory_space<vmem>>
    %dma_wait3A_241 = arith.constant 128 : i32
    %dma_wait3A_242 = tpu.memref_slice %arg9[%dma_wait3A_241] : memref<200xi32, #tpu.memory_space<vmem>> -> memref<72xi32, #tpu.memory_space<vmem>>
    %dma_wait3A_243 = arith.constant 0 : i32
    %dma_wait3A_244 = arith.constant 0 : i32
    %dma_wait3A_245 = tpu.memref_slice %arg3[%dma_wait3A_243, %dma_wait3A_244] : memref<100000x128xf32, #tpu.memory_space<hbm>> -> memref<100000x128xf32, #tpu.memory_space<hbm>>
    tpu.wait_indirect_dma semaphore(%arg16 : memref<!tpu.dma_semaphore, #tpu.memory_space<semaphore_mem>>) src(%dma_wait3A_245 : memref<100000x128xf32, #tpu.memory_space<hbm>>) dst(%dma_wait3A_240 : memref<72x128xf32, #tpu.memory_space<vmem>>)
    %scan3A_246 = arith.constant 0 : i32
    %scan3A_247 = arith.constant 0 : i32
    %scan3A_248 = arith.constant 200 : i32
    %scan3A_249 = arith.addi %scan3A_247, %scan3A_248 : i32
    %scan3A_250 = arith.constant 1 : i32
    scf.for %scan3A_566 = %scan3A_247 to %scan3A_249 step %scan3A_250  : i32 {
      %get3A = arith.index_cast %scan3A_566 : i32 to index
      %get3A_567 = arith.constant 0 : index
      %get3A_568 = tpu.vector_load %arg13[%get3A, %get3A_567] {strides = array<i32>} : memref<200x128xf32, #tpu.memory_space<vmem>>, vector<1x16xf32>,
      %get3A_569 = vector.shape_cast %get3A_568 : vector<1x16xf32> to vector<16xf32>
      %get3A_570 = arith.index_cast %scan3A_566 : i32 to index
      %get3A_571 = arith.constant 0 : index
      %get3A_572 = tpu.vector_load %arg6[%get3A_570, %get3A_571] {strides = array<i32>} : memref<200x128xf32, #tpu.memory_space<vmem>>, vector<1x16xf32>,
      %get3A_573 = vector.shape_cast %get3A_572 : vector<1x16xf32> to vector<16xf32>
      %add3A_574 = arith.addf %get3A_569, %get3A_573 : vector<16xf32>
      %swap3A = arith.index_cast %scan3A_566 : i32 to index
      %swap3A_575 = arith.constant 0 : index
      %swap3A_576 = tpu.vector_load %arg13[%swap3A, %swap3A_575] {strides = array<i32>} : memref<200x128xf32, #tpu.memory_space<vmem>>, vector<1x16xf32>,
      %swap3A_577 = vector.shape_cast %swap3A_576 : vector<1x16xf32> to vector<16xf32>
      %swap3A_578 = vector.shape_cast %add3A_574 : vector<16xf32> to vector<1x16xf32>
      tpu.vector_store %arg13[%swap3A, %swap3A_575], %swap3A_578 {strides = array<i32>} : memref<200x128xf32, #tpu.memory_space<vmem>>, vector<1x16xf32>,
      %get3A_579 = arith.index_cast %scan3A_566 : i32 to index
      %get3A_580 = arith.constant 16 : index
      %get3A_581 = tpu.vector_load %arg13[%get3A_579, %get3A_580] {strides = array<i32>} : memref<200x128xf32, #tpu.memory_space<vmem>>, vector<1x16xf32>,
      %get3A_582 = vector.shape_cast %get3A_581 : vector<1x16xf32> to vector<16xf32>
      %get3A_583 = arith.index_cast %scan3A_566 : i32 to index
      %get3A_584 = arith.constant 16 : index
      %get3A_585 = tpu.vector_load %arg6[%get3A_583, %get3A_584] {strides = array<i32>} : memref<200x128xf32, #tpu.memory_space<vmem>>, vector<1x16xf32>,
      %get3A_586 = vector.shape_cast %get3A_585 : vector<1x16xf32> to vector<16xf32>
      %add3A_587 = arith.addf %get3A_582, %get3A_586 : vector<16xf32>
      %swap3A_588 = arith.index_cast %scan3A_566 : i32 to index
      %swap3A_589 = arith.constant 16 : index
      %swap3A_590 = tpu.vector_load %arg13[%swap3A_588, %swap3A_589] {strides = array<i32>} : memref<200x128xf32, #tpu.memory_space<vmem>>, vector<1x16xf32>,
      %swap3A_591 = vector.shape_cast %swap3A_590 : vector<1x16xf32> to vector<16xf32>
      %swap3A_592 = vector.shape_cast %add3A_587 : vector<16xf32> to vector<1x16xf32>
      tpu.vector_store %arg13[%swap3A_588, %swap3A_589], %swap3A_592 {strides = array<i32>} : memref<200x128xf32, #tpu.memory_space<vmem>>, vector<1x16xf32>,
      %get3A_593 = arith.index_cast %scan3A_566 : i32 to index
      %get3A_594 = arith.constant 32 : index
      %get3A_595 = tpu.vector_load %arg13[%get3A_593, %get3A_594] {strides = array<i32>} : memref<200x128xf32, #tpu.memory_space<vmem>>, vector<1x16xf32>,
      %get3A_596 = vector.shape_cast %get3A_595 : vector<1x16xf32> to vector<16xf32>
      %get3A_597 = arith.index_cast %scan3A_566 : i32 to index
      %get3A_598 = arith.constant 32 : index
      %get3A_599 = tpu.vector_load %arg6[%get3A_597, %get3A_598] {strides = array<i32>} : memref<200x128xf32, #tpu.memory_space<vmem>>, vector<1x16xf32>,
      %get3A_600 = vector.shape_cast %get3A_599 : vector<1x16xf32> to vector<16xf32>
      %add3A_601 = arith.addf %get3A_596, %get3A_600 : vector<16xf32>
      %swap3A_602 = arith.index_cast %scan3A_566 : i32 to index
      %swap3A_603 = arith.constant 32 : index
      %swap3A_604 = tpu.vector_load %arg13[%swap3A_602, %swap3A_603] {strides = array<i32>} : memref<200x128xf32, #tpu.memory_space<vmem>>, vector<1x16xf32>,
      %swap3A_605 = vector.shape_cast %swap3A_604 : vector<1x16xf32> to vector<16xf32>
      %swap3A_606 = vector.shape_cast %add3A_601 : vector<16xf32> to vector<1x16xf32>
      tpu.vector_store %arg13[%swap3A_602, %swap3A_603], %swap3A_606 {strides = array<i32>} : memref<200x128xf32, #tpu.memory_space<vmem>>, vector<1x16xf32>,
      %get3A_607 = arith.index_cast %scan3A_566 : i32 to index
      %get3A_608 = arith.constant 48 : index
      %get3A_609 = tpu.vector_load %arg13[%get3A_607, %get3A_608] {strides = array<i32>} : memref<200x128xf32, #tpu.memory_space<vmem>>, vector<1x16xf32>,
      %get3A_610 = vector.shape_cast %get3A_609 : vector<1x16xf32> to vector<16xf32>
      %get3A_611 = arith.index_cast %scan3A_566 : i32 to index
      %get3A_612 = arith.constant 48 : index
      %get3A_613 = tpu.vector_load %arg6[%get3A_611, %get3A_612] {strides = array<i32>} : memref<200x128xf32, #tpu.memory_space<vmem>>, vector<1x16xf32>,
      %get3A_614 = vector.shape_cast %get3A_613 : vector<1x16xf32> to vector<16xf32>
      %add3A_615 = arith.addf %get3A_610, %get3A_614 : vector<16xf32>
      %swap3A_616 = arith.index_cast %scan3A_566 : i32 to index
      %swap3A_617 = arith.constant 48 : index
      %swap3A_618 = tpu.vector_load %arg13[%swap3A_616, %swap3A_617] {strides = array<i32>} : memref<200x128xf32, #tpu.memory_space<vmem>>, vector<1x16xf32>,
      %swap3A_619 = vector.shape_cast %swap3A_618 : vector<1x16xf32> to vector<16xf32>
      %swap3A_620 = vector.shape_cast %add3A_615 : vector<16xf32> to vector<1x16xf32>
      tpu.vector_store %arg13[%swap3A_616, %swap3A_617], %swap3A_620 {strides = array<i32>} : memref<200x128xf32, #tpu.memory_space<vmem>>, vector<1x16xf32>,
      %get3A_621 = arith.index_cast %scan3A_566 : i32 to index
      %get3A_622 = arith.constant 64 : index
      %get3A_623 = tpu.vector_load %arg13[%get3A_621, %get3A_622] {strides = array<i32>} : memref<200x128xf32, #tpu.memory_space<vmem>>, vector<1x16xf32>,
      %get3A_624 = vector.shape_cast %get3A_623 : vector<1x16xf32> to vector<16xf32>
      %get3A_625 = arith.index_cast %scan3A_566 : i32 to index
      %get3A_626 = arith.constant 64 : index
      %get3A_627 = tpu.vector_load %arg6[%get3A_625, %get3A_626] {strides = array<i32>} : memref<200x128xf32, #tpu.memory_space<vmem>>, vector<1x16xf32>,
      %get3A_628 = vector.shape_cast %get3A_627 : vector<1x16xf32> to vector<16xf32>
      %add3A_629 = arith.addf %get3A_624, %get3A_628 : vector<16xf32>
      %swap3A_630 = arith.index_cast %scan3A_566 : i32 to index
      %swap3A_631 = arith.constant 64 : index
      %swap3A_632 = tpu.vector_load %arg13[%swap3A_630, %swap3A_631] {strides = array<i32>} : memref<200x128xf32, #tpu.memory_space<vmem>>, vector<1x16xf32>,
      %swap3A_633 = vector.shape_cast %swap3A_632 : vector<1x16xf32> to vector<16xf32>
      %swap3A_634 = vector.shape_cast %add3A_629 : vector<16xf32> to vector<1x16xf32>
      tpu.vector_store %arg13[%swap3A_630, %swap3A_631], %swap3A_634 {strides = array<i32>} : memref<200x128xf32, #tpu.memory_space<vmem>>, vector<1x16xf32>,
      %get3A_635 = arith.index_cast %scan3A_566 : i32 to index
      %get3A_636 = arith.constant 80 : index
      %get3A_637 = tpu.vector_load %arg13[%get3A_635, %get3A_636] {strides = array<i32>} : memref<200x128xf32, #tpu.memory_space<vmem>>, vector<1x16xf32>,
      %get3A_638 = vector.shape_cast %get3A_637 : vector<1x16xf32> to vector<16xf32>
      %get3A_639 = arith.index_cast %scan3A_566 : i32 to index
      %get3A_640 = arith.constant 80 : index
      %get3A_641 = tpu.vector_load %arg6[%get3A_639, %get3A_640] {strides = array<i32>} : memref<200x128xf32, #tpu.memory_space<vmem>>, vector<1x16xf32>,
      %get3A_642 = vector.shape_cast %get3A_641 : vector<1x16xf32> to vector<16xf32>
      %add3A_643 = arith.addf %get3A_638, %get3A_642 : vector<16xf32>
      %swap3A_644 = arith.index_cast %scan3A_566 : i32 to index
      %swap3A_645 = arith.constant 80 : index
      %swap3A_646 = tpu.vector_load %arg13[%swap3A_644, %swap3A_645] {strides = array<i32>} : memref<200x128xf32, #tpu.memory_space<vmem>>, vector<1x16xf32>,
      %swap3A_647 = vector.shape_cast %swap3A_646 : vector<1x16xf32> to vector<16xf32>
      %swap3A_648 = vector.shape_cast %add3A_643 : vector<16xf32> to vector<1x16xf32>
      tpu.vector_store %arg13[%swap3A_644, %swap3A_645], %swap3A_648 {strides = array<i32>} : memref<200x128xf32, #tpu.memory_space<vmem>>, vector<1x16xf32>,
      %get3A_649 = arith.index_cast %scan3A_566 : i32 to index
      %get3A_650 = arith.constant 96 : index
      %get3A_651 = tpu.vector_load %arg13[%get3A_649, %get3A_650] {strides = array<i32>} : memref<200x128xf32, #tpu.memory_space<vmem>>, vector<1x16xf32>,
      %get3A_652 = vector.shape_cast %get3A_651 : vector<1x16xf32> to vector<16xf32>
      %get3A_653 = arith.index_cast %scan3A_566 : i32 to index
      %get3A_654 = arith.constant 96 : index
      %get3A_655 = tpu.vector_load %arg6[%get3A_653, %get3A_654] {strides = array<i32>} : memref<200x128xf32, #tpu.memory_space<vmem>>, vector<1x16xf32>,
      %get3A_656 = vector.shape_cast %get3A_655 : vector<1x16xf32> to vector<16xf32>
      %add3A_657 = arith.addf %get3A_652, %get3A_656 : vector<16xf32>
      %swap3A_658 = arith.index_cast %scan3A_566 : i32 to index
      %swap3A_659 = arith.constant 96 : index
      %swap3A_660 = tpu.vector_load %arg13[%swap3A_658, %swap3A_659] {strides = array<i32>} : memref<200x128xf32, #tpu.memory_space<vmem>>, vector<1x16xf32>,
      %swap3A_661 = vector.shape_cast %swap3A_660 : vector<1x16xf32> to vector<16xf32>
      %swap3A_662 = vector.shape_cast %add3A_657 : vector<16xf32> to vector<1x16xf32>
      tpu.vector_store %arg13[%swap3A_658, %swap3A_659], %swap3A_662 {strides = array<i32>} : memref<200x128xf32, #tpu.memory_space<vmem>>, vector<1x16xf32>,
      %get3A_663 = arith.index_cast %scan3A_566 : i32 to index
      %get3A_664 = arith.constant 112 : index
      %get3A_665 = tpu.vector_load %arg13[%get3A_663, %get3A_664] {strides = array<i32>} : memref<200x128xf32, #tpu.memory_space<vmem>>, vector<1x16xf32>,
      %get3A_666 = vector.shape_cast %get3A_665 : vector<1x16xf32> to vector<16xf32>
      %get3A_667 = arith.index_cast %scan3A_566 : i32 to index
      %get3A_668 = arith.constant 112 : index
      %get3A_669 = tpu.vector_load %arg6[%get3A_667, %get3A_668] {strides = array<i32>} : memref<200x128xf32, #tpu.memory_space<vmem>>, vector<1x16xf32>,
      %get3A_670 = vector.shape_cast %get3A_669 : vector<1x16xf32> to vector<16xf32>
      %add3A_671 = arith.addf %get3A_666, %get3A_670 : vector<16xf32>
      %swap3A_672 = arith.index_cast %scan3A_566 : i32 to index
      %swap3A_673 = arith.constant 112 : index
      %swap3A_674 = tpu.vector_load %arg13[%swap3A_672, %swap3A_673] {strides = array<i32>} : memref<200x128xf32, #tpu.memory_space<vmem>>, vector<1x16xf32>,
      %swap3A_675 = vector.shape_cast %swap3A_674 : vector<1x16xf32> to vector<16xf32>
      %swap3A_676 = vector.shape_cast %add3A_671 : vector<16xf32> to vector<1x16xf32>
      tpu.vector_store %arg13[%swap3A_672, %swap3A_673], %swap3A_676 {strides = array<i32>} : memref<200x128xf32, #tpu.memory_space<vmem>>, vector<1x16xf32>,
    }
    %scan3A_251 = arith.constant 200 : i32
    %add3A_252 = arith.constant 2 : i32
    %add3A_253 = arith.addi %mul3A_2, %add3A_252 : i32
    %dma_start3A_254 = arith.constant 0 : i32
    %dma_start3A_255 = arith.constant 0 : i32
    %dma_start3A_256 = tpu.memref_slice %arg5[%add3A_253, %dma_start3A_254, %dma_start3A_255] : memref<1024x200x128xf32, #tpu.memory_space<hbm>> -> memref<1x200x128xf32, #tpu.memory_space<hbm>>
    %dma_start3A_257 = tpu.memref_squeeze %dma_start3A_256 : memref<1x200x128xf32, #tpu.memory_space<hbm>> -> memref<200x128xf32, #tpu.memory_space<hbm>>
    %dma_start3A_258 = arith.constant 0 : i32
    %dma_start3A_259 = arith.constant 0 : i32
    %dma_start3A_260 = tpu.memref_slice %arg5[%add3A_253, %dma_start3A_258, %dma_start3A_259] : memref<1024x200x128xf32, #tpu.memory_space<hbm>> -> memref<1x200x128xf32, #tpu.memory_space<hbm>>
    %dma_start3A_261 = tpu.memref_squeeze %dma_start3A_260 : memref<1x200x128xf32, #tpu.memory_space<hbm>> -> memref<200x128xf32, #tpu.memory_space<hbm>>
    tpu.enqueue_dma source(%arg13 : memref<200x128xf32, #tpu.memory_space<vmem>>) target(%dma_start3A_261 : memref<200x128xf32, #tpu.memory_space<hbm>>) target_semaphore(%arg17 : memref<!tpu.dma_semaphore, #tpu.memory_space<semaphore_mem>>)
    %add3A_262 = arith.constant 6 : i32
    %add3A_263 = arith.addi %mul3A_2, %add3A_262 : i32
    %dma_start3A_264 = arith.constant 0 : i32
    %dma_start3A_265 = tpu.memref_slice %arg2[%add3A_263, %dma_start3A_264] : memref<1024x200xi32, #tpu.memory_space<hbm>> -> memref<1x200xi32, #tpu.memory_space<hbm>>
    %dma_start3A_266 = tpu.memref_squeeze %dma_start3A_265 : memref<1x200xi32, #tpu.memory_space<hbm>> -> memref<200xi32, #tpu.memory_space<hbm>>
    %dma_start3A_267 = arith.constant 0 : i32
    %dma_start3A_268 = tpu.memref_slice %arg2[%add3A_263, %dma_start3A_267] : memref<1024x200xi32, #tpu.memory_space<hbm>> -> memref<1x200xi32, #tpu.memory_space<hbm>>
    %dma_start3A_269 = tpu.memref_squeeze %dma_start3A_268 : memref<1x200xi32, #tpu.memory_space<hbm>> -> memref<200xi32, #tpu.memory_space<hbm>>
    tpu.enqueue_dma source(%dma_start3A_269 : memref<200xi32, #tpu.memory_space<hbm>>) target(%arg9 : memref<200xi32, #tpu.memory_space<vmem>>) target_semaphore(%arg15 : memref<!tpu.dma_semaphore, #tpu.memory_space<semaphore_mem>>)
    %dma_wait3A_270 = arith.constant 0 : i32
    %dma_wait3A_271 = arith.constant 0 : i32
    %dma_wait3A_272 = tpu.memref_slice %arg5[%mul3A_2, %dma_wait3A_270, %dma_wait3A_271] : memref<1024x200x128xf32, #tpu.memory_space<hbm>> -> memref<1x200x128xf32, #tpu.memory_space<hbm>>
    %dma_wait3A_273 = tpu.memref_squeeze %dma_wait3A_272 : memref<1x200x128xf32, #tpu.memory_space<hbm>> -> memref<200x128xf32, #tpu.memory_space<hbm>>
    %dma_wait3A_274 = arith.constant 0 : i32
    %dma_wait3A_275 = arith.constant 0 : i32
    %dma_wait3A_276 = tpu.memref_slice %arg5[%mul3A_2, %dma_wait3A_274, %dma_wait3A_275] : memref<1024x200x128xf32, #tpu.memory_space<hbm>> -> memref<1x200x128xf32, #tpu.memory_space<hbm>>
    %dma_wait3A_277 = tpu.memref_squeeze %dma_wait3A_276 : memref<1x200x128xf32, #tpu.memory_space<hbm>> -> memref<200x128xf32, #tpu.memory_space<hbm>>
    tpu.wait_dma2 semaphore(%arg17 : memref<!tpu.dma_semaphore, #tpu.memory_space<semaphore_mem>>) src(%arg11 : memref<200x128xf32, #tpu.memory_space<vmem>>) dst(%dma_wait3A_277 : memref<200x128xf32, #tpu.memory_space<hbm>>)
    %dma_wait3A_278 = arith.constant 0 : i32
    %dma_wait3A_279 = tpu.memref_slice %arg2[%mul3A_2, %dma_wait3A_278] : memref<1024x200xi32, #tpu.memory_space<hbm>> -> memref<1x200xi32, #tpu.memory_space<hbm>>
    %dma_wait3A_280 = tpu.memref_squeeze %dma_wait3A_279 : memref<1x200xi32, #tpu.memory_space<hbm>> -> memref<200xi32, #tpu.memory_space<hbm>>
    %dma_wait3A_281 = arith.constant 0 : i32
    %dma_wait3A_282 = tpu.memref_slice %arg2[%mul3A_2, %dma_wait3A_281] : memref<1024x200xi32, #tpu.memory_space<hbm>> -> memref<1x200xi32, #tpu.memory_space<hbm>>
    %dma_wait3A_283 = tpu.memref_squeeze %dma_wait3A_282 : memref<1x200xi32, #tpu.memory_space<hbm>> -> memref<200xi32, #tpu.memory_space<hbm>>
    tpu.wait_dma2 semaphore(%arg15 : memref<!tpu.dma_semaphore, #tpu.memory_space<semaphore_mem>>) src(%dma_wait3A_283 : memref<200xi32, #tpu.memory_space<hbm>>) dst(%arg8 : memref<200xi32, #tpu.memory_space<vmem>>)
    %dma_start3A_284 = arith.constant 0 : i32
    %dma_start3A_285 = arith.constant 0 : i32
    %dma_start3A_286 = tpu.memref_slice %arg12[%dma_start3A_284, %dma_start3A_285] : memref<200x128xf32, #tpu.memory_space<vmem>> -> memref<128x128xf32, #tpu.memory_space<vmem>>
    %dma_start3A_287 = arith.constant 0 : i32
    %dma_start3A_288 = tpu.memref_slice %arg8[%dma_start3A_287] : memref<200xi32, #tpu.memory_space<vmem>> -> memref<128xi32, #tpu.memory_space<vmem>>
    %dma_start3A_289 = arith.constant 0 : i32
    %dma_start3A_290 = arith.constant 0 : i32
    %dma_start3A_291 = tpu.memref_slice %arg3[%dma_start3A_289, %dma_start3A_290] : memref<100000x128xf32, #tpu.memory_space<hbm>> -> memref<100000x128xf32, #tpu.memory_space<hbm>>
    tpu.enqueue_indirect_dma source(%dma_start3A_291 : memref<100000x128xf32, #tpu.memory_space<hbm>>) target(%dma_start3A_286 : memref<128x128xf32, #tpu.memory_space<vmem>>) offsets(%dma_start3A_288 : memref<128xi32, #tpu.memory_space<vmem>>) semaphore(%arg16 : memref<!tpu.dma_semaphore, #tpu.memory_space<semaphore_mem>>)
    %dma_start3A_292 = arith.constant 128 : i32
    %dma_start3A_293 = arith.constant 0 : i32
    %dma_start3A_294 = tpu.memref_slice %arg12[%dma_start3A_292, %dma_start3A_293] : memref<200x128xf32, #tpu.memory_space<vmem>> -> memref<72x128xf32, #tpu.memory_space<vmem>>
    %dma_start3A_295 = arith.constant 128 : i32
    %dma_start3A_296 = tpu.memref_slice %arg8[%dma_start3A_295] : memref<200xi32, #tpu.memory_space<vmem>> -> memref<72xi32, #tpu.memory_space<vmem>>
    %dma_start3A_297 = arith.constant 0 : i32
    %dma_start3A_298 = arith.constant 0 : i32
    %dma_start3A_299 = tpu.memref_slice %arg3[%dma_start3A_297, %dma_start3A_298] : memref<100000x128xf32, #tpu.memory_space<hbm>> -> memref<100000x128xf32, #tpu.memory_space<hbm>>
    tpu.enqueue_indirect_dma source(%dma_start3A_299 : memref<100000x128xf32, #tpu.memory_space<hbm>>) target(%dma_start3A_294 : memref<72x128xf32, #tpu.memory_space<vmem>>) offsets(%dma_start3A_296 : memref<72xi32, #tpu.memory_space<vmem>>) semaphore(%arg16 : memref<!tpu.dma_semaphore, #tpu.memory_space<semaphore_mem>>)
    %dma_wait3A_300 = arith.constant 0 : i32
    %dma_wait3A_301 = arith.constant 0 : i32
    %dma_wait3A_302 = tpu.memref_slice %arg14[%dma_wait3A_300, %dma_wait3A_301] : memref<200x128xf32, #tpu.memory_space<vmem>> -> memref<128x128xf32, #tpu.memory_space<vmem>>
    %dma_wait3A_303 = arith.constant 0 : i32
    %dma_wait3A_304 = tpu.memref_slice %arg10[%dma_wait3A_303] : memref<200xi32, #tpu.memory_space<vmem>> -> memref<128xi32, #tpu.memory_space<vmem>>
    %dma_wait3A_305 = arith.constant 0 : i32
    %dma_wait3A_306 = arith.constant 0 : i32
    %dma_wait3A_307 = tpu.memref_slice %arg3[%dma_wait3A_305, %dma_wait3A_306] : memref<100000x128xf32, #tpu.memory_space<hbm>> -> memref<100000x128xf32, #tpu.memory_space<hbm>>
    tpu.wait_indirect_dma semaphore(%arg16 : memref<!tpu.dma_semaphore, #tpu.memory_space<semaphore_mem>>) src(%dma_wait3A_307 : memref<100000x128xf32, #tpu.memory_space<hbm>>) dst(%dma_wait3A_302 : memref<128x128xf32, #tpu.memory_space<vmem>>)
    %dma_wait3A_308 = arith.constant 128 : i32
    %dma_wait3A_309 = arith.constant 0 : i32
    %dma_wait3A_310 = tpu.memref_slice %arg14[%dma_wait3A_308, %dma_wait3A_309] : memref<200x128xf32, #tpu.memory_space<vmem>> -> memref<72x128xf32, #tpu.memory_space<vmem>>
    %dma_wait3A_311 = arith.constant 128 : i32
    %dma_wait3A_312 = tpu.memref_slice %arg10[%dma_wait3A_311] : memref<200xi32, #tpu.memory_space<vmem>> -> memref<72xi32, #tpu.memory_space<vmem>>
    %dma_wait3A_313 = arith.constant 0 : i32
    %dma_wait3A_314 = arith.constant 0 : i32
    %dma_wait3A_315 = tpu.memref_slice %arg3[%dma_wait3A_313, %dma_wait3A_314] : memref<100000x128xf32, #tpu.memory_space<hbm>> -> memref<100000x128xf32, #tpu.memory_space<hbm>>
    tpu.wait_indirect_dma semaphore(%arg16 : memref<!tpu.dma_semaphore, #tpu.memory_space<semaphore_mem>>) src(%dma_wait3A_315 : memref<100000x128xf32, #tpu.memory_space<hbm>>) dst(%dma_wait3A_310 : memref<72x128xf32, #tpu.memory_space<vmem>>)
    %scan3A_316 = arith.constant 0 : i32
    %scan3A_317 = arith.constant 0 : i32
    %scan3A_318 = arith.constant 200 : i32
    %scan3A_319 = arith.addi %scan3A_317, %scan3A_318 : i32
    %scan3A_320 = arith.constant 1 : i32
    scf.for %scan3A_566 = %scan3A_317 to %scan3A_319 step %scan3A_320  : i32 {
      %get3A = arith.index_cast %scan3A_566 : i32 to index
      %get3A_567 = arith.constant 0 : index
      %get3A_568 = tpu.vector_load %arg14[%get3A, %get3A_567] {strides = array<i32>} : memref<200x128xf32, #tpu.memory_space<vmem>>, vector<1x16xf32>,
      %get3A_569 = vector.shape_cast %get3A_568 : vector<1x16xf32> to vector<16xf32>
      %get3A_570 = arith.index_cast %scan3A_566 : i32 to index
      %get3A_571 = arith.constant 0 : index
      %get3A_572 = tpu.vector_load %arg6[%get3A_570, %get3A_571] {strides = array<i32>} : memref<200x128xf32, #tpu.memory_space<vmem>>, vector<1x16xf32>,
      %get3A_573 = vector.shape_cast %get3A_572 : vector<1x16xf32> to vector<16xf32>
      %add3A_574 = arith.addf %get3A_569, %get3A_573 : vector<16xf32>
      %swap3A = arith.index_cast %scan3A_566 : i32 to index
      %swap3A_575 = arith.constant 0 : index
      %swap3A_576 = tpu.vector_load %arg14[%swap3A, %swap3A_575] {strides = array<i32>} : memref<200x128xf32, #tpu.memory_space<vmem>>, vector<1x16xf32>,
      %swap3A_577 = vector.shape_cast %swap3A_576 : vector<1x16xf32> to vector<16xf32>
      %swap3A_578 = vector.shape_cast %add3A_574 : vector<16xf32> to vector<1x16xf32>
      tpu.vector_store %arg14[%swap3A, %swap3A_575], %swap3A_578 {strides = array<i32>} : memref<200x128xf32, #tpu.memory_space<vmem>>, vector<1x16xf32>,
      %get3A_579 = arith.index_cast %scan3A_566 : i32 to index
      %get3A_580 = arith.constant 16 : index
      %get3A_581 = tpu.vector_load %arg14[%get3A_579, %get3A_580] {strides = array<i32>} : memref<200x128xf32, #tpu.memory_space<vmem>>, vector<1x16xf32>,
      %get3A_582 = vector.shape_cast %get3A_581 : vector<1x16xf32> to vector<16xf32>
      %get3A_583 = arith.index_cast %scan3A_566 : i32 to index
      %get3A_584 = arith.constant 16 : index
      %get3A_585 = tpu.vector_load %arg6[%get3A_583, %get3A_584] {strides = array<i32>} : memref<200x128xf32, #tpu.memory_space<vmem>>, vector<1x16xf32>,
      %get3A_586 = vector.shape_cast %get3A_585 : vector<1x16xf32> to vector<16xf32>
      %add3A_587 = arith.addf %get3A_582, %get3A_586 : vector<16xf32>
      %swap3A_588 = arith.index_cast %scan3A_566 : i32 to index
      %swap3A_589 = arith.constant 16 : index
      %swap3A_590 = tpu.vector_load %arg14[%swap3A_588, %swap3A_589] {strides = array<i32>} : memref<200x128xf32, #tpu.memory_space<vmem>>, vector<1x16xf32>,
      %swap3A_591 = vector.shape_cast %swap3A_590 : vector<1x16xf32> to vector<16xf32>
      %swap3A_592 = vector.shape_cast %add3A_587 : vector<16xf32> to vector<1x16xf32>
      tpu.vector_store %arg14[%swap3A_588, %swap3A_589], %swap3A_592 {strides = array<i32>} : memref<200x128xf32, #tpu.memory_space<vmem>>, vector<1x16xf32>,
      %get3A_593 = arith.index_cast %scan3A_566 : i32 to index
      %get3A_594 = arith.constant 32 : index
      %get3A_595 = tpu.vector_load %arg14[%get3A_593, %get3A_594] {strides = array<i32>} : memref<200x128xf32, #tpu.memory_space<vmem>>, vector<1x16xf32>,
      %get3A_596 = vector.shape_cast %get3A_595 : vector<1x16xf32> to vector<16xf32>
      %get3A_597 = arith.index_cast %scan3A_566 : i32 to index
      %get3A_598 = arith.constant 32 : index
      %get3A_599 = tpu.vector_load %arg6[%get3A_597, %get3A_598] {strides = array<i32>} : memref<200x128xf32, #tpu.memory_space<vmem>>, vector<1x16xf32>,
      %get3A_600 = vector.shape_cast %get3A_599 : vector<1x16xf32> to vector<16xf32>
      %add3A_601 = arith.addf %get3A_596, %get3A_600 : vector<16xf32>
      %swap3A_602 = arith.index_cast %scan3A_566 : i32 to index
      %swap3A_603 = arith.constant 32 : index
      %swap3A_604 = tpu.vector_load %arg14[%swap3A_602, %swap3A_603] {strides = array<i32>} : memref<200x128xf32, #tpu.memory_space<vmem>>, vector<1x16xf32>,
      %swap3A_605 = vector.shape_cast %swap3A_604 : vector<1x16xf32> to vector<16xf32>
      %swap3A_606 = vector.shape_cast %add3A_601 : vector<16xf32> to vector<1x16xf32>
      tpu.vector_store %arg14[%swap3A_602, %swap3A_603], %swap3A_606 {strides = array<i32>} : memref<200x128xf32, #tpu.memory_space<vmem>>, vector<1x16xf32>,
      %get3A_607 = arith.index_cast %scan3A_566 : i32 to index
      %get3A_608 = arith.constant 48 : index
      %get3A_609 = tpu.vector_load %arg14[%get3A_607, %get3A_608] {strides = array<i32>} : memref<200x128xf32, #tpu.memory_space<vmem>>, vector<1x16xf32>,
      %get3A_610 = vector.shape_cast %get3A_609 : vector<1x16xf32> to vector<16xf32>
      %get3A_611 = arith.index_cast %scan3A_566 : i32 to index
      %get3A_612 = arith.constant 48 : index
      %get3A_613 = tpu.vector_load %arg6[%get3A_611, %get3A_612] {strides = array<i32>} : memref<200x128xf32, #tpu.memory_space<vmem>>, vector<1x16xf32>,
      %get3A_614 = vector.shape_cast %get3A_613 : vector<1x16xf32> to vector<16xf32>
      %add3A_615 = arith.addf %get3A_610, %get3A_614 : vector<16xf32>
      %swap3A_616 = arith.index_cast %scan3A_566 : i32 to index
      %swap3A_617 = arith.constant 48 : index
      %swap3A_618 = tpu.vector_load %arg14[%swap3A_616, %swap3A_617] {strides = array<i32>} : memref<200x128xf32, #tpu.memory_space<vmem>>, vector<1x16xf32>,
      %swap3A_619 = vector.shape_cast %swap3A_618 : vector<1x16xf32> to vector<16xf32>
      %swap3A_620 = vector.shape_cast %add3A_615 : vector<16xf32> to vector<1x16xf32>
      tpu.vector_store %arg14[%swap3A_616, %swap3A_617], %swap3A_620 {strides = array<i32>} : memref<200x128xf32, #tpu.memory_space<vmem>>, vector<1x16xf32>,
      %get3A_621 = arith.index_cast %scan3A_566 : i32 to index
      %get3A_622 = arith.constant 64 : index
      %get3A_623 = tpu.vector_load %arg14[%get3A_621, %get3A_622] {strides = array<i32>} : memref<200x128xf32, #tpu.memory_space<vmem>>, vector<1x16xf32>,
      %get3A_624 = vector.shape_cast %get3A_623 : vector<1x16xf32> to vector<16xf32>
      %get3A_625 = arith.index_cast %scan3A_566 : i32 to index
      %get3A_626 = arith.constant 64 : index
      %get3A_627 = tpu.vector_load %arg6[%get3A_625, %get3A_626] {strides = array<i32>} : memref<200x128xf32, #tpu.memory_space<vmem>>, vector<1x16xf32>,
      %get3A_628 = vector.shape_cast %get3A_627 : vector<1x16xf32> to vector<16xf32>
      %add3A_629 = arith.addf %get3A_624, %get3A_628 : vector<16xf32>
      %swap3A_630 = arith.index_cast %scan3A_566 : i32 to index
      %swap3A_631 = arith.constant 64 : index
      %swap3A_632 = tpu.vector_load %arg14[%swap3A_630, %swap3A_631] {strides = array<i32>} : memref<200x128xf32, #tpu.memory_space<vmem>>, vector<1x16xf32>,
      %swap3A_633 = vector.shape_cast %swap3A_632 : vector<1x16xf32> to vector<16xf32>
      %swap3A_634 = vector.shape_cast %add3A_629 : vector<16xf32> to vector<1x16xf32>
      tpu.vector_store %arg14[%swap3A_630, %swap3A_631], %swap3A_634 {strides = array<i32>} : memref<200x128xf32, #tpu.memory_space<vmem>>, vector<1x16xf32>,
      %get3A_635 = arith.index_cast %scan3A_566 : i32 to index
      %get3A_636 = arith.constant 80 : index
      %get3A_637 = tpu.vector_load %arg14[%get3A_635, %get3A_636] {strides = array<i32>} : memref<200x128xf32, #tpu.memory_space<vmem>>, vector<1x16xf32>,
      %get3A_638 = vector.shape_cast %get3A_637 : vector<1x16xf32> to vector<16xf32>
      %get3A_639 = arith.index_cast %scan3A_566 : i32 to index
      %get3A_640 = arith.constant 80 : index
      %get3A_641 = tpu.vector_load %arg6[%get3A_639, %get3A_640] {strides = array<i32>} : memref<200x128xf32, #tpu.memory_space<vmem>>, vector<1x16xf32>,
      %get3A_642 = vector.shape_cast %get3A_641 : vector<1x16xf32> to vector<16xf32>
      %add3A_643 = arith.addf %get3A_638, %get3A_642 : vector<16xf32>
      %swap3A_644 = arith.index_cast %scan3A_566 : i32 to index
      %swap3A_645 = arith.constant 80 : index
      %swap3A_646 = tpu.vector_load %arg14[%swap3A_644, %swap3A_645] {strides = array<i32>} : memref<200x128xf32, #tpu.memory_space<vmem>>, vector<1x16xf32>,
      %swap3A_647 = vector.shape_cast %swap3A_646 : vector<1x16xf32> to vector<16xf32>
      %swap3A_648 = vector.shape_cast %add3A_643 : vector<16xf32> to vector<1x16xf32>
      tpu.vector_store %arg14[%swap3A_644, %swap3A_645], %swap3A_648 {strides = array<i32>} : memref<200x128xf32, #tpu.memory_space<vmem>>, vector<1x16xf32>,
      %get3A_649 = arith.index_cast %scan3A_566 : i32 to index
      %get3A_650 = arith.constant 96 : index
      %get3A_651 = tpu.vector_load %arg14[%get3A_649, %get3A_650] {strides = array<i32>} : memref<200x128xf32, #tpu.memory_space<vmem>>, vector<1x16xf32>,
      %get3A_652 = vector.shape_cast %get3A_651 : vector<1x16xf32> to vector<16xf32>
      %get3A_653 = arith.index_cast %scan3A_566 : i32 to index
      %get3A_654 = arith.constant 96 : index
      %get3A_655 = tpu.vector_load %arg6[%get3A_653, %get3A_654] {strides = array<i32>} : memref<200x128xf32, #tpu.memory_space<vmem>>, vector<1x16xf32>,
      %get3A_656 = vector.shape_cast %get3A_655 : vector<1x16xf32> to vector<16xf32>
      %add3A_657 = arith.addf %get3A_652, %get3A_656 : vector<16xf32>
      %swap3A_658 = arith.index_cast %scan3A_566 : i32 to index
      %swap3A_659 = arith.constant 96 : index
      %swap3A_660 = tpu.vector_load %arg14[%swap3A_658, %swap3A_659] {strides = array<i32>} : memref<200x128xf32, #tpu.memory_space<vmem>>, vector<1x16xf32>,
      %swap3A_661 = vector.shape_cast %swap3A_660 : vector<1x16xf32> to vector<16xf32>
      %swap3A_662 = vector.shape_cast %add3A_657 : vector<16xf32> to vector<1x16xf32>
      tpu.vector_store %arg14[%swap3A_658, %swap3A_659], %swap3A_662 {strides = array<i32>} : memref<200x128xf32, #tpu.memory_space<vmem>>, vector<1x16xf32>,
      %get3A_663 = arith.index_cast %scan3A_566 : i32 to index
      %get3A_664 = arith.constant 112 : index
      %get3A_665 = tpu.vector_load %arg14[%get3A_663, %get3A_664] {strides = array<i32>} : memref<200x128xf32, #tpu.memory_space<vmem>>, vector<1x16xf32>,
      %get3A_666 = vector.shape_cast %get3A_665 : vector<1x16xf32> to vector<16xf32>
      %get3A_667 = arith.index_cast %scan3A_566 : i32 to index
      %get3A_668 = arith.constant 112 : index
      %get3A_669 = tpu.vector_load %arg6[%get3A_667, %get3A_668] {strides = array<i32>} : memref<200x128xf32, #tpu.memory_space<vmem>>, vector<1x16xf32>,
      %get3A_670 = vector.shape_cast %get3A_669 : vector<1x16xf32> to vector<16xf32>
      %add3A_671 = arith.addf %get3A_666, %get3A_670 : vector<16xf32>
      %swap3A_672 = arith.index_cast %scan3A_566 : i32 to index
      %swap3A_673 = arith.constant 112 : index
      %swap3A_674 = tpu.vector_load %arg14[%swap3A_672, %swap3A_673] {strides = array<i32>} : memref<200x128xf32, #tpu.memory_space<vmem>>, vector<1x16xf32>,
      %swap3A_675 = vector.shape_cast %swap3A_674 : vector<1x16xf32> to vector<16xf32>
      %swap3A_676 = vector.shape_cast %add3A_671 : vector<16xf32> to vector<1x16xf32>
      tpu.vector_store %arg14[%swap3A_672, %swap3A_673], %swap3A_676 {strides = array<i32>} : memref<200x128xf32, #tpu.memory_space<vmem>>, vector<1x16xf32>,
    }
    %scan3A_321 = arith.constant 200 : i32
    %add3A_322 = arith.constant 3 : i32
    %add3A_323 = arith.addi %mul3A_2, %add3A_322 : i32
    %dma_start3A_324 = arith.constant 0 : i32
    %dma_start3A_325 = arith.constant 0 : i32
    %dma_start3A_326 = tpu.memref_slice %arg5[%add3A_323, %dma_start3A_324, %dma_start3A_325] : memref<1024x200x128xf32, #tpu.memory_space<hbm>> -> memref<1x200x128xf32, #tpu.memory_space<hbm>>
    %dma_start3A_327 = tpu.memref_squeeze %dma_start3A_326 : memref<1x200x128xf32, #tpu.memory_space<hbm>> -> memref<200x128xf32, #tpu.memory_space<hbm>>
    %dma_start3A_328 = arith.constant 0 : i32
    %dma_start3A_329 = arith.constant 0 : i32
    %dma_start3A_330 = tpu.memref_slice %arg5[%add3A_323, %dma_start3A_328, %dma_start3A_329] : memref<1024x200x128xf32, #tpu.memory_space<hbm>> -> memref<1x200x128xf32, #tpu.memory_space<hbm>>
    %dma_start3A_331 = tpu.memref_squeeze %dma_start3A_330 : memref<1x200x128xf32, #tpu.memory_space<hbm>> -> memref<200x128xf32, #tpu.memory_space<hbm>>
    tpu.enqueue_dma source(%arg14 : memref<200x128xf32, #tpu.memory_space<vmem>>) target(%dma_start3A_331 : memref<200x128xf32, #tpu.memory_space<hbm>>) target_semaphore(%arg17 : memref<!tpu.dma_semaphore, #tpu.memory_space<semaphore_mem>>)
    %scan3A_332 = arith.constant 0 : i32
    %scan3A_333 = arith.constant 1 : i32
    %scan3A_334 = arith.constant 6 : i32
    %scan3A_335 = arith.addi %scan3A_333, %scan3A_334 : i32
    %scan3A_336 = arith.constant 1 : i32
    scf.for %scan3A_566 = %scan3A_333 to %scan3A_335 step %scan3A_336  : i32 {
      %mul3A_567 = arith.constant 4 : i32
      %mul3A_568 = arith.muli %scan3A_566, %mul3A_567 : i32
      %add3A_569 = arith.constant 0 : i32
      %add3A_570 = arith.addi %mul3A_568, %add3A_569 : i32
      %add3A_571 = arith.constant 3 : i32
      %add3A_572 = arith.addi %add3A_570, %add3A_571 : i32
      %add3A_573 = arith.addi %mul3A_2, %add3A_572 : i32
      %dma_start3A_574 = arith.constant 0 : i32
      %dma_start3A_575 = tpu.memref_slice %arg2[%add3A_573, %dma_start3A_574] : memref<1024x200xi32, #tpu.memory_space<hbm>> -> memref<1x200xi32, #tpu.memory_space<hbm>>
      %dma_start3A_576 = tpu.memref_squeeze %dma_start3A_575 : memref<1x200xi32, #tpu.memory_space<hbm>> -> memref<200xi32, #tpu.memory_space<hbm>>
      %dma_start3A_577 = arith.constant 0 : i32
      %dma_start3A_578 = tpu.memref_slice %arg2[%add3A_573, %dma_start3A_577] : memref<1024x200xi32, #tpu.memory_space<hbm>> -> memref<1x200xi32, #tpu.memory_space<hbm>>
      %dma_start3A_579 = tpu.memref_squeeze %dma_start3A_578 : memref<1x200xi32, #tpu.memory_space<hbm>> -> memref<200xi32, #tpu.memory_space<hbm>>
      tpu.enqueue_dma source(%dma_start3A_579 : memref<200xi32, #tpu.memory_space<hbm>>) target(%arg10 : memref<200xi32, #tpu.memory_space<vmem>>) target_semaphore(%arg15 : memref<!tpu.dma_semaphore, #tpu.memory_space<semaphore_mem>>)
      %dma_wait3A_580 = arith.constant 0 : i32
      %dma_wait3A_581 = arith.constant 0 : i32
      %dma_wait3A_582 = tpu.memref_slice %arg5[%mul3A_2, %dma_wait3A_580, %dma_wait3A_581] : memref<1024x200x128xf32, #tpu.memory_space<hbm>> -> memref<1x200x128xf32, #tpu.memory_space<hbm>>
      %dma_wait3A_583 = tpu.memref_squeeze %dma_wait3A_582 : memref<1x200x128xf32, #tpu.memory_space<hbm>> -> memref<200x128xf32, #tpu.memory_space<hbm>>
      %dma_wait3A_584 = arith.constant 0 : i32
      %dma_wait3A_585 = arith.constant 0 : i32
      %dma_wait3A_586 = tpu.memref_slice %arg5[%mul3A_2, %dma_wait3A_584, %dma_wait3A_585] : memref<1024x200x128xf32, #tpu.memory_space<hbm>> -> memref<1x200x128xf32, #tpu.memory_space<hbm>>
      %dma_wait3A_587 = tpu.memref_squeeze %dma_wait3A_586 : memref<1x200x128xf32, #tpu.memory_space<hbm>> -> memref<200x128xf32, #tpu.memory_space<hbm>>
      tpu.wait_dma2 semaphore(%arg17 : memref<!tpu.dma_semaphore, #tpu.memory_space<semaphore_mem>>) src(%arg11 : memref<200x128xf32, #tpu.memory_space<vmem>>) dst(%dma_wait3A_587 : memref<200x128xf32, #tpu.memory_space<hbm>>)
      %dma_wait3A_588 = arith.constant 0 : i32
      %dma_wait3A_589 = tpu.memref_slice %arg2[%mul3A_2, %dma_wait3A_588] : memref<1024x200xi32, #tpu.memory_space<hbm>> -> memref<1x200xi32, #tpu.memory_space<hbm>>
      %dma_wait3A_590 = tpu.memref_squeeze %dma_wait3A_589 : memref<1x200xi32, #tpu.memory_space<hbm>> -> memref<200xi32, #tpu.memory_space<hbm>>
      %dma_wait3A_591 = arith.constant 0 : i32
      %dma_wait3A_592 = tpu.memref_slice %arg2[%mul3A_2, %dma_wait3A_591] : memref<1024x200xi32, #tpu.memory_space<hbm>> -> memref<1x200xi32, #tpu.memory_space<hbm>>
      %dma_wait3A_593 = tpu.memref_squeeze %dma_wait3A_592 : memref<1x200xi32, #tpu.memory_space<hbm>> -> memref<200xi32, #tpu.memory_space<hbm>>
      tpu.wait_dma2 semaphore(%arg15 : memref<!tpu.dma_semaphore, #tpu.memory_space<semaphore_mem>>) src(%dma_wait3A_593 : memref<200xi32, #tpu.memory_space<hbm>>) dst(%arg9 : memref<200xi32, #tpu.memory_space<vmem>>)
      %dma_start3A_594 = arith.constant 0 : i32
      %dma_start3A_595 = arith.constant 0 : i32
      %dma_start3A_596 = tpu.memref_slice %arg13[%dma_start3A_594, %dma_start3A_595] : memref<200x128xf32, #tpu.memory_space<vmem>> -> memref<128x128xf32, #tpu.memory_space<vmem>>
      %dma_start3A_597 = arith.constant 0 : i32
      %dma_start3A_598 = tpu.memref_slice %arg9[%dma_start3A_597] : memref<200xi32, #tpu.memory_space<vmem>> -> memref<128xi32, #tpu.memory_space<vmem>>
      %dma_start3A_599 = arith.constant 0 : i32
      %dma_start3A_600 = arith.constant 0 : i32
      %dma_start3A_601 = tpu.memref_slice %arg3[%dma_start3A_599, %dma_start3A_600] : memref<100000x128xf32, #tpu.memory_space<hbm>> -> memref<100000x128xf32, #tpu.memory_space<hbm>>
      tpu.enqueue_indirect_dma source(%dma_start3A_601 : memref<100000x128xf32, #tpu.memory_space<hbm>>) target(%dma_start3A_596 : memref<128x128xf32, #tpu.memory_space<vmem>>) offsets(%dma_start3A_598 : memref<128xi32, #tpu.memory_space<vmem>>) semaphore(%arg16 : memref<!tpu.dma_semaphore, #tpu.memory_space<semaphore_mem>>)
      %dma_start3A_602 = arith.constant 128 : i32
      %dma_start3A_603 = arith.constant 0 : i32
      %dma_start3A_604 = tpu.memref_slice %arg13[%dma_start3A_602, %dma_start3A_603] : memref<200x128xf32, #tpu.memory_space<vmem>> -> memref<72x128xf32, #tpu.memory_space<vmem>>
      %dma_start3A_605 = arith.constant 128 : i32
      %dma_start3A_606 = tpu.memref_slice %arg9[%dma_start3A_605] : memref<200xi32, #tpu.memory_space<vmem>> -> memref<72xi32, #tpu.memory_space<vmem>>
      %dma_start3A_607 = arith.constant 0 : i32
      %dma_start3A_608 = arith.constant 0 : i32
      %dma_start3A_609 = tpu.memref_slice %arg3[%dma_start3A_607, %dma_start3A_608] : memref<100000x128xf32, #tpu.memory_space<hbm>> -> memref<100000x128xf32, #tpu.memory_space<hbm>>
      tpu.enqueue_indirect_dma source(%dma_start3A_609 : memref<100000x128xf32, #tpu.memory_space<hbm>>) target(%dma_start3A_604 : memref<72x128xf32, #tpu.memory_space<vmem>>) offsets(%dma_start3A_606 : memref<72xi32, #tpu.memory_space<vmem>>) semaphore(%arg16 : memref<!tpu.dma_semaphore, #tpu.memory_space<semaphore_mem>>)
      %dma_wait3A_610 = arith.constant 0 : i32
      %dma_wait3A_611 = arith.constant 0 : i32
      %dma_wait3A_612 = tpu.memref_slice %arg11[%dma_wait3A_610, %dma_wait3A_611] : memref<200x128xf32, #tpu.memory_space<vmem>> -> memref<128x128xf32, #tpu.memory_space<vmem>>
      %dma_wait3A_613 = arith.constant 0 : i32
      %dma_wait3A_614 = tpu.memref_slice %arg7[%dma_wait3A_613] : memref<200xi32, #tpu.memory_space<vmem>> -> memref<128xi32, #tpu.memory_space<vmem>>
      %dma_wait3A_615 = arith.constant 0 : i32
      %dma_wait3A_616 = arith.constant 0 : i32
      %dma_wait3A_617 = tpu.memref_slice %arg3[%dma_wait3A_615, %dma_wait3A_616] : memref<100000x128xf32, #tpu.memory_space<hbm>> -> memref<100000x128xf32, #tpu.memory_space<hbm>>
      tpu.wait_indirect_dma semaphore(%arg16 : memref<!tpu.dma_semaphore, #tpu.memory_space<semaphore_mem>>) src(%dma_wait3A_617 : memref<100000x128xf32, #tpu.memory_space<hbm>>) dst(%dma_wait3A_612 : memref<128x128xf32, #tpu.memory_space<vmem>>)
      %dma_wait3A_618 = arith.constant 128 : i32
      %dma_wait3A_619 = arith.constant 0 : i32
      %dma_wait3A_620 = tpu.memref_slice %arg11[%dma_wait3A_618, %dma_wait3A_619] : memref<200x128xf32, #tpu.memory_space<vmem>> -> memref<72x128xf32, #tpu.memory_space<vmem>>
      %dma_wait3A_621 = arith.constant 128 : i32
      %dma_wait3A_622 = tpu.memref_slice %arg7[%dma_wait3A_621] : memref<200xi32, #tpu.memory_space<vmem>> -> memref<72xi32, #tpu.memory_space<vmem>>
      %dma_wait3A_623 = arith.constant 0 : i32
      %dma_wait3A_624 = arith.constant 0 : i32
      %dma_wait3A_625 = tpu.memref_slice %arg3[%dma_wait3A_623, %dma_wait3A_624] : memref<100000x128xf32, #tpu.memory_space<hbm>> -> memref<100000x128xf32, #tpu.memory_space<hbm>>
      tpu.wait_indirect_dma semaphore(%arg16 : memref<!tpu.dma_semaphore, #tpu.memory_space<semaphore_mem>>) src(%dma_wait3A_625 : memref<100000x128xf32, #tpu.memory_space<hbm>>) dst(%dma_wait3A_620 : memref<72x128xf32, #tpu.memory_space<vmem>>)
      %scan3A_626 = arith.constant 0 : i32
      %scan3A_627 = arith.constant 0 : i32
      %scan3A_628 = arith.constant 200 : i32
      %scan3A_629 = arith.addi %scan3A_627, %scan3A_628 : i32
      %scan3A_630 = arith.constant 1 : i32
      scf.for %scan3A_863 = %scan3A_627 to %scan3A_629 step %scan3A_630  : i32 {
        %get3A = arith.index_cast %scan3A_863 : i32 to index
        %get3A_864 = arith.constant 0 : index
        %get3A_865 = tpu.vector_load %arg11[%get3A, %get3A_864] {strides = array<i32>} : memref<200x128xf32, #tpu.memory_space<vmem>>, vector<1x16xf32>,
        %get3A_866 = vector.shape_cast %get3A_865 : vector<1x16xf32> to vector<16xf32>
        %get3A_867 = arith.index_cast %scan3A_863 : i32 to index
        %get3A_868 = arith.constant 0 : index
        %get3A_869 = tpu.vector_load %arg6[%get3A_867, %get3A_868] {strides = array<i32>} : memref<200x128xf32, #tpu.memory_space<vmem>>, vector<1x16xf32>,
        %get3A_870 = vector.shape_cast %get3A_869 : vector<1x16xf32> to vector<16xf32>
        %add3A_871 = arith.addf %get3A_866, %get3A_870 : vector<16xf32>
        %swap3A = arith.index_cast %scan3A_863 : i32 to index
        %swap3A_872 = arith.constant 0 : index
        %swap3A_873 = tpu.vector_load %arg11[%swap3A, %swap3A_872] {strides = array<i32>} : memref<200x128xf32, #tpu.memory_space<vmem>>, vector<1x16xf32>,
        %swap3A_874 = vector.shape_cast %swap3A_873 : vector<1x16xf32> to vector<16xf32>
        %swap3A_875 = vector.shape_cast %add3A_871 : vector<16xf32> to vector<1x16xf32>
        tpu.vector_store %arg11[%swap3A, %swap3A_872], %swap3A_875 {strides = array<i32>} : memref<200x128xf32, #tpu.memory_space<vmem>>, vector<1x16xf32>,
        %get3A_876 = arith.index_cast %scan3A_863 : i32 to index
        %get3A_877 = arith.constant 16 : index
        %get3A_878 = tpu.vector_load %arg11[%get3A_876, %get3A_877] {strides = array<i32>} : memref<200x128xf32, #tpu.memory_space<vmem>>, vector<1x16xf32>,
        %get3A_879 = vector.shape_cast %get3A_878 : vector<1x16xf32> to vector<16xf32>
        %get3A_880 = arith.index_cast %scan3A_863 : i32 to index
        %get3A_881 = arith.constant 16 : index
        %get3A_882 = tpu.vector_load %arg6[%get3A_880, %get3A_881] {strides = array<i32>} : memref<200x128xf32, #tpu.memory_space<vmem>>, vector<1x16xf32>,
        %get3A_883 = vector.shape_cast %get3A_882 : vector<1x16xf32> to vector<16xf32>
        %add3A_884 = arith.addf %get3A_879, %get3A_883 : vector<16xf32>
        %swap3A_885 = arith.index_cast %scan3A_863 : i32 to index
        %swap3A_886 = arith.constant 16 : index
        %swap3A_887 = tpu.vector_load %arg11[%swap3A_885, %swap3A_886] {strides = array<i32>} : memref<200x128xf32, #tpu.memory_space<vmem>>, vector<1x16xf32>,
        %swap3A_888 = vector.shape_cast %swap3A_887 : vector<1x16xf32> to vector<16xf32>
        %swap3A_889 = vector.shape_cast %add3A_884 : vector<16xf32> to vector<1x16xf32>
        tpu.vector_store %arg11[%swap3A_885, %swap3A_886], %swap3A_889 {strides = array<i32>} : memref<200x128xf32, #tpu.memory_space<vmem>>, vector<1x16xf32>,
        %get3A_890 = arith.index_cast %scan3A_863 : i32 to index
        %get3A_891 = arith.constant 32 : index
        %get3A_892 = tpu.vector_load %arg11[%get3A_890, %get3A_891] {strides = array<i32>} : memref<200x128xf32, #tpu.memory_space<vmem>>, vector<1x16xf32>,
        %get3A_893 = vector.shape_cast %get3A_892 : vector<1x16xf32> to vector<16xf32>
        %get3A_894 = arith.index_cast %scan3A_863 : i32 to index
        %get3A_895 = arith.constant 32 : index
        %get3A_896 = tpu.vector_load %arg6[%get3A_894, %get3A_895] {strides = array<i32>} : memref<200x128xf32, #tpu.memory_space<vmem>>, vector<1x16xf32>,
        %get3A_897 = vector.shape_cast %get3A_896 : vector<1x16xf32> to vector<16xf32>
        %add3A_898 = arith.addf %get3A_893, %get3A_897 : vector<16xf32>
        %swap3A_899 = arith.index_cast %scan3A_863 : i32 to index
        %swap3A_900 = arith.constant 32 : index
        %swap3A_901 = tpu.vector_load %arg11[%swap3A_899, %swap3A_900] {strides = array<i32>} : memref<200x128xf32, #tpu.memory_space<vmem>>, vector<1x16xf32>,
        %swap3A_902 = vector.shape_cast %swap3A_901 : vector<1x16xf32> to vector<16xf32>
        %swap3A_903 = vector.shape_cast %add3A_898 : vector<16xf32> to vector<1x16xf32>
        tpu.vector_store %arg11[%swap3A_899, %swap3A_900], %swap3A_903 {strides = array<i32>} : memref<200x128xf32, #tpu.memory_space<vmem>>, vector<1x16xf32>,
        %get3A_904 = arith.index_cast %scan3A_863 : i32 to index
        %get3A_905 = arith.constant 48 : index
        %get3A_906 = tpu.vector_load %arg11[%get3A_904, %get3A_905] {strides = array<i32>} : memref<200x128xf32, #tpu.memory_space<vmem>>, vector<1x16xf32>,
        %get3A_907 = vector.shape_cast %get3A_906 : vector<1x16xf32> to vector<16xf32>
        %get3A_908 = arith.index_cast %scan3A_863 : i32 to index
        %get3A_909 = arith.constant 48 : index
        %get3A_910 = tpu.vector_load %arg6[%get3A_908, %get3A_909] {strides = array<i32>} : memref<200x128xf32, #tpu.memory_space<vmem>>, vector<1x16xf32>,
        %get3A_911 = vector.shape_cast %get3A_910 : vector<1x16xf32> to vector<16xf32>
        %add3A_912 = arith.addf %get3A_907, %get3A_911 : vector<16xf32>
        %swap3A_913 = arith.index_cast %scan3A_863 : i32 to index
        %swap3A_914 = arith.constant 48 : index
        %swap3A_915 = tpu.vector_load %arg11[%swap3A_913, %swap3A_914] {strides = array<i32>} : memref<200x128xf32, #tpu.memory_space<vmem>>, vector<1x16xf32>,
        %swap3A_916 = vector.shape_cast %swap3A_915 : vector<1x16xf32> to vector<16xf32>
        %swap3A_917 = vector.shape_cast %add3A_912 : vector<16xf32> to vector<1x16xf32>
        tpu.vector_store %arg11[%swap3A_913, %swap3A_914], %swap3A_917 {strides = array<i32>} : memref<200x128xf32, #tpu.memory_space<vmem>>, vector<1x16xf32>,
        %get3A_918 = arith.index_cast %scan3A_863 : i32 to index
        %get3A_919 = arith.constant 64 : index
        %get3A_920 = tpu.vector_load %arg11[%get3A_918, %get3A_919] {strides = array<i32>} : memref<200x128xf32, #tpu.memory_space<vmem>>, vector<1x16xf32>,
        %get3A_921 = vector.shape_cast %get3A_920 : vector<1x16xf32> to vector<16xf32>
        %get3A_922 = arith.index_cast %scan3A_863 : i32 to index
        %get3A_923 = arith.constant 64 : index
        %get3A_924 = tpu.vector_load %arg6[%get3A_922, %get3A_923] {strides = array<i32>} : memref<200x128xf32, #tpu.memory_space<vmem>>, vector<1x16xf32>,
        %get3A_925 = vector.shape_cast %get3A_924 : vector<1x16xf32> to vector<16xf32>
        %add3A_926 = arith.addf %get3A_921, %get3A_925 : vector<16xf32>
        %swap3A_927 = arith.index_cast %scan3A_863 : i32 to index
        %swap3A_928 = arith.constant 64 : index
        %swap3A_929 = tpu.vector_load %arg11[%swap3A_927, %swap3A_928] {strides = array<i32>} : memref<200x128xf32, #tpu.memory_space<vmem>>, vector<1x16xf32>,
        %swap3A_930 = vector.shape_cast %swap3A_929 : vector<1x16xf32> to vector<16xf32>
        %swap3A_931 = vector.shape_cast %add3A_926 : vector<16xf32> to vector<1x16xf32>
        tpu.vector_store %arg11[%swap3A_927, %swap3A_928], %swap3A_931 {strides = array<i32>} : memref<200x128xf32, #tpu.memory_space<vmem>>, vector<1x16xf32>,
        %get3A_932 = arith.index_cast %scan3A_863 : i32 to index
        %get3A_933 = arith.constant 80 : index
        %get3A_934 = tpu.vector_load %arg11[%get3A_932, %get3A_933] {strides = array<i32>} : memref<200x128xf32, #tpu.memory_space<vmem>>, vector<1x16xf32>,
        %get3A_935 = vector.shape_cast %get3A_934 : vector<1x16xf32> to vector<16xf32>
        %get3A_936 = arith.index_cast %scan3A_863 : i32 to index
        %get3A_937 = arith.constant 80 : index
        %get3A_938 = tpu.vector_load %arg6[%get3A_936, %get3A_937] {strides = array<i32>} : memref<200x128xf32, #tpu.memory_space<vmem>>, vector<1x16xf32>,
        %get3A_939 = vector.shape_cast %get3A_938 : vector<1x16xf32> to vector<16xf32>
        %add3A_940 = arith.addf %get3A_935, %get3A_939 : vector<16xf32>
        %swap3A_941 = arith.index_cast %scan3A_863 : i32 to index
        %swap3A_942 = arith.constant 80 : index
        %swap3A_943 = tpu.vector_load %arg11[%swap3A_941, %swap3A_942] {strides = array<i32>} : memref<200x128xf32, #tpu.memory_space<vmem>>, vector<1x16xf32>,
        %swap3A_944 = vector.shape_cast %swap3A_943 : vector<1x16xf32> to vector<16xf32>
        %swap3A_945 = vector.shape_cast %add3A_940 : vector<16xf32> to vector<1x16xf32>
        tpu.vector_store %arg11[%swap3A_941, %swap3A_942], %swap3A_945 {strides = array<i32>} : memref<200x128xf32, #tpu.memory_space<vmem>>, vector<1x16xf32>,
        %get3A_946 = arith.index_cast %scan3A_863 : i32 to index
        %get3A_947 = arith.constant 96 : index
        %get3A_948 = tpu.vector_load %arg11[%get3A_946, %get3A_947] {strides = array<i32>} : memref<200x128xf32, #tpu.memory_space<vmem>>, vector<1x16xf32>,
        %get3A_949 = vector.shape_cast %get3A_948 : vector<1x16xf32> to vector<16xf32>
        %get3A_950 = arith.index_cast %scan3A_863 : i32 to index
        %get3A_951 = arith.constant 96 : index
        %get3A_952 = tpu.vector_load %arg6[%get3A_950, %get3A_951] {strides = array<i32>} : memref<200x128xf32, #tpu.memory_space<vmem>>, vector<1x16xf32>,
        %get3A_953 = vector.shape_cast %get3A_952 : vector<1x16xf32> to vector<16xf32>
        %add3A_954 = arith.addf %get3A_949, %get3A_953 : vector<16xf32>
        %swap3A_955 = arith.index_cast %scan3A_863 : i32 to index
        %swap3A_956 = arith.constant 96 : index
        %swap3A_957 = tpu.vector_load %arg11[%swap3A_955, %swap3A_956] {strides = array<i32>} : memref<200x128xf32, #tpu.memory_space<vmem>>, vector<1x16xf32>,
        %swap3A_958 = vector.shape_cast %swap3A_957 : vector<1x16xf32> to vector<16xf32>
        %swap3A_959 = vector.shape_cast %add3A_954 : vector<16xf32> to vector<1x16xf32>
        tpu.vector_store %arg11[%swap3A_955, %swap3A_956], %swap3A_959 {strides = array<i32>} : memref<200x128xf32, #tpu.memory_space<vmem>>, vector<1x16xf32>,
        %get3A_960 = arith.index_cast %scan3A_863 : i32 to index
        %get3A_961 = arith.constant 112 : index
        %get3A_962 = tpu.vector_load %arg11[%get3A_960, %get3A_961] {strides = array<i32>} : memref<200x128xf32, #tpu.memory_space<vmem>>, vector<1x16xf32>,
        %get3A_963 = vector.shape_cast %get3A_962 : vector<1x16xf32> to vector<16xf32>
        %get3A_964 = arith.index_cast %scan3A_863 : i32 to index
        %get3A_965 = arith.constant 112 : index
        %get3A_966 = tpu.vector_load %arg6[%get3A_964, %get3A_965] {strides = array<i32>} : memref<200x128xf32, #tpu.memory_space<vmem>>, vector<1x16xf32>,
        %get3A_967 = vector.shape_cast %get3A_966 : vector<1x16xf32> to vector<16xf32>
        %add3A_968 = arith.addf %get3A_963, %get3A_967 : vector<16xf32>
        %swap3A_969 = arith.index_cast %scan3A_863 : i32 to index
        %swap3A_970 = arith.constant 112 : index
        %swap3A_971 = tpu.vector_load %arg11[%swap3A_969, %swap3A_970] {strides = array<i32>} : memref<200x128xf32, #tpu.memory_space<vmem>>, vector<1x16xf32>,
        %swap3A_972 = vector.shape_cast %swap3A_971 : vector<1x16xf32> to vector<16xf32>
        %swap3A_973 = vector.shape_cast %add3A_968 : vector<16xf32> to vector<1x16xf32>
        tpu.vector_store %arg11[%swap3A_969, %swap3A_970], %swap3A_973 {strides = array<i32>} : memref<200x128xf32, #tpu.memory_space<vmem>>, vector<1x16xf32>,
      }
      %scan3A_631 = arith.constant 200 : i32
      %add3A_632 = arith.addi %mul3A_2, %add3A_570 : i32
      %dma_start3A_633 = arith.constant 0 : i32
      %dma_start3A_634 = arith.constant 0 : i32
      %dma_start3A_635 = tpu.memref_slice %arg5[%add3A_632, %dma_start3A_633, %dma_start3A_634] : memref<1024x200x128xf32, #tpu.memory_space<hbm>> -> memref<1x200x128xf32, #tpu.memory_space<hbm>>
      %dma_start3A_636 = tpu.memref_squeeze %dma_start3A_635 : memref<1x200x128xf32, #tpu.memory_space<hbm>> -> memref<200x128xf32, #tpu.memory_space<hbm>>
      %dma_start3A_637 = arith.constant 0 : i32
      %dma_start3A_638 = arith.constant 0 : i32
      %dma_start3A_639 = tpu.memref_slice %arg5[%add3A_632, %dma_start3A_637, %dma_start3A_638] : memref<1024x200x128xf32, #tpu.memory_space<hbm>> -> memref<1x200x128xf32, #tpu.memory_space<hbm>>
      %dma_start3A_640 = tpu.memref_squeeze %dma_start3A_639 : memref<1x200x128xf32, #tpu.memory_space<hbm>> -> memref<200x128xf32, #tpu.memory_space<hbm>>
      tpu.enqueue_dma source(%arg11 : memref<200x128xf32, #tpu.memory_space<vmem>>) target(%dma_start3A_640 : memref<200x128xf32, #tpu.memory_space<hbm>>) target_semaphore(%arg17 : memref<!tpu.dma_semaphore, #tpu.memory_space<semaphore_mem>>)
      %mul3A_641 = arith.constant 4 : i32
      %mul3A_642 = arith.muli %scan3A_566, %mul3A_641 : i32
      %add3A_643 = arith.constant 1 : i32
      %add3A_644 = arith.addi %mul3A_642, %add3A_643 : i32
      %add3A_645 = arith.constant 3 : i32
      %add3A_646 = arith.addi %add3A_644, %add3A_645 : i32
      %add3A_647 = arith.addi %mul3A_2, %add3A_646 : i32
      %dma_start3A_648 = arith.constant 0 : i32
      %dma_start3A_649 = tpu.memref_slice %arg2[%add3A_647, %dma_start3A_648] : memref<1024x200xi32, #tpu.memory_space<hbm>> -> memref<1x200xi32, #tpu.memory_space<hbm>>
      %dma_start3A_650 = tpu.memref_squeeze %dma_start3A_649 : memref<1x200xi32, #tpu.memory_space<hbm>> -> memref<200xi32, #tpu.memory_space<hbm>>
      %dma_start3A_651 = arith.constant 0 : i32
      %dma_start3A_652 = tpu.memref_slice %arg2[%add3A_647, %dma_start3A_651] : memref<1024x200xi32, #tpu.memory_space<hbm>> -> memref<1x200xi32, #tpu.memory_space<hbm>>
      %dma_start3A_653 = tpu.memref_squeeze %dma_start3A_652 : memref<1x200xi32, #tpu.memory_space<hbm>> -> memref<200xi32, #tpu.memory_space<hbm>>
      tpu.enqueue_dma source(%dma_start3A_653 : memref<200xi32, #tpu.memory_space<hbm>>) target(%arg7 : memref<200xi32, #tpu.memory_space<vmem>>) target_semaphore(%arg15 : memref<!tpu.dma_semaphore, #tpu.memory_space<semaphore_mem>>)
      %dma_wait3A_654 = arith.constant 0 : i32
      %dma_wait3A_655 = arith.constant 0 : i32
      %dma_wait3A_656 = tpu.memref_slice %arg5[%mul3A_2, %dma_wait3A_654, %dma_wait3A_655] : memref<1024x200x128xf32, #tpu.memory_space<hbm>> -> memref<1x200x128xf32, #tpu.memory_space<hbm>>
      %dma_wait3A_657 = tpu.memref_squeeze %dma_wait3A_656 : memref<1x200x128xf32, #tpu.memory_space<hbm>> -> memref<200x128xf32, #tpu.memory_space<hbm>>
      %dma_wait3A_658 = arith.constant 0 : i32
      %dma_wait3A_659 = arith.constant 0 : i32
      %dma_wait3A_660 = tpu.memref_slice %arg5[%mul3A_2, %dma_wait3A_658, %dma_wait3A_659] : memref<1024x200x128xf32, #tpu.memory_space<hbm>> -> memref<1x200x128xf32, #tpu.memory_space<hbm>>
      %dma_wait3A_661 = tpu.memref_squeeze %dma_wait3A_660 : memref<1x200x128xf32, #tpu.memory_space<hbm>> -> memref<200x128xf32, #tpu.memory_space<hbm>>
      tpu.wait_dma2 semaphore(%arg17 : memref<!tpu.dma_semaphore, #tpu.memory_space<semaphore_mem>>) src(%arg11 : memref<200x128xf32, #tpu.memory_space<vmem>>) dst(%dma_wait3A_661 : memref<200x128xf32, #tpu.memory_space<hbm>>)
      %dma_wait3A_662 = arith.constant 0 : i32
      %dma_wait3A_663 = tpu.memref_slice %arg2[%mul3A_2, %dma_wait3A_662] : memref<1024x200xi32, #tpu.memory_space<hbm>> -> memref<1x200xi32, #tpu.memory_space<hbm>>
      %dma_wait3A_664 = tpu.memref_squeeze %dma_wait3A_663 : memref<1x200xi32, #tpu.memory_space<hbm>> -> memref<200xi32, #tpu.memory_space<hbm>>
      %dma_wait3A_665 = arith.constant 0 : i32
      %dma_wait3A_666 = tpu.memref_slice %arg2[%mul3A_2, %dma_wait3A_665] : memref<1024x200xi32, #tpu.memory_space<hbm>> -> memref<1x200xi32, #tpu.memory_space<hbm>>
      %dma_wait3A_667 = tpu.memref_squeeze %dma_wait3A_666 : memref<1x200xi32, #tpu.memory_space<hbm>> -> memref<200xi32, #tpu.memory_space<hbm>>
      tpu.wait_dma2 semaphore(%arg15 : memref<!tpu.dma_semaphore, #tpu.memory_space<semaphore_mem>>) src(%dma_wait3A_667 : memref<200xi32, #tpu.memory_space<hbm>>) dst(%arg10 : memref<200xi32, #tpu.memory_space<vmem>>)
      %dma_start3A_668 = arith.constant 0 : i32
      %dma_start3A_669 = arith.constant 0 : i32
      %dma_start3A_670 = tpu.memref_slice %arg14[%dma_start3A_668, %dma_start3A_669] : memref<200x128xf32, #tpu.memory_space<vmem>> -> memref<128x128xf32, #tpu.memory_space<vmem>>
      %dma_start3A_671 = arith.constant 0 : i32
      %dma_start3A_672 = tpu.memref_slice %arg10[%dma_start3A_671] : memref<200xi32, #tpu.memory_space<vmem>> -> memref<128xi32, #tpu.memory_space<vmem>>
      %dma_start3A_673 = arith.constant 0 : i32
      %dma_start3A_674 = arith.constant 0 : i32
      %dma_start3A_675 = tpu.memref_slice %arg3[%dma_start3A_673, %dma_start3A_674] : memref<100000x128xf32, #tpu.memory_space<hbm>> -> memref<100000x128xf32, #tpu.memory_space<hbm>>
      tpu.enqueue_indirect_dma source(%dma_start3A_675 : memref<100000x128xf32, #tpu.memory_space<hbm>>) target(%dma_start3A_670 : memref<128x128xf32, #tpu.memory_space<vmem>>) offsets(%dma_start3A_672 : memref<128xi32, #tpu.memory_space<vmem>>) semaphore(%arg16 : memref<!tpu.dma_semaphore, #tpu.memory_space<semaphore_mem>>)
      %dma_start3A_676 = arith.constant 128 : i32
      %dma_start3A_677 = arith.constant 0 : i32
      %dma_start3A_678 = tpu.memref_slice %arg14[%dma_start3A_676, %dma_start3A_677] : memref<200x128xf32, #tpu.memory_space<vmem>> -> memref<72x128xf32, #tpu.memory_space<vmem>>
      %dma_start3A_679 = arith.constant 128 : i32
      %dma_start3A_680 = tpu.memref_slice %arg10[%dma_start3A_679] : memref<200xi32, #tpu.memory_space<vmem>> -> memref<72xi32, #tpu.memory_space<vmem>>
      %dma_start3A_681 = arith.constant 0 : i32
      %dma_start3A_682 = arith.constant 0 : i32
      %dma_start3A_683 = tpu.memref_slice %arg3[%dma_start3A_681, %dma_start3A_682] : memref<100000x128xf32, #tpu.memory_space<hbm>> -> memref<100000x128xf32, #tpu.memory_space<hbm>>
      tpu.enqueue_indirect_dma source(%dma_start3A_683 : memref<100000x128xf32, #tpu.memory_space<hbm>>) target(%dma_start3A_678 : memref<72x128xf32, #tpu.memory_space<vmem>>) offsets(%dma_start3A_680 : memref<72xi32, #tpu.memory_space<vmem>>) semaphore(%arg16 : memref<!tpu.dma_semaphore, #tpu.memory_space<semaphore_mem>>)
      %dma_wait3A_684 = arith.constant 0 : i32
      %dma_wait3A_685 = arith.constant 0 : i32
      %dma_wait3A_686 = tpu.memref_slice %arg12[%dma_wait3A_684, %dma_wait3A_685] : memref<200x128xf32, #tpu.memory_space<vmem>> -> memref<128x128xf32, #tpu.memory_space<vmem>>
      %dma_wait3A_687 = arith.constant 0 : i32
      %dma_wait3A_688 = tpu.memref_slice %arg8[%dma_wait3A_687] : memref<200xi32, #tpu.memory_space<vmem>> -> memref<128xi32, #tpu.memory_space<vmem>>
      %dma_wait3A_689 = arith.constant 0 : i32
      %dma_wait3A_690 = arith.constant 0 : i32
      %dma_wait3A_691 = tpu.memref_slice %arg3[%dma_wait3A_689, %dma_wait3A_690] : memref<100000x128xf32, #tpu.memory_space<hbm>> -> memref<100000x128xf32, #tpu.memory_space<hbm>>
      tpu.wait_indirect_dma semaphore(%arg16 : memref<!tpu.dma_semaphore, #tpu.memory_space<semaphore_mem>>) src(%dma_wait3A_691 : memref<100000x128xf32, #tpu.memory_space<hbm>>) dst(%dma_wait3A_686 : memref<128x128xf32, #tpu.memory_space<vmem>>)
      %dma_wait3A_692 = arith.constant 128 : i32
      %dma_wait3A_693 = arith.constant 0 : i32
      %dma_wait3A_694 = tpu.memref_slice %arg12[%dma_wait3A_692, %dma_wait3A_693] : memref<200x128xf32, #tpu.memory_space<vmem>> -> memref<72x128xf32, #tpu.memory_space<vmem>>
      %dma_wait3A_695 = arith.constant 128 : i32
      %dma_wait3A_696 = tpu.memref_slice %arg8[%dma_wait3A_695] : memref<200xi32, #tpu.memory_space<vmem>> -> memref<72xi32, #tpu.memory_space<vmem>>
      %dma_wait3A_697 = arith.constant 0 : i32
      %dma_wait3A_698 = arith.constant 0 : i32
      %dma_wait3A_699 = tpu.memref_slice %arg3[%dma_wait3A_697, %dma_wait3A_698] : memref<100000x128xf32, #tpu.memory_space<hbm>> -> memref<100000x128xf32, #tpu.memory_space<hbm>>
      tpu.wait_indirect_dma semaphore(%arg16 : memref<!tpu.dma_semaphore, #tpu.memory_space<semaphore_mem>>) src(%dma_wait3A_699 : memref<100000x128xf32, #tpu.memory_space<hbm>>) dst(%dma_wait3A_694 : memref<72x128xf32, #tpu.memory_space<vmem>>)
      %scan3A_700 = arith.constant 0 : i32
      %scan3A_701 = arith.constant 0 : i32
      %scan3A_702 = arith.constant 200 : i32
      %scan3A_703 = arith.addi %scan3A_701, %scan3A_702 : i32
      %scan3A_704 = arith.constant 1 : i32
      scf.for %scan3A_863 = %scan3A_701 to %scan3A_703 step %scan3A_704  : i32 {
        %get3A = arith.index_cast %scan3A_863 : i32 to index
        %get3A_864 = arith.constant 0 : index
        %get3A_865 = tpu.vector_load %arg12[%get3A, %get3A_864] {strides = array<i32>} : memref<200x128xf32, #tpu.memory_space<vmem>>, vector<1x16xf32>,
        %get3A_866 = vector.shape_cast %get3A_865 : vector<1x16xf32> to vector<16xf32>
        %get3A_867 = arith.index_cast %scan3A_863 : i32 to index
        %get3A_868 = arith.constant 0 : index
        %get3A_869 = tpu.vector_load %arg6[%get3A_867, %get3A_868] {strides = array<i32>} : memref<200x128xf32, #tpu.memory_space<vmem>>, vector<1x16xf32>,
        %get3A_870 = vector.shape_cast %get3A_869 : vector<1x16xf32> to vector<16xf32>
        %add3A_871 = arith.addf %get3A_866, %get3A_870 : vector<16xf32>
        %swap3A = arith.index_cast %scan3A_863 : i32 to index
        %swap3A_872 = arith.constant 0 : index
        %swap3A_873 = tpu.vector_load %arg12[%swap3A, %swap3A_872] {strides = array<i32>} : memref<200x128xf32, #tpu.memory_space<vmem>>, vector<1x16xf32>,
        %swap3A_874 = vector.shape_cast %swap3A_873 : vector<1x16xf32> to vector<16xf32>
        %swap3A_875 = vector.shape_cast %add3A_871 : vector<16xf32> to vector<1x16xf32>
        tpu.vector_store %arg12[%swap3A, %swap3A_872], %swap3A_875 {strides = array<i32>} : memref<200x128xf32, #tpu.memory_space<vmem>>, vector<1x16xf32>,
        %get3A_876 = arith.index_cast %scan3A_863 : i32 to index
        %get3A_877 = arith.constant 16 : index
        %get3A_878 = tpu.vector_load %arg12[%get3A_876, %get3A_877] {strides = array<i32>} : memref<200x128xf32, #tpu.memory_space<vmem>>, vector<1x16xf32>,
        %get3A_879 = vector.shape_cast %get3A_878 : vector<1x16xf32> to vector<16xf32>
        %get3A_880 = arith.index_cast %scan3A_863 : i32 to index
        %get3A_881 = arith.constant 16 : index
        %get3A_882 = tpu.vector_load %arg6[%get3A_880, %get3A_881] {strides = array<i32>} : memref<200x128xf32, #tpu.memory_space<vmem>>, vector<1x16xf32>,
        %get3A_883 = vector.shape_cast %get3A_882 : vector<1x16xf32> to vector<16xf32>
        %add3A_884 = arith.addf %get3A_879, %get3A_883 : vector<16xf32>
        %swap3A_885 = arith.index_cast %scan3A_863 : i32 to index
        %swap3A_886 = arith.constant 16 : index
        %swap3A_887 = tpu.vector_load %arg12[%swap3A_885, %swap3A_886] {strides = array<i32>} : memref<200x128xf32, #tpu.memory_space<vmem>>, vector<1x16xf32>,
        %swap3A_888 = vector.shape_cast %swap3A_887 : vector<1x16xf32> to vector<16xf32>
        %swap3A_889 = vector.shape_cast %add3A_884 : vector<16xf32> to vector<1x16xf32>
        tpu.vector_store %arg12[%swap3A_885, %swap3A_886], %swap3A_889 {strides = array<i32>} : memref<200x128xf32, #tpu.memory_space<vmem>>, vector<1x16xf32>,
        %get3A_890 = arith.index_cast %scan3A_863 : i32 to index
        %get3A_891 = arith.constant 32 : index
        %get3A_892 = tpu.vector_load %arg12[%get3A_890, %get3A_891] {strides = array<i32>} : memref<200x128xf32, #tpu.memory_space<vmem>>, vector<1x16xf32>,
        %get3A_893 = vector.shape_cast %get3A_892 : vector<1x16xf32> to vector<16xf32>
        %get3A_894 = arith.index_cast %scan3A_863 : i32 to index
        %get3A_895 = arith.constant 32 : index
        %get3A_896 = tpu.vector_load %arg6[%get3A_894, %get3A_895] {strides = array<i32>} : memref<200x128xf32, #tpu.memory_space<vmem>>, vector<1x16xf32>,
        %get3A_897 = vector.shape_cast %get3A_896 : vector<1x16xf32> to vector<16xf32>
        %add3A_898 = arith.addf %get3A_893, %get3A_897 : vector<16xf32>
        %swap3A_899 = arith.index_cast %scan3A_863 : i32 to index
        %swap3A_900 = arith.constant 32 : index
        %swap3A_901 = tpu.vector_load %arg12[%swap3A_899, %swap3A_900] {strides = array<i32>} : memref<200x128xf32, #tpu.memory_space<vmem>>, vector<1x16xf32>,
        %swap3A_902 = vector.shape_cast %swap3A_901 : vector<1x16xf32> to vector<16xf32>
        %swap3A_903 = vector.shape_cast %add3A_898 : vector<16xf32> to vector<1x16xf32>
        tpu.vector_store %arg12[%swap3A_899, %swap3A_900], %swap3A_903 {strides = array<i32>} : memref<200x128xf32, #tpu.memory_space<vmem>>, vector<1x16xf32>,
        %get3A_904 = arith.index_cast %scan3A_863 : i32 to index
        %get3A_905 = arith.constant 48 : index
        %get3A_906 = tpu.vector_load %arg12[%get3A_904, %get3A_905] {strides = array<i32>} : memref<200x128xf32, #tpu.memory_space<vmem>>, vector<1x16xf32>,
        %get3A_907 = vector.shape_cast %get3A_906 : vector<1x16xf32> to vector<16xf32>
        %get3A_908 = arith.index_cast %scan3A_863 : i32 to index
        %get3A_909 = arith.constant 48 : index
        %get3A_910 = tpu.vector_load %arg6[%get3A_908, %get3A_909] {strides = array<i32>} : memref<200x128xf32, #tpu.memory_space<vmem>>, vector<1x16xf32>,
        %get3A_911 = vector.shape_cast %get3A_910 : vector<1x16xf32> to vector<16xf32>
        %add3A_912 = arith.addf %get3A_907, %get3A_911 : vector<16xf32>
        %swap3A_913 = arith.index_cast %scan3A_863 : i32 to index
        %swap3A_914 = arith.constant 48 : index
        %swap3A_915 = tpu.vector_load %arg12[%swap3A_913, %swap3A_914] {strides = array<i32>} : memref<200x128xf32, #tpu.memory_space<vmem>>, vector<1x16xf32>,
        %swap3A_916 = vector.shape_cast %swap3A_915 : vector<1x16xf32> to vector<16xf32>
        %swap3A_917 = vector.shape_cast %add3A_912 : vector<16xf32> to vector<1x16xf32>
        tpu.vector_store %arg12[%swap3A_913, %swap3A_914], %swap3A_917 {strides = array<i32>} : memref<200x128xf32, #tpu.memory_space<vmem>>, vector<1x16xf32>,
        %get3A_918 = arith.index_cast %scan3A_863 : i32 to index
        %get3A_919 = arith.constant 64 : index
        %get3A_920 = tpu.vector_load %arg12[%get3A_918, %get3A_919] {strides = array<i32>} : memref<200x128xf32, #tpu.memory_space<vmem>>, vector<1x16xf32>,
        %get3A_921 = vector.shape_cast %get3A_920 : vector<1x16xf32> to vector<16xf32>
        %get3A_922 = arith.index_cast %scan3A_863 : i32 to index
        %get3A_923 = arith.constant 64 : index
        %get3A_924 = tpu.vector_load %arg6[%get3A_922, %get3A_923] {strides = array<i32>} : memref<200x128xf32, #tpu.memory_space<vmem>>, vector<1x16xf32>,
        %get3A_925 = vector.shape_cast %get3A_924 : vector<1x16xf32> to vector<16xf32>
        %add3A_926 = arith.addf %get3A_921, %get3A_925 : vector<16xf32>
        %swap3A_927 = arith.index_cast %scan3A_863 : i32 to index
        %swap3A_928 = arith.constant 64 : index
        %swap3A_929 = tpu.vector_load %arg12[%swap3A_927, %swap3A_928] {strides = array<i32>} : memref<200x128xf32, #tpu.memory_space<vmem>>, vector<1x16xf32>,
        %swap3A_930 = vector.shape_cast %swap3A_929 : vector<1x16xf32> to vector<16xf32>
        %swap3A_931 = vector.shape_cast %add3A_926 : vector<16xf32> to vector<1x16xf32>
        tpu.vector_store %arg12[%swap3A_927, %swap3A_928], %swap3A_931 {strides = array<i32>} : memref<200x128xf32, #tpu.memory_space<vmem>>, vector<1x16xf32>,
        %get3A_932 = arith.index_cast %scan3A_863 : i32 to index
        %get3A_933 = arith.constant 80 : index
        %get3A_934 = tpu.vector_load %arg12[%get3A_932, %get3A_933] {strides = array<i32>} : memref<200x128xf32, #tpu.memory_space<vmem>>, vector<1x16xf32>,
        %get3A_935 = vector.shape_cast %get3A_934 : vector<1x16xf32> to vector<16xf32>
        %get3A_936 = arith.index_cast %scan3A_863 : i32 to index
        %get3A_937 = arith.constant 80 : index
        %get3A_938 = tpu.vector_load %arg6[%get3A_936, %get3A_937] {strides = array<i32>} : memref<200x128xf32, #tpu.memory_space<vmem>>, vector<1x16xf32>,
        %get3A_939 = vector.shape_cast %get3A_938 : vector<1x16xf32> to vector<16xf32>
        %add3A_940 = arith.addf %get3A_935, %get3A_939 : vector<16xf32>
        %swap3A_941 = arith.index_cast %scan3A_863 : i32 to index
        %swap3A_942 = arith.constant 80 : index
        %swap3A_943 = tpu.vector_load %arg12[%swap3A_941, %swap3A_942] {strides = array<i32>} : memref<200x128xf32, #tpu.memory_space<vmem>>, vector<1x16xf32>,
        %swap3A_944 = vector.shape_cast %swap3A_943 : vector<1x16xf32> to vector<16xf32>
        %swap3A_945 = vector.shape_cast %add3A_940 : vector<16xf32> to vector<1x16xf32>
        tpu.vector_store %arg12[%swap3A_941, %swap3A_942], %swap3A_945 {strides = array<i32>} : memref<200x128xf32, #tpu.memory_space<vmem>>, vector<1x16xf32>,
        %get3A_946 = arith.index_cast %scan3A_863 : i32 to index
        %get3A_947 = arith.constant 96 : index
        %get3A_948 = tpu.vector_load %arg12[%get3A_946, %get3A_947] {strides = array<i32>} : memref<200x128xf32, #tpu.memory_space<vmem>>, vector<1x16xf32>,
        %get3A_949 = vector.shape_cast %get3A_948 : vector<1x16xf32> to vector<16xf32>
        %get3A_950 = arith.index_cast %scan3A_863 : i32 to index
        %get3A_951 = arith.constant 96 : index
        %get3A_952 = tpu.vector_load %arg6[%get3A_950, %get3A_951] {strides = array<i32>} : memref<200x128xf32, #tpu.memory_space<vmem>>, vector<1x16xf32>,
        %get3A_953 = vector.shape_cast %get3A_952 : vector<1x16xf32> to vector<16xf32>
        %add3A_954 = arith.addf %get3A_949, %get3A_953 : vector<16xf32>
        %swap3A_955 = arith.index_cast %scan3A_863 : i32 to index
        %swap3A_956 = arith.constant 96 : index
        %swap3A_957 = tpu.vector_load %arg12[%swap3A_955, %swap3A_956] {strides = array<i32>} : memref<200x128xf32, #tpu.memory_space<vmem>>, vector<1x16xf32>,
        %swap3A_958 = vector.shape_cast %swap3A_957 : vector<1x16xf32> to vector<16xf32>
        %swap3A_959 = vector.shape_cast %add3A_954 : vector<16xf32> to vector<1x16xf32>
        tpu.vector_store %arg12[%swap3A_955, %swap3A_956], %swap3A_959 {strides = array<i32>} : memref<200x128xf32, #tpu.memory_space<vmem>>, vector<1x16xf32>,
        %get3A_960 = arith.index_cast %scan3A_863 : i32 to index
        %get3A_961 = arith.constant 112 : index
        %get3A_962 = tpu.vector_load %arg12[%get3A_960, %get3A_961] {strides = array<i32>} : memref<200x128xf32, #tpu.memory_space<vmem>>, vector<1x16xf32>,
        %get3A_963 = vector.shape_cast %get3A_962 : vector<1x16xf32> to vector<16xf32>
        %get3A_964 = arith.index_cast %scan3A_863 : i32 to index
        %get3A_965 = arith.constant 112 : index
        %get3A_966 = tpu.vector_load %arg6[%get3A_964, %get3A_965] {strides = array<i32>} : memref<200x128xf32, #tpu.memory_space<vmem>>, vector<1x16xf32>,
        %get3A_967 = vector.shape_cast %get3A_966 : vector<1x16xf32> to vector<16xf32>
        %add3A_968 = arith.addf %get3A_963, %get3A_967 : vector<16xf32>
        %swap3A_969 = arith.index_cast %scan3A_863 : i32 to index
        %swap3A_970 = arith.constant 112 : index
        %swap3A_971 = tpu.vector_load %arg12[%swap3A_969, %swap3A_970] {strides = array<i32>} : memref<200x128xf32, #tpu.memory_space<vmem>>, vector<1x16xf32>,
        %swap3A_972 = vector.shape_cast %swap3A_971 : vector<1x16xf32> to vector<16xf32>
        %swap3A_973 = vector.shape_cast %add3A_968 : vector<16xf32> to vector<1x16xf32>
        tpu.vector_store %arg12[%swap3A_969, %swap3A_970], %swap3A_973 {strides = array<i32>} : memref<200x128xf32, #tpu.memory_space<vmem>>, vector<1x16xf32>,
      }
      %scan3A_705 = arith.constant 200 : i32
      %add3A_706 = arith.addi %mul3A_2, %add3A_644 : i32
      %dma_start3A_707 = arith.constant 0 : i32
      %dma_start3A_708 = arith.constant 0 : i32
      %dma_start3A_709 = tpu.memref_slice %arg5[%add3A_706, %dma_start3A_707, %dma_start3A_708] : memref<1024x200x128xf32, #tpu.memory_space<hbm>> -> memref<1x200x128xf32, #tpu.memory_space<hbm>>
      %dma_start3A_710 = tpu.memref_squeeze %dma_start3A_709 : memref<1x200x128xf32, #tpu.memory_space<hbm>> -> memref<200x128xf32, #tpu.memory_space<hbm>>
      %dma_start3A_711 = arith.constant 0 : i32
      %dma_start3A_712 = arith.constant 0 : i32
      %dma_start3A_713 = tpu.memref_slice %arg5[%add3A_706, %dma_start3A_711, %dma_start3A_712] : memref<1024x200x128xf32, #tpu.memory_space<hbm>> -> memref<1x200x128xf32, #tpu.memory_space<hbm>>
      %dma_start3A_714 = tpu.memref_squeeze %dma_start3A_713 : memref<1x200x128xf32, #tpu.memory_space<hbm>> -> memref<200x128xf32, #tpu.memory_space<hbm>>
      tpu.enqueue_dma source(%arg12 : memref<200x128xf32, #tpu.memory_space<vmem>>) target(%dma_start3A_714 : memref<200x128xf32, #tpu.memory_space<hbm>>) target_semaphore(%arg17 : memref<!tpu.dma_semaphore, #tpu.memory_space<semaphore_mem>>)
      %mul3A_715 = arith.constant 4 : i32
      %mul3A_716 = arith.muli %scan3A_566, %mul3A_715 : i32
      %add3A_717 = arith.constant 2 : i32
      %add3A_718 = arith.addi %mul3A_716, %add3A_717 : i32
      %add3A_719 = arith.constant 3 : i32
      %add3A_720 = arith.addi %add3A_718, %add3A_719 : i32
      %add3A_721 = arith.addi %mul3A_2, %add3A_720 : i32
      %dma_start3A_722 = arith.constant 0 : i32
      %dma_start3A_723 = tpu.memref_slice %arg2[%add3A_721, %dma_start3A_722] : memref<1024x200xi32, #tpu.memory_space<hbm>> -> memref<1x200xi32, #tpu.memory_space<hbm>>
      %dma_start3A_724 = tpu.memref_squeeze %dma_start3A_723 : memref<1x200xi32, #tpu.memory_space<hbm>> -> memref<200xi32, #tpu.memory_space<hbm>>
      %dma_start3A_725 = arith.constant 0 : i32
      %dma_start3A_726 = tpu.memref_slice %arg2[%add3A_721, %dma_start3A_725] : memref<1024x200xi32, #tpu.memory_space<hbm>> -> memref<1x200xi32, #tpu.memory_space<hbm>>
      %dma_start3A_727 = tpu.memref_squeeze %dma_start3A_726 : memref<1x200xi32, #tpu.memory_space<hbm>> -> memref<200xi32, #tpu.memory_space<hbm>>
      tpu.enqueue_dma source(%dma_start3A_727 : memref<200xi32, #tpu.memory_space<hbm>>) target(%arg8 : memref<200xi32, #tpu.memory_space<vmem>>) target_semaphore(%arg15 : memref<!tpu.dma_semaphore, #tpu.memory_space<semaphore_mem>>)
      %dma_wait3A_728 = arith.constant 0 : i32
      %dma_wait3A_729 = arith.constant 0 : i32
      %dma_wait3A_730 = tpu.memref_slice %arg5[%mul3A_2, %dma_wait3A_728, %dma_wait3A_729] : memref<1024x200x128xf32, #tpu.memory_space<hbm>> -> memref<1x200x128xf32, #tpu.memory_space<hbm>>
      %dma_wait3A_731 = tpu.memref_squeeze %dma_wait3A_730 : memref<1x200x128xf32, #tpu.memory_space<hbm>> -> memref<200x128xf32, #tpu.memory_space<hbm>>
      %dma_wait3A_732 = arith.constant 0 : i32
      %dma_wait3A_733 = arith.constant 0 : i32
      %dma_wait3A_734 = tpu.memref_slice %arg5[%mul3A_2, %dma_wait3A_732, %dma_wait3A_733] : memref<1024x200x128xf32, #tpu.memory_space<hbm>> -> memref<1x200x128xf32, #tpu.memory_space<hbm>>
      %dma_wait3A_735 = tpu.memref_squeeze %dma_wait3A_734 : memref<1x200x128xf32, #tpu.memory_space<hbm>> -> memref<200x128xf32, #tpu.memory_space<hbm>>
      tpu.wait_dma2 semaphore(%arg17 : memref<!tpu.dma_semaphore, #tpu.memory_space<semaphore_mem>>) src(%arg11 : memref<200x128xf32, #tpu.memory_space<vmem>>) dst(%dma_wait3A_735 : memref<200x128xf32, #tpu.memory_space<hbm>>)
      %dma_wait3A_736 = arith.constant 0 : i32
      %dma_wait3A_737 = tpu.memref_slice %arg2[%mul3A_2, %dma_wait3A_736] : memref<1024x200xi32, #tpu.memory_space<hbm>> -> memref<1x200xi32, #tpu.memory_space<hbm>>
      %dma_wait3A_738 = tpu.memref_squeeze %dma_wait3A_737 : memref<1x200xi32, #tpu.memory_space<hbm>> -> memref<200xi32, #tpu.memory_space<hbm>>
      %dma_wait3A_739 = arith.constant 0 : i32
      %dma_wait3A_740 = tpu.memref_slice %arg2[%mul3A_2, %dma_wait3A_739] : memref<1024x200xi32, #tpu.memory_space<hbm>> -> memref<1x200xi32, #tpu.memory_space<hbm>>
      %dma_wait3A_741 = tpu.memref_squeeze %dma_wait3A_740 : memref<1x200xi32, #tpu.memory_space<hbm>> -> memref<200xi32, #tpu.memory_space<hbm>>
      tpu.wait_dma2 semaphore(%arg15 : memref<!tpu.dma_semaphore, #tpu.memory_space<semaphore_mem>>) src(%dma_wait3A_741 : memref<200xi32, #tpu.memory_space<hbm>>) dst(%arg7 : memref<200xi32, #tpu.memory_space<vmem>>)
      %dma_start3A_742 = arith.constant 0 : i32
      %dma_start3A_743 = arith.constant 0 : i32
      %dma_start3A_744 = tpu.memref_slice %arg11[%dma_start3A_742, %dma_start3A_743] : memref<200x128xf32, #tpu.memory_space<vmem>> -> memref<128x128xf32, #tpu.memory_space<vmem>>
      %dma_start3A_745 = arith.constant 0 : i32
      %dma_start3A_746 = tpu.memref_slice %arg7[%dma_start3A_745] : memref<200xi32, #tpu.memory_space<vmem>> -> memref<128xi32, #tpu.memory_space<vmem>>
      %dma_start3A_747 = arith.constant 0 : i32
      %dma_start3A_748 = arith.constant 0 : i32
      %dma_start3A_749 = tpu.memref_slice %arg3[%dma_start3A_747, %dma_start3A_748] : memref<100000x128xf32, #tpu.memory_space<hbm>> -> memref<100000x128xf32, #tpu.memory_space<hbm>>
      tpu.enqueue_indirect_dma source(%dma_start3A_749 : memref<100000x128xf32, #tpu.memory_space<hbm>>) target(%dma_start3A_744 : memref<128x128xf32, #tpu.memory_space<vmem>>) offsets(%dma_start3A_746 : memref<128xi32, #tpu.memory_space<vmem>>) semaphore(%arg16 : memref<!tpu.dma_semaphore, #tpu.memory_space<semaphore_mem>>)
      %dma_start3A_750 = arith.constant 128 : i32
      %dma_start3A_751 = arith.constant 0 : i32
      %dma_start3A_752 = tpu.memref_slice %arg11[%dma_start3A_750, %dma_start3A_751] : memref<200x128xf32, #tpu.memory_space<vmem>> -> memref<72x128xf32, #tpu.memory_space<vmem>>
      %dma_start3A_753 = arith.constant 128 : i32
      %dma_start3A_754 = tpu.memref_slice %arg7[%dma_start3A_753] : memref<200xi32, #tpu.memory_space<vmem>> -> memref<72xi32, #tpu.memory_space<vmem>>
      %dma_start3A_755 = arith.constant 0 : i32
      %dma_start3A_756 = arith.constant 0 : i32
      %dma_start3A_757 = tpu.memref_slice %arg3[%dma_start3A_755, %dma_start3A_756] : memref<100000x128xf32, #tpu.memory_space<hbm>> -> memref<100000x128xf32, #tpu.memory_space<hbm>>
      tpu.enqueue_indirect_dma source(%dma_start3A_757 : memref<100000x128xf32, #tpu.memory_space<hbm>>) target(%dma_start3A_752 : memref<72x128xf32, #tpu.memory_space<vmem>>) offsets(%dma_start3A_754 : memref<72xi32, #tpu.memory_space<vmem>>) semaphore(%arg16 : memref<!tpu.dma_semaphore, #tpu.memory_space<semaphore_mem>>)
      %dma_wait3A_758 = arith.constant 0 : i32
      %dma_wait3A_759 = arith.constant 0 : i32
      %dma_wait3A_760 = tpu.memref_slice %arg13[%dma_wait3A_758, %dma_wait3A_759] : memref<200x128xf32, #tpu.memory_space<vmem>> -> memref<128x128xf32, #tpu.memory_space<vmem>>
      %dma_wait3A_761 = arith.constant 0 : i32
      %dma_wait3A_762 = tpu.memref_slice %arg9[%dma_wait3A_761] : memref<200xi32, #tpu.memory_space<vmem>> -> memref<128xi32, #tpu.memory_space<vmem>>
      %dma_wait3A_763 = arith.constant 0 : i32
      %dma_wait3A_764 = arith.constant 0 : i32
      %dma_wait3A_765 = tpu.memref_slice %arg3[%dma_wait3A_763, %dma_wait3A_764] : memref<100000x128xf32, #tpu.memory_space<hbm>> -> memref<100000x128xf32, #tpu.memory_space<hbm>>
      tpu.wait_indirect_dma semaphore(%arg16 : memref<!tpu.dma_semaphore, #tpu.memory_space<semaphore_mem>>) src(%dma_wait3A_765 : memref<100000x128xf32, #tpu.memory_space<hbm>>) dst(%dma_wait3A_760 : memref<128x128xf32, #tpu.memory_space<vmem>>)
      %dma_wait3A_766 = arith.constant 128 : i32
      %dma_wait3A_767 = arith.constant 0 : i32
      %dma_wait3A_768 = tpu.memref_slice %arg13[%dma_wait3A_766, %dma_wait3A_767] : memref<200x128xf32, #tpu.memory_space<vmem>> -> memref<72x128xf32, #tpu.memory_space<vmem>>
      %dma_wait3A_769 = arith.constant 128 : i32
      %dma_wait3A_770 = tpu.memref_slice %arg9[%dma_wait3A_769] : memref<200xi32, #tpu.memory_space<vmem>> -> memref<72xi32, #tpu.memory_space<vmem>>
      %dma_wait3A_771 = arith.constant 0 : i32
      %dma_wait3A_772 = arith.constant 0 : i32
      %dma_wait3A_773 = tpu.memref_slice %arg3[%dma_wait3A_771, %dma_wait3A_772] : memref<100000x128xf32, #tpu.memory_space<hbm>> -> memref<100000x128xf32, #tpu.memory_space<hbm>>
      tpu.wait_indirect_dma semaphore(%arg16 : memref<!tpu.dma_semaphore, #tpu.memory_space<semaphore_mem>>) src(%dma_wait3A_773 : memref<100000x128xf32, #tpu.memory_space<hbm>>) dst(%dma_wait3A_768 : memref<72x128xf32, #tpu.memory_space<vmem>>)
      %scan3A_774 = arith.constant 0 : i32
      %scan3A_775 = arith.constant 0 : i32
      %scan3A_776 = arith.constant 200 : i32
      %scan3A_777 = arith.addi %scan3A_775, %scan3A_776 : i32
      %scan3A_778 = arith.constant 1 : i32
      scf.for %scan3A_863 = %scan3A_775 to %scan3A_777 step %scan3A_778  : i32 {
        %get3A = arith.index_cast %scan3A_863 : i32 to index
        %get3A_864 = arith.constant 0 : index
        %get3A_865 = tpu.vector_load %arg13[%get3A, %get3A_864] {strides = array<i32>} : memref<200x128xf32, #tpu.memory_space<vmem>>, vector<1x16xf32>,
        %get3A_866 = vector.shape_cast %get3A_865 : vector<1x16xf32> to vector<16xf32>
        %get3A_867 = arith.index_cast %scan3A_863 : i32 to index
        %get3A_868 = arith.constant 0 : index
        %get3A_869 = tpu.vector_load %arg6[%get3A_867, %get3A_868] {strides = array<i32>} : memref<200x128xf32, #tpu.memory_space<vmem>>, vector<1x16xf32>,
        %get3A_870 = vector.shape_cast %get3A_869 : vector<1x16xf32> to vector<16xf32>
        %add3A_871 = arith.addf %get3A_866, %get3A_870 : vector<16xf32>
        %swap3A = arith.index_cast %scan3A_863 : i32 to index
        %swap3A_872 = arith.constant 0 : index
        %swap3A_873 = tpu.vector_load %arg13[%swap3A, %swap3A_872] {strides = array<i32>} : memref<200x128xf32, #tpu.memory_space<vmem>>, vector<1x16xf32>,
        %swap3A_874 = vector.shape_cast %swap3A_873 : vector<1x16xf32> to vector<16xf32>
        %swap3A_875 = vector.shape_cast %add3A_871 : vector<16xf32> to vector<1x16xf32>
        tpu.vector_store %arg13[%swap3A, %swap3A_872], %swap3A_875 {strides = array<i32>} : memref<200x128xf32, #tpu.memory_space<vmem>>, vector<1x16xf32>,
        %get3A_876 = arith.index_cast %scan3A_863 : i32 to index
        %get3A_877 = arith.constant 16 : index
        %get3A_878 = tpu.vector_load %arg13[%get3A_876, %get3A_877] {strides = array<i32>} : memref<200x128xf32, #tpu.memory_space<vmem>>, vector<1x16xf32>,
        %get3A_879 = vector.shape_cast %get3A_878 : vector<1x16xf32> to vector<16xf32>
        %get3A_880 = arith.index_cast %scan3A_863 : i32 to index
        %get3A_881 = arith.constant 16 : index
        %get3A_882 = tpu.vector_load %arg6[%get3A_880, %get3A_881] {strides = array<i32>} : memref<200x128xf32, #tpu.memory_space<vmem>>, vector<1x16xf32>,
        %get3A_883 = vector.shape_cast %get3A_882 : vector<1x16xf32> to vector<16xf32>
        %add3A_884 = arith.addf %get3A_879, %get3A_883 : vector<16xf32>
        %swap3A_885 = arith.index_cast %scan3A_863 : i32 to index
        %swap3A_886 = arith.constant 16 : index
        %swap3A_887 = tpu.vector_load %arg13[%swap3A_885, %swap3A_886] {strides = array<i32>} : memref<200x128xf32, #tpu.memory_space<vmem>>, vector<1x16xf32>,
        %swap3A_888 = vector.shape_cast %swap3A_887 : vector<1x16xf32> to vector<16xf32>
        %swap3A_889 = vector.shape_cast %add3A_884 : vector<16xf32> to vector<1x16xf32>
        tpu.vector_store %arg13[%swap3A_885, %swap3A_886], %swap3A_889 {strides = array<i32>} : memref<200x128xf32, #tpu.memory_space<vmem>>, vector<1x16xf32>,
        %get3A_890 = arith.index_cast %scan3A_863 : i32 to index
        %get3A_891 = arith.constant 32 : index
        %get3A_892 = tpu.vector_load %arg13[%get3A_890, %get3A_891] {strides = array<i32>} : memref<200x128xf32, #tpu.memory_space<vmem>>, vector<1x16xf32>,
        %get3A_893 = vector.shape_cast %get3A_892 : vector<1x16xf32> to vector<16xf32>
        %get3A_894 = arith.index_cast %scan3A_863 : i32 to index
        %get3A_895 = arith.constant 32 : index
        %get3A_896 = tpu.vector_load %arg6[%get3A_894, %get3A_895] {strides = array<i32>} : memref<200x128xf32, #tpu.memory_space<vmem>>, vector<1x16xf32>,
        %get3A_897 = vector.shape_cast %get3A_896 : vector<1x16xf32> to vector<16xf32>
        %add3A_898 = arith.addf %get3A_893, %get3A_897 : vector<16xf32>
        %swap3A_899 = arith.index_cast %scan3A_863 : i32 to index
        %swap3A_900 = arith.constant 32 : index
        %swap3A_901 = tpu.vector_load %arg13[%swap3A_899, %swap3A_900] {strides = array<i32>} : memref<200x128xf32, #tpu.memory_space<vmem>>, vector<1x16xf32>,
        %swap3A_902 = vector.shape_cast %swap3A_901 : vector<1x16xf32> to vector<16xf32>
        %swap3A_903 = vector.shape_cast %add3A_898 : vector<16xf32> to vector<1x16xf32>
        tpu.vector_store %arg13[%swap3A_899, %swap3A_900], %swap3A_903 {strides = array<i32>} : memref<200x128xf32, #tpu.memory_space<vmem>>, vector<1x16xf32>,
        %get3A_904 = arith.index_cast %scan3A_863 : i32 to index
        %get3A_905 = arith.constant 48 : index
        %get3A_906 = tpu.vector_load %arg13[%get3A_904, %get3A_905] {strides = array<i32>} : memref<200x128xf32, #tpu.memory_space<vmem>>, vector<1x16xf32>,
        %get3A_907 = vector.shape_cast %get3A_906 : vector<1x16xf32> to vector<16xf32>
        %get3A_908 = arith.index_cast %scan3A_863 : i32 to index
        %get3A_909 = arith.constant 48 : index
        %get3A_910 = tpu.vector_load %arg6[%get3A_908, %get3A_909] {strides = array<i32>} : memref<200x128xf32, #tpu.memory_space<vmem>>, vector<1x16xf32>,
        %get3A_911 = vector.shape_cast %get3A_910 : vector<1x16xf32> to vector<16xf32>
        %add3A_912 = arith.addf %get3A_907, %get3A_911 : vector<16xf32>
        %swap3A_913 = arith.index_cast %scan3A_863 : i32 to index
        %swap3A_914 = arith.constant 48 : index
        %swap3A_915 = tpu.vector_load %arg13[%swap3A_913, %swap3A_914] {strides = array<i32>} : memref<200x128xf32, #tpu.memory_space<vmem>>, vector<1x16xf32>,
        %swap3A_916 = vector.shape_cast %swap3A_915 : vector<1x16xf32> to vector<16xf32>
        %swap3A_917 = vector.shape_cast %add3A_912 : vector<16xf32> to vector<1x16xf32>
        tpu.vector_store %arg13[%swap3A_913, %swap3A_914], %swap3A_917 {strides = array<i32>} : memref<200x128xf32, #tpu.memory_space<vmem>>, vector<1x16xf32>,
        %get3A_918 = arith.index_cast %scan3A_863 : i32 to index
        %get3A_919 = arith.constant 64 : index
        %get3A_920 = tpu.vector_load %arg13[%get3A_918, %get3A_919] {strides = array<i32>} : memref<200x128xf32, #tpu.memory_space<vmem>>, vector<1x16xf32>,
        %get3A_921 = vector.shape_cast %get3A_920 : vector<1x16xf32> to vector<16xf32>
        %get3A_922 = arith.index_cast %scan3A_863 : i32 to index
        %get3A_923 = arith.constant 64 : index
        %get3A_924 = tpu.vector_load %arg6[%get3A_922, %get3A_923] {strides = array<i32>} : memref<200x128xf32, #tpu.memory_space<vmem>>, vector<1x16xf32>,
        %get3A_925 = vector.shape_cast %get3A_924 : vector<1x16xf32> to vector<16xf32>
        %add3A_926 = arith.addf %get3A_921, %get3A_925 : vector<16xf32>
        %swap3A_927 = arith.index_cast %scan3A_863 : i32 to index
        %swap3A_928 = arith.constant 64 : index
        %swap3A_929 = tpu.vector_load %arg13[%swap3A_927, %swap3A_928] {strides = array<i32>} : memref<200x128xf32, #tpu.memory_space<vmem>>, vector<1x16xf32>,
        %swap3A_930 = vector.shape_cast %swap3A_929 : vector<1x16xf32> to vector<16xf32>
        %swap3A_931 = vector.shape_cast %add3A_926 : vector<16xf32> to vector<1x16xf32>
        tpu.vector_store %arg13[%swap3A_927, %swap3A_928], %swap3A_931 {strides = array<i32>} : memref<200x128xf32, #tpu.memory_space<vmem>>, vector<1x16xf32>,
        %get3A_932 = arith.index_cast %scan3A_863 : i32 to index
        %get3A_933 = arith.constant 80 : index
        %get3A_934 = tpu.vector_load %arg13[%get3A_932, %get3A_933] {strides = array<i32>} : memref<200x128xf32, #tpu.memory_space<vmem>>, vector<1x16xf32>,
        %get3A_935 = vector.shape_cast %get3A_934 : vector<1x16xf32> to vector<16xf32>
        %get3A_936 = arith.index_cast %scan3A_863 : i32 to index
        %get3A_937 = arith.constant 80 : index
        %get3A_938 = tpu.vector_load %arg6[%get3A_936, %get3A_937] {strides = array<i32>} : memref<200x128xf32, #tpu.memory_space<vmem>>, vector<1x16xf32>,
        %get3A_939 = vector.shape_cast %get3A_938 : vector<1x16xf32> to vector<16xf32>
        %add3A_940 = arith.addf %get3A_935, %get3A_939 : vector<16xf32>
        %swap3A_941 = arith.index_cast %scan3A_863 : i32 to index
        %swap3A_942 = arith.constant 80 : index
        %swap3A_943 = tpu.vector_load %arg13[%swap3A_941, %swap3A_942] {strides = array<i32>} : memref<200x128xf32, #tpu.memory_space<vmem>>, vector<1x16xf32>,
        %swap3A_944 = vector.shape_cast %swap3A_943 : vector<1x16xf32> to vector<16xf32>
        %swap3A_945 = vector.shape_cast %add3A_940 : vector<16xf32> to vector<1x16xf32>
        tpu.vector_store %arg13[%swap3A_941, %swap3A_942], %swap3A_945 {strides = array<i32>} : memref<200x128xf32, #tpu.memory_space<vmem>>, vector<1x16xf32>,
        %get3A_946 = arith.index_cast %scan3A_863 : i32 to index
        %get3A_947 = arith.constant 96 : index
        %get3A_948 = tpu.vector_load %arg13[%get3A_946, %get3A_947] {strides = array<i32>} : memref<200x128xf32, #tpu.memory_space<vmem>>, vector<1x16xf32>,
        %get3A_949 = vector.shape_cast %get3A_948 : vector<1x16xf32> to vector<16xf32>
        %get3A_950 = arith.index_cast %scan3A_863 : i32 to index
        %get3A_951 = arith.constant 96 : index
        %get3A_952 = tpu.vector_load %arg6[%get3A_950, %get3A_951] {strides = array<i32>} : memref<200x128xf32, #tpu.memory_space<vmem>>, vector<1x16xf32>,
        %get3A_953 = vector.shape_cast %get3A_952 : vector<1x16xf32> to vector<16xf32>
        %add3A_954 = arith.addf %get3A_949, %get3A_953 : vector<16xf32>
        %swap3A_955 = arith.index_cast %scan3A_863 : i32 to index
        %swap3A_956 = arith.constant 96 : index
        %swap3A_957 = tpu.vector_load %arg13[%swap3A_955, %swap3A_956] {strides = array<i32>} : memref<200x128xf32, #tpu.memory_space<vmem>>, vector<1x16xf32>,
        %swap3A_958 = vector.shape_cast %swap3A_957 : vector<1x16xf32> to vector<16xf32>
        %swap3A_959 = vector.shape_cast %add3A_954 : vector<16xf32> to vector<1x16xf32>
        tpu.vector_store %arg13[%swap3A_955, %swap3A_956], %swap3A_959 {strides = array<i32>} : memref<200x128xf32, #tpu.memory_space<vmem>>, vector<1x16xf32>,
        %get3A_960 = arith.index_cast %scan3A_863 : i32 to index
        %get3A_961 = arith.constant 112 : index
        %get3A_962 = tpu.vector_load %arg13[%get3A_960, %get3A_961] {strides = array<i32>} : memref<200x128xf32, #tpu.memory_space<vmem>>, vector<1x16xf32>,
        %get3A_963 = vector.shape_cast %get3A_962 : vector<1x16xf32> to vector<16xf32>
        %get3A_964 = arith.index_cast %scan3A_863 : i32 to index
        %get3A_965 = arith.constant 112 : index
        %get3A_966 = tpu.vector_load %arg6[%get3A_964, %get3A_965] {strides = array<i32>} : memref<200x128xf32, #tpu.memory_space<vmem>>, vector<1x16xf32>,
        %get3A_967 = vector.shape_cast %get3A_966 : vector<1x16xf32> to vector<16xf32>
        %add3A_968 = arith.addf %get3A_963, %get3A_967 : vector<16xf32>
        %swap3A_969 = arith.index_cast %scan3A_863 : i32 to index
        %swap3A_970 = arith.constant 112 : index
        %swap3A_971 = tpu.vector_load %arg13[%swap3A_969, %swap3A_970] {strides = array<i32>} : memref<200x128xf32, #tpu.memory_space<vmem>>, vector<1x16xf32>,
        %swap3A_972 = vector.shape_cast %swap3A_971 : vector<1x16xf32> to vector<16xf32>
        %swap3A_973 = vector.shape_cast %add3A_968 : vector<16xf32> to vector<1x16xf32>
        tpu.vector_store %arg13[%swap3A_969, %swap3A_970], %swap3A_973 {strides = array<i32>} : memref<200x128xf32, #tpu.memory_space<vmem>>, vector<1x16xf32>,
      }
      %scan3A_779 = arith.constant 200 : i32
      %add3A_780 = arith.addi %mul3A_2, %add3A_718 : i32
      %dma_start3A_781 = arith.constant 0 : i32
      %dma_start3A_782 = arith.constant 0 : i32
      %dma_start3A_783 = tpu.memref_slice %arg5[%add3A_780, %dma_start3A_781, %dma_start3A_782] : memref<1024x200x128xf32, #tpu.memory_space<hbm>> -> memref<1x200x128xf32, #tpu.memory_space<hbm>>
      %dma_start3A_784 = tpu.memref_squeeze %dma_start3A_783 : memref<1x200x128xf32, #tpu.memory_space<hbm>> -> memref<200x128xf32, #tpu.memory_space<hbm>>
      %dma_start3A_785 = arith.constant 0 : i32
      %dma_start3A_786 = arith.constant 0 : i32
      %dma_start3A_787 = tpu.memref_slice %arg5[%add3A_780, %dma_start3A_785, %dma_start3A_786] : memref<1024x200x128xf32, #tpu.memory_space<hbm>> -> memref<1x200x128xf32, #tpu.memory_space<hbm>>
      %dma_start3A_788 = tpu.memref_squeeze %dma_start3A_787 : memref<1x200x128xf32, #tpu.memory_space<hbm>> -> memref<200x128xf32, #tpu.memory_space<hbm>>
      tpu.enqueue_dma source(%arg13 : memref<200x128xf32, #tpu.memory_space<vmem>>) target(%dma_start3A_788 : memref<200x128xf32, #tpu.memory_space<hbm>>) target_semaphore(%arg17 : memref<!tpu.dma_semaphore, #tpu.memory_space<semaphore_mem>>)
      %mul3A_789 = arith.constant 4 : i32
      %mul3A_790 = arith.muli %scan3A_566, %mul3A_789 : i32
      %add3A_791 = arith.constant 3 : i32
      %add3A_792 = arith.addi %mul3A_790, %add3A_791 : i32
      %add3A_793 = arith.constant 3 : i32
      %add3A_794 = arith.addi %add3A_792, %add3A_793 : i32
      %add3A_795 = arith.addi %mul3A_2, %add3A_794 : i32
      %dma_start3A_796 = arith.constant 0 : i32
      %dma_start3A_797 = tpu.memref_slice %arg2[%add3A_795, %dma_start3A_796] : memref<1024x200xi32, #tpu.memory_space<hbm>> -> memref<1x200xi32, #tpu.memory_space<hbm>>
      %dma_start3A_798 = tpu.memref_squeeze %dma_start3A_797 : memref<1x200xi32, #tpu.memory_space<hbm>> -> memref<200xi32, #tpu.memory_space<hbm>>
      %dma_start3A_799 = arith.constant 0 : i32
      %dma_start3A_800 = tpu.memref_slice %arg2[%add3A_795, %dma_start3A_799] : memref<1024x200xi32, #tpu.memory_space<hbm>> -> memref<1x200xi32, #tpu.memory_space<hbm>>
      %dma_start3A_801 = tpu.memref_squeeze %dma_start3A_800 : memref<1x200xi32, #tpu.memory_space<hbm>> -> memref<200xi32, #tpu.memory_space<hbm>>
      tpu.enqueue_dma source(%dma_start3A_801 : memref<200xi32, #tpu.memory_space<hbm>>) target(%arg9 : memref<200xi32, #tpu.memory_space<vmem>>) target_semaphore(%arg15 : memref<!tpu.dma_semaphore, #tpu.memory_space<semaphore_mem>>)
      %dma_wait3A_802 = arith.constant 0 : i32
      %dma_wait3A_803 = arith.constant 0 : i32
      %dma_wait3A_804 = tpu.memref_slice %arg5[%mul3A_2, %dma_wait3A_802, %dma_wait3A_803] : memref<1024x200x128xf32, #tpu.memory_space<hbm>> -> memref<1x200x128xf32, #tpu.memory_space<hbm>>
      %dma_wait3A_805 = tpu.memref_squeeze %dma_wait3A_804 : memref<1x200x128xf32, #tpu.memory_space<hbm>> -> memref<200x128xf32, #tpu.memory_space<hbm>>
      %dma_wait3A_806 = arith.constant 0 : i32
      %dma_wait3A_807 = arith.constant 0 : i32
      %dma_wait3A_808 = tpu.memref_slice %arg5[%mul3A_2, %dma_wait3A_806, %dma_wait3A_807] : memref<1024x200x128xf32, #tpu.memory_space<hbm>> -> memref<1x200x128xf32, #tpu.memory_space<hbm>>
      %dma_wait3A_809 = tpu.memref_squeeze %dma_wait3A_808 : memref<1x200x128xf32, #tpu.memory_space<hbm>> -> memref<200x128xf32, #tpu.memory_space<hbm>>
      tpu.wait_dma2 semaphore(%arg17 : memref<!tpu.dma_semaphore, #tpu.memory_space<semaphore_mem>>) src(%arg11 : memref<200x128xf32, #tpu.memory_space<vmem>>) dst(%dma_wait3A_809 : memref<200x128xf32, #tpu.memory_space<hbm>>)
      %dma_wait3A_810 = arith.constant 0 : i32
      %dma_wait3A_811 = tpu.memref_slice %arg2[%mul3A_2, %dma_wait3A_810] : memref<1024x200xi32, #tpu.memory_space<hbm>> -> memref<1x200xi32, #tpu.memory_space<hbm>>
      %dma_wait3A_812 = tpu.memref_squeeze %dma_wait3A_811 : memref<1x200xi32, #tpu.memory_space<hbm>> -> memref<200xi32, #tpu.memory_space<hbm>>
      %dma_wait3A_813 = arith.constant 0 : i32
      %dma_wait3A_814 = tpu.memref_slice %arg2[%mul3A_2, %dma_wait3A_813] : memref<1024x200xi32, #tpu.memory_space<hbm>> -> memref<1x200xi32, #tpu.memory_space<hbm>>
      %dma_wait3A_815 = tpu.memref_squeeze %dma_wait3A_814 : memref<1x200xi32, #tpu.memory_space<hbm>> -> memref<200xi32, #tpu.memory_space<hbm>>
      tpu.wait_dma2 semaphore(%arg15 : memref<!tpu.dma_semaphore, #tpu.memory_space<semaphore_mem>>) src(%dma_wait3A_815 : memref<200xi32, #tpu.memory_space<hbm>>) dst(%arg8 : memref<200xi32, #tpu.memory_space<vmem>>)
      %dma_start3A_816 = arith.constant 0 : i32
      %dma_start3A_817 = arith.constant 0 : i32
      %dma_start3A_818 = tpu.memref_slice %arg12[%dma_start3A_816, %dma_start3A_817] : memref<200x128xf32, #tpu.memory_space<vmem>> -> memref<128x128xf32, #tpu.memory_space<vmem>>
      %dma_start3A_819 = arith.constant 0 : i32
      %dma_start3A_820 = tpu.memref_slice %arg8[%dma_start3A_819] : memref<200xi32, #tpu.memory_space<vmem>> -> memref<128xi32, #tpu.memory_space<vmem>>
      %dma_start3A_821 = arith.constant 0 : i32
      %dma_start3A_822 = arith.constant 0 : i32
      %dma_start3A_823 = tpu.memref_slice %arg3[%dma_start3A_821, %dma_start3A_822] : memref<100000x128xf32, #tpu.memory_space<hbm>> -> memref<100000x128xf32, #tpu.memory_space<hbm>>
      tpu.enqueue_indirect_dma source(%dma_start3A_823 : memref<100000x128xf32, #tpu.memory_space<hbm>>) target(%dma_start3A_818 : memref<128x128xf32, #tpu.memory_space<vmem>>) offsets(%dma_start3A_820 : memref<128xi32, #tpu.memory_space<vmem>>) semaphore(%arg16 : memref<!tpu.dma_semaphore, #tpu.memory_space<semaphore_mem>>)
      %dma_start3A_824 = arith.constant 128 : i32
      %dma_start3A_825 = arith.constant 0 : i32
      %dma_start3A_826 = tpu.memref_slice %arg12[%dma_start3A_824, %dma_start3A_825] : memref<200x128xf32, #tpu.memory_space<vmem>> -> memref<72x128xf32, #tpu.memory_space<vmem>>
      %dma_start3A_827 = arith.constant 128 : i32
      %dma_start3A_828 = tpu.memref_slice %arg8[%dma_start3A_827] : memref<200xi32, #tpu.memory_space<vmem>> -> memref<72xi32, #tpu.memory_space<vmem>>
      %dma_start3A_829 = arith.constant 0 : i32
      %dma_start3A_830 = arith.constant 0 : i32
      %dma_start3A_831 = tpu.memref_slice %arg3[%dma_start3A_829, %dma_start3A_830] : memref<100000x128xf32, #tpu.memory_space<hbm>> -> memref<100000x128xf32, #tpu.memory_space<hbm>>
      tpu.enqueue_indirect_dma source(%dma_start3A_831 : memref<100000x128xf32, #tpu.memory_space<hbm>>) target(%dma_start3A_826 : memref<72x128xf32, #tpu.memory_space<vmem>>) offsets(%dma_start3A_828 : memref<72xi32, #tpu.memory_space<vmem>>) semaphore(%arg16 : memref<!tpu.dma_semaphore, #tpu.memory_space<semaphore_mem>>)
      %dma_wait3A_832 = arith.constant 0 : i32
      %dma_wait3A_833 = arith.constant 0 : i32
      %dma_wait3A_834 = tpu.memref_slice %arg14[%dma_wait3A_832, %dma_wait3A_833] : memref<200x128xf32, #tpu.memory_space<vmem>> -> memref<128x128xf32, #tpu.memory_space<vmem>>
      %dma_wait3A_835 = arith.constant 0 : i32
      %dma_wait3A_836 = tpu.memref_slice %arg10[%dma_wait3A_835] : memref<200xi32, #tpu.memory_space<vmem>> -> memref<128xi32, #tpu.memory_space<vmem>>
      %dma_wait3A_837 = arith.constant 0 : i32
      %dma_wait3A_838 = arith.constant 0 : i32
      %dma_wait3A_839 = tpu.memref_slice %arg3[%dma_wait3A_837, %dma_wait3A_838] : memref<100000x128xf32, #tpu.memory_space<hbm>> -> memref<100000x128xf32, #tpu.memory_space<hbm>>
      tpu.wait_indirect_dma semaphore(%arg16 : memref<!tpu.dma_semaphore, #tpu.memory_space<semaphore_mem>>) src(%dma_wait3A_839 : memref<100000x128xf32, #tpu.memory_space<hbm>>) dst(%dma_wait3A_834 : memref<128x128xf32, #tpu.memory_space<vmem>>)
      %dma_wait3A_840 = arith.constant 128 : i32
      %dma_wait3A_841 = arith.constant 0 : i32
      %dma_wait3A_842 = tpu.memref_slice %arg14[%dma_wait3A_840, %dma_wait3A_841] : memref<200x128xf32, #tpu.memory_space<vmem>> -> memref<72x128xf32, #tpu.memory_space<vmem>>
      %dma_wait3A_843 = arith.constant 128 : i32
      %dma_wait3A_844 = tpu.memref_slice %arg10[%dma_wait3A_843] : memref<200xi32, #tpu.memory_space<vmem>> -> memref<72xi32, #tpu.memory_space<vmem>>
      %dma_wait3A_845 = arith.constant 0 : i32
      %dma_wait3A_846 = arith.constant 0 : i32
      %dma_wait3A_847 = tpu.memref_slice %arg3[%dma_wait3A_845, %dma_wait3A_846] : memref<100000x128xf32, #tpu.memory_space<hbm>> -> memref<100000x128xf32, #tpu.memory_space<hbm>>
      tpu.wait_indirect_dma semaphore(%arg16 : memref<!tpu.dma_semaphore, #tpu.memory_space<semaphore_mem>>) src(%dma_wait3A_847 : memref<100000x128xf32, #tpu.memory_space<hbm>>) dst(%dma_wait3A_842 : memref<72x128xf32, #tpu.memory_space<vmem>>)
      %scan3A_848 = arith.constant 0 : i32
      %scan3A_849 = arith.constant 0 : i32
      %scan3A_850 = arith.constant 200 : i32
      %scan3A_851 = arith.addi %scan3A_849, %scan3A_850 : i32
      %scan3A_852 = arith.constant 1 : i32
      scf.for %scan3A_863 = %scan3A_849 to %scan3A_851 step %scan3A_852  : i32 {
        %get3A = arith.index_cast %scan3A_863 : i32 to index
        %get3A_864 = arith.constant 0 : index
        %get3A_865 = tpu.vector_load %arg14[%get3A, %get3A_864] {strides = array<i32>} : memref<200x128xf32, #tpu.memory_space<vmem>>, vector<1x16xf32>,
        %get3A_866 = vector.shape_cast %get3A_865 : vector<1x16xf32> to vector<16xf32>
        %get3A_867 = arith.index_cast %scan3A_863 : i32 to index
        %get3A_868 = arith.constant 0 : index
        %get3A_869 = tpu.vector_load %arg6[%get3A_867, %get3A_868] {strides = array<i32>} : memref<200x128xf32, #tpu.memory_space<vmem>>, vector<1x16xf32>,
        %get3A_870 = vector.shape_cast %get3A_869 : vector<1x16xf32> to vector<16xf32>
        %add3A_871 = arith.addf %get3A_866, %get3A_870 : vector<16xf32>
        %swap3A = arith.index_cast %scan3A_863 : i32 to index
        %swap3A_872 = arith.constant 0 : index
        %swap3A_873 = tpu.vector_load %arg14[%swap3A, %swap3A_872] {strides = array<i32>} : memref<200x128xf32, #tpu.memory_space<vmem>>, vector<1x16xf32>,
        %swap3A_874 = vector.shape_cast %swap3A_873 : vector<1x16xf32> to vector<16xf32>
        %swap3A_875 = vector.shape_cast %add3A_871 : vector<16xf32> to vector<1x16xf32>
        tpu.vector_store %arg14[%swap3A, %swap3A_872], %swap3A_875 {strides = array<i32>} : memref<200x128xf32, #tpu.memory_space<vmem>>, vector<1x16xf32>,
        %get3A_876 = arith.index_cast %scan3A_863 : i32 to index
        %get3A_877 = arith.constant 16 : index
        %get3A_878 = tpu.vector_load %arg14[%get3A_876, %get3A_877] {strides = array<i32>} : memref<200x128xf32, #tpu.memory_space<vmem>>, vector<1x16xf32>,
        %get3A_879 = vector.shape_cast %get3A_878 : vector<1x16xf32> to vector<16xf32>
        %get3A_880 = arith.index_cast %scan3A_863 : i32 to index
        %get3A_881 = arith.constant 16 : index
        %get3A_882 = tpu.vector_load %arg6[%get3A_880, %get3A_881] {strides = array<i32>} : memref<200x128xf32, #tpu.memory_space<vmem>>, vector<1x16xf32>,
        %get3A_883 = vector.shape_cast %get3A_882 : vector<1x16xf32> to vector<16xf32>
        %add3A_884 = arith.addf %get3A_879, %get3A_883 : vector<16xf32>
        %swap3A_885 = arith.index_cast %scan3A_863 : i32 to index
        %swap3A_886 = arith.constant 16 : index
        %swap3A_887 = tpu.vector_load %arg14[%swap3A_885, %swap3A_886] {strides = array<i32>} : memref<200x128xf32, #tpu.memory_space<vmem>>, vector<1x16xf32>,
        %swap3A_888 = vector.shape_cast %swap3A_887 : vector<1x16xf32> to vector<16xf32>
        %swap3A_889 = vector.shape_cast %add3A_884 : vector<16xf32> to vector<1x16xf32>
        tpu.vector_store %arg14[%swap3A_885, %swap3A_886], %swap3A_889 {strides = array<i32>} : memref<200x128xf32, #tpu.memory_space<vmem>>, vector<1x16xf32>,
        %get3A_890 = arith.index_cast %scan3A_863 : i32 to index
        %get3A_891 = arith.constant 32 : index
        %get3A_892 = tpu.vector_load %arg14[%get3A_890, %get3A_891] {strides = array<i32>} : memref<200x128xf32, #tpu.memory_space<vmem>>, vector<1x16xf32>,
        %get3A_893 = vector.shape_cast %get3A_892 : vector<1x16xf32> to vector<16xf32>
        %get3A_894 = arith.index_cast %scan3A_863 : i32 to index
        %get3A_895 = arith.constant 32 : index
        %get3A_896 = tpu.vector_load %arg6[%get3A_894, %get3A_895] {strides = array<i32>} : memref<200x128xf32, #tpu.memory_space<vmem>>, vector<1x16xf32>,
        %get3A_897 = vector.shape_cast %get3A_896 : vector<1x16xf32> to vector<16xf32>
        %add3A_898 = arith.addf %get3A_893, %get3A_897 : vector<16xf32>
        %swap3A_899 = arith.index_cast %scan3A_863 : i32 to index
        %swap3A_900 = arith.constant 32 : index
        %swap3A_901 = tpu.vector_load %arg14[%swap3A_899, %swap3A_900] {strides = array<i32>} : memref<200x128xf32, #tpu.memory_space<vmem>>, vector<1x16xf32>,
        %swap3A_902 = vector.shape_cast %swap3A_901 : vector<1x16xf32> to vector<16xf32>
        %swap3A_903 = vector.shape_cast %add3A_898 : vector<16xf32> to vector<1x16xf32>
        tpu.vector_store %arg14[%swap3A_899, %swap3A_900], %swap3A_903 {strides = array<i32>} : memref<200x128xf32, #tpu.memory_space<vmem>>, vector<1x16xf32>,
        %get3A_904 = arith.index_cast %scan3A_863 : i32 to index
        %get3A_905 = arith.constant 48 : index
        %get3A_906 = tpu.vector_load %arg14[%get3A_904, %get3A_905] {strides = array<i32>} : memref<200x128xf32, #tpu.memory_space<vmem>>, vector<1x16xf32>,
        %get3A_907 = vector.shape_cast %get3A_906 : vector<1x16xf32> to vector<16xf32>
        %get3A_908 = arith.index_cast %scan3A_863 : i32 to index
        %get3A_909 = arith.constant 48 : index
        %get3A_910 = tpu.vector_load %arg6[%get3A_908, %get3A_909] {strides = array<i32>} : memref<200x128xf32, #tpu.memory_space<vmem>>, vector<1x16xf32>,
        %get3A_911 = vector.shape_cast %get3A_910 : vector<1x16xf32> to vector<16xf32>
        %add3A_912 = arith.addf %get3A_907, %get3A_911 : vector<16xf32>
        %swap3A_913 = arith.index_cast %scan3A_863 : i32 to index
        %swap3A_914 = arith.constant 48 : index
        %swap3A_915 = tpu.vector_load %arg14[%swap3A_913, %swap3A_914] {strides = array<i32>} : memref<200x128xf32, #tpu.memory_space<vmem>>, vector<1x16xf32>,
        %swap3A_916 = vector.shape_cast %swap3A_915 : vector<1x16xf32> to vector<16xf32>
        %swap3A_917 = vector.shape_cast %add3A_912 : vector<16xf32> to vector<1x16xf32>
        tpu.vector_store %arg14[%swap3A_913, %swap3A_914], %swap3A_917 {strides = array<i32>} : memref<200x128xf32, #tpu.memory_space<vmem>>, vector<1x16xf32>,
        %get3A_918 = arith.index_cast %scan3A_863 : i32 to index
        %get3A_919 = arith.constant 64 : index
        %get3A_920 = tpu.vector_load %arg14[%get3A_918, %get3A_919] {strides = array<i32>} : memref<200x128xf32, #tpu.memory_space<vmem>>, vector<1x16xf32>,
        %get3A_921 = vector.shape_cast %get3A_920 : vector<1x16xf32> to vector<16xf32>
        %get3A_922 = arith.index_cast %scan3A_863 : i32 to index
        %get3A_923 = arith.constant 64 : index
        %get3A_924 = tpu.vector_load %arg6[%get3A_922, %get3A_923] {strides = array<i32>} : memref<200x128xf32, #tpu.memory_space<vmem>>, vector<1x16xf32>,
        %get3A_925 = vector.shape_cast %get3A_924 : vector<1x16xf32> to vector<16xf32>
        %add3A_926 = arith.addf %get3A_921, %get3A_925 : vector<16xf32>
        %swap3A_927 = arith.index_cast %scan3A_863 : i32 to index
        %swap3A_928 = arith.constant 64 : index
        %swap3A_929 = tpu.vector_load %arg14[%swap3A_927, %swap3A_928] {strides = array<i32>} : memref<200x128xf32, #tpu.memory_space<vmem>>, vector<1x16xf32>,
        %swap3A_930 = vector.shape_cast %swap3A_929 : vector<1x16xf32> to vector<16xf32>
        %swap3A_931 = vector.shape_cast %add3A_926 : vector<16xf32> to vector<1x16xf32>
        tpu.vector_store %arg14[%swap3A_927, %swap3A_928], %swap3A_931 {strides = array<i32>} : memref<200x128xf32, #tpu.memory_space<vmem>>, vector<1x16xf32>,
        %get3A_932 = arith.index_cast %scan3A_863 : i32 to index
        %get3A_933 = arith.constant 80 : index
        %get3A_934 = tpu.vector_load %arg14[%get3A_932, %get3A_933] {strides = array<i32>} : memref<200x128xf32, #tpu.memory_space<vmem>>, vector<1x16xf32>,
        %get3A_935 = vector.shape_cast %get3A_934 : vector<1x16xf32> to vector<16xf32>
        %get3A_936 = arith.index_cast %scan3A_863 : i32 to index
        %get3A_937 = arith.constant 80 : index
        %get3A_938 = tpu.vector_load %arg6[%get3A_936, %get3A_937] {strides = array<i32>} : memref<200x128xf32, #tpu.memory_space<vmem>>, vector<1x16xf32>,
        %get3A_939 = vector.shape_cast %get3A_938 : vector<1x16xf32> to vector<16xf32>
        %add3A_940 = arith.addf %get3A_935, %get3A_939 : vector<16xf32>
        %swap3A_941 = arith.index_cast %scan3A_863 : i32 to index
        %swap3A_942 = arith.constant 80 : index
        %swap3A_943 = tpu.vector_load %arg14[%swap3A_941, %swap3A_942] {strides = array<i32>} : memref<200x128xf32, #tpu.memory_space<vmem>>, vector<1x16xf32>,
        %swap3A_944 = vector.shape_cast %swap3A_943 : vector<1x16xf32> to vector<16xf32>
        %swap3A_945 = vector.shape_cast %add3A_940 : vector<16xf32> to vector<1x16xf32>
        tpu.vector_store %arg14[%swap3A_941, %swap3A_942], %swap3A_945 {strides = array<i32>} : memref<200x128xf32, #tpu.memory_space<vmem>>, vector<1x16xf32>,
        %get3A_946 = arith.index_cast %scan3A_863 : i32 to index
        %get3A_947 = arith.constant 96 : index
        %get3A_948 = tpu.vector_load %arg14[%get3A_946, %get3A_947] {strides = array<i32>} : memref<200x128xf32, #tpu.memory_space<vmem>>, vector<1x16xf32>,
        %get3A_949 = vector.shape_cast %get3A_948 : vector<1x16xf32> to vector<16xf32>
        %get3A_950 = arith.index_cast %scan3A_863 : i32 to index
        %get3A_951 = arith.constant 96 : index
        %get3A_952 = tpu.vector_load %arg6[%get3A_950, %get3A_951] {strides = array<i32>} : memref<200x128xf32, #tpu.memory_space<vmem>>, vector<1x16xf32>,
        %get3A_953 = vector.shape_cast %get3A_952 : vector<1x16xf32> to vector<16xf32>
        %add3A_954 = arith.addf %get3A_949, %get3A_953 : vector<16xf32>
        %swap3A_955 = arith.index_cast %scan3A_863 : i32 to index
        %swap3A_956 = arith.constant 96 : index
        %swap3A_957 = tpu.vector_load %arg14[%swap3A_955, %swap3A_956] {strides = array<i32>} : memref<200x128xf32, #tpu.memory_space<vmem>>, vector<1x16xf32>,
        %swap3A_958 = vector.shape_cast %swap3A_957 : vector<1x16xf32> to vector<16xf32>
        %swap3A_959 = vector.shape_cast %add3A_954 : vector<16xf32> to vector<1x16xf32>
        tpu.vector_store %arg14[%swap3A_955, %swap3A_956], %swap3A_959 {strides = array<i32>} : memref<200x128xf32, #tpu.memory_space<vmem>>, vector<1x16xf32>,
        %get3A_960 = arith.index_cast %scan3A_863 : i32 to index
        %get3A_961 = arith.constant 112 : index
        %get3A_962 = tpu.vector_load %arg14[%get3A_960, %get3A_961] {strides = array<i32>} : memref<200x128xf32, #tpu.memory_space<vmem>>, vector<1x16xf32>,
        %get3A_963 = vector.shape_cast %get3A_962 : vector<1x16xf32> to vector<16xf32>
        %get3A_964 = arith.index_cast %scan3A_863 : i32 to index
        %get3A_965 = arith.constant 112 : index
        %get3A_966 = tpu.vector_load %arg6[%get3A_964, %get3A_965] {strides = array<i32>} : memref<200x128xf32, #tpu.memory_space<vmem>>, vector<1x16xf32>,
        %get3A_967 = vector.shape_cast %get3A_966 : vector<1x16xf32> to vector<16xf32>
        %add3A_968 = arith.addf %get3A_963, %get3A_967 : vector<16xf32>
        %swap3A_969 = arith.index_cast %scan3A_863 : i32 to index
        %swap3A_970 = arith.constant 112 : index
        %swap3A_971 = tpu.vector_load %arg14[%swap3A_969, %swap3A_970] {strides = array<i32>} : memref<200x128xf32, #tpu.memory_space<vmem>>, vector<1x16xf32>,
        %swap3A_972 = vector.shape_cast %swap3A_971 : vector<1x16xf32> to vector<16xf32>
        %swap3A_973 = vector.shape_cast %add3A_968 : vector<16xf32> to vector<1x16xf32>
        tpu.vector_store %arg14[%swap3A_969, %swap3A_970], %swap3A_973 {strides = array<i32>} : memref<200x128xf32, #tpu.memory_space<vmem>>, vector<1x16xf32>,
      }
      %scan3A_853 = arith.constant 200 : i32
      %add3A_854 = arith.addi %mul3A_2, %add3A_792 : i32
      %dma_start3A_855 = arith.constant 0 : i32
      %dma_start3A_856 = arith.constant 0 : i32
      %dma_start3A_857 = tpu.memref_slice %arg5[%add3A_854, %dma_start3A_855, %dma_start3A_856] : memref<1024x200x128xf32, #tpu.memory_space<hbm>> -> memref<1x200x128xf32, #tpu.memory_space<hbm>>
      %dma_start3A_858 = tpu.memref_squeeze %dma_start3A_857 : memref<1x200x128xf32, #tpu.memory_space<hbm>> -> memref<200x128xf32, #tpu.memory_space<hbm>>
      %dma_start3A_859 = arith.constant 0 : i32
      %dma_start3A_860 = arith.constant 0 : i32
      %dma_start3A_861 = tpu.memref_slice %arg5[%add3A_854, %dma_start3A_859, %dma_start3A_860] : memref<1024x200x128xf32, #tpu.memory_space<hbm>> -> memref<1x200x128xf32, #tpu.memory_space<hbm>>
      %dma_start3A_862 = tpu.memref_squeeze %dma_start3A_861 : memref<1x200x128xf32, #tpu.memory_space<hbm>> -> memref<200x128xf32, #tpu.memory_space<hbm>>
      tpu.enqueue_dma source(%arg14 : memref<200x128xf32, #tpu.memory_space<vmem>>) target(%dma_start3A_862 : memref<200x128xf32, #tpu.memory_space<hbm>>) target_semaphore(%arg17 : memref<!tpu.dma_semaphore, #tpu.memory_space<semaphore_mem>>)
    }
    %scan3A_337 = arith.constant 6 : i32
    %add3A_338 = arith.constant 31 : i32
    %add3A_339 = arith.addi %mul3A_2, %add3A_338 : i32
    %dma_start3A_340 = arith.constant 0 : i32
    %dma_start3A_341 = tpu.memref_slice %arg2[%add3A_339, %dma_start3A_340] : memref<1024x200xi32, #tpu.memory_space<hbm>> -> memref<1x200xi32, #tpu.memory_space<hbm>>
    %dma_start3A_342 = tpu.memref_squeeze %dma_start3A_341 : memref<1x200xi32, #tpu.memory_space<hbm>> -> memref<200xi32, #tpu.memory_space<hbm>>
    %dma_start3A_343 = arith.constant 0 : i32
    %dma_start3A_344 = tpu.memref_slice %arg2[%add3A_339, %dma_start3A_343] : memref<1024x200xi32, #tpu.memory_space<hbm>> -> memref<1x200xi32, #tpu.memory_space<hbm>>
    %dma_start3A_345 = tpu.memref_squeeze %dma_start3A_344 : memref<1x200xi32, #tpu.memory_space<hbm>> -> memref<200xi32, #tpu.memory_space<hbm>>
    tpu.enqueue_dma source(%dma_start3A_345 : memref<200xi32, #tpu.memory_space<hbm>>) target(%arg10 : memref<200xi32, #tpu.memory_space<vmem>>) target_semaphore(%arg15 : memref<!tpu.dma_semaphore, #tpu.memory_space<semaphore_mem>>)
    %dma_wait3A_346 = arith.constant 0 : i32
    %dma_wait3A_347 = arith.constant 0 : i32
    %dma_wait3A_348 = tpu.memref_slice %arg5[%mul3A_2, %dma_wait3A_346, %dma_wait3A_347] : memref<1024x200x128xf32, #tpu.memory_space<hbm>> -> memref<1x200x128xf32, #tpu.memory_space<hbm>>
    %dma_wait3A_349 = tpu.memref_squeeze %dma_wait3A_348 : memref<1x200x128xf32, #tpu.memory_space<hbm>> -> memref<200x128xf32, #tpu.memory_space<hbm>>
    %dma_wait3A_350 = arith.constant 0 : i32
    %dma_wait3A_351 = arith.constant 0 : i32
    %dma_wait3A_352 = tpu.memref_slice %arg5[%mul3A_2, %dma_wait3A_350, %dma_wait3A_351] : memref<1024x200x128xf32, #tpu.memory_space<hbm>> -> memref<1x200x128xf32, #tpu.memory_space<hbm>>
    %dma_wait3A_353 = tpu.memref_squeeze %dma_wait3A_352 : memref<1x200x128xf32, #tpu.memory_space<hbm>> -> memref<200x128xf32, #tpu.memory_space<hbm>>
    tpu.wait_dma2 semaphore(%arg17 : memref<!tpu.dma_semaphore, #tpu.memory_space<semaphore_mem>>) src(%arg11 : memref<200x128xf32, #tpu.memory_space<vmem>>) dst(%dma_wait3A_353 : memref<200x128xf32, #tpu.memory_space<hbm>>)
    %dma_wait3A_354 = arith.constant 0 : i32
    %dma_wait3A_355 = tpu.memref_slice %arg2[%mul3A_2, %dma_wait3A_354] : memref<1024x200xi32, #tpu.memory_space<hbm>> -> memref<1x200xi32, #tpu.memory_space<hbm>>
    %dma_wait3A_356 = tpu.memref_squeeze %dma_wait3A_355 : memref<1x200xi32, #tpu.memory_space<hbm>> -> memref<200xi32, #tpu.memory_space<hbm>>
    %dma_wait3A_357 = arith.constant 0 : i32
    %dma_wait3A_358 = tpu.memref_slice %arg2[%mul3A_2, %dma_wait3A_357] : memref<1024x200xi32, #tpu.memory_space<hbm>> -> memref<1x200xi32, #tpu.memory_space<hbm>>
    %dma_wait3A_359 = tpu.memref_squeeze %dma_wait3A_358 : memref<1x200xi32, #tpu.memory_space<hbm>> -> memref<200xi32, #tpu.memory_space<hbm>>
    tpu.wait_dma2 semaphore(%arg15 : memref<!tpu.dma_semaphore, #tpu.memory_space<semaphore_mem>>) src(%dma_wait3A_359 : memref<200xi32, #tpu.memory_space<hbm>>) dst(%arg9 : memref<200xi32, #tpu.memory_space<vmem>>)
    %dma_start3A_360 = arith.constant 0 : i32
    %dma_start3A_361 = arith.constant 0 : i32
    %dma_start3A_362 = tpu.memref_slice %arg13[%dma_start3A_360, %dma_start3A_361] : memref<200x128xf32, #tpu.memory_space<vmem>> -> memref<128x128xf32, #tpu.memory_space<vmem>>
    %dma_start3A_363 = arith.constant 0 : i32
    %dma_start3A_364 = tpu.memref_slice %arg9[%dma_start3A_363] : memref<200xi32, #tpu.memory_space<vmem>> -> memref<128xi32, #tpu.memory_space<vmem>>
    %dma_start3A_365 = arith.constant 0 : i32
    %dma_start3A_366 = arith.constant 0 : i32
    %dma_start3A_367 = tpu.memref_slice %arg3[%dma_start3A_365, %dma_start3A_366] : memref<100000x128xf32, #tpu.memory_space<hbm>> -> memref<100000x128xf32, #tpu.memory_space<hbm>>
    tpu.enqueue_indirect_dma source(%dma_start3A_367 : memref<100000x128xf32, #tpu.memory_space<hbm>>) target(%dma_start3A_362 : memref<128x128xf32, #tpu.memory_space<vmem>>) offsets(%dma_start3A_364 : memref<128xi32, #tpu.memory_space<vmem>>) semaphore(%arg16 : memref<!tpu.dma_semaphore, #tpu.memory_space<semaphore_mem>>)
    %dma_start3A_368 = arith.constant 128 : i32
    %dma_start3A_369 = arith.constant 0 : i32
    %dma_start3A_370 = tpu.memref_slice %arg13[%dma_start3A_368, %dma_start3A_369] : memref<200x128xf32, #tpu.memory_space<vmem>> -> memref<72x128xf32, #tpu.memory_space<vmem>>
    %dma_start3A_371 = arith.constant 128 : i32
    %dma_start3A_372 = tpu.memref_slice %arg9[%dma_start3A_371] : memref<200xi32, #tpu.memory_space<vmem>> -> memref<72xi32, #tpu.memory_space<vmem>>
    %dma_start3A_373 = arith.constant 0 : i32
    %dma_start3A_374 = arith.constant 0 : i32
    %dma_start3A_375 = tpu.memref_slice %arg3[%dma_start3A_373, %dma_start3A_374] : memref<100000x128xf32, #tpu.memory_space<hbm>> -> memref<100000x128xf32, #tpu.memory_space<hbm>>
    tpu.enqueue_indirect_dma source(%dma_start3A_375 : memref<100000x128xf32, #tpu.memory_space<hbm>>) target(%dma_start3A_370 : memref<72x128xf32, #tpu.memory_space<vmem>>) offsets(%dma_start3A_372 : memref<72xi32, #tpu.memory_space<vmem>>) semaphore(%arg16 : memref<!tpu.dma_semaphore, #tpu.memory_space<semaphore_mem>>)
    %dma_wait3A_376 = arith.constant 0 : i32
    %dma_wait3A_377 = arith.constant 0 : i32
    %dma_wait3A_378 = tpu.memref_slice %arg11[%dma_wait3A_376, %dma_wait3A_377] : memref<200x128xf32, #tpu.memory_space<vmem>> -> memref<128x128xf32, #tpu.memory_space<vmem>>
    %dma_wait3A_379 = arith.constant 0 : i32
    %dma_wait3A_380 = tpu.memref_slice %arg7[%dma_wait3A_379] : memref<200xi32, #tpu.memory_space<vmem>> -> memref<128xi32, #tpu.memory_space<vmem>>
    %dma_wait3A_381 = arith.constant 0 : i32
    %dma_wait3A_382 = arith.constant 0 : i32
    %dma_wait3A_383 = tpu.memref_slice %arg3[%dma_wait3A_381, %dma_wait3A_382] : memref<100000x128xf32, #tpu.memory_space<hbm>> -> memref<100000x128xf32, #tpu.memory_space<hbm>>
    tpu.wait_indirect_dma semaphore(%arg16 : memref<!tpu.dma_semaphore, #tpu.memory_space<semaphore_mem>>) src(%dma_wait3A_383 : memref<100000x128xf32, #tpu.memory_space<hbm>>) dst(%dma_wait3A_378 : memref<128x128xf32, #tpu.memory_space<vmem>>)
    %dma_wait3A_384 = arith.constant 128 : i32
    %dma_wait3A_385 = arith.constant 0 : i32
    %dma_wait3A_386 = tpu.memref_slice %arg11[%dma_wait3A_384, %dma_wait3A_385] : memref<200x128xf32, #tpu.memory_space<vmem>> -> memref<72x128xf32, #tpu.memory_space<vmem>>
    %dma_wait3A_387 = arith.constant 128 : i32
    %dma_wait3A_388 = tpu.memref_slice %arg7[%dma_wait3A_387] : memref<200xi32, #tpu.memory_space<vmem>> -> memref<72xi32, #tpu.memory_space<vmem>>
    %dma_wait3A_389 = arith.constant 0 : i32
    %dma_wait3A_390 = arith.constant 0 : i32
    %dma_wait3A_391 = tpu.memref_slice %arg3[%dma_wait3A_389, %dma_wait3A_390] : memref<100000x128xf32, #tpu.memory_space<hbm>> -> memref<100000x128xf32, #tpu.memory_space<hbm>>
    tpu.wait_indirect_dma semaphore(%arg16 : memref<!tpu.dma_semaphore, #tpu.memory_space<semaphore_mem>>) src(%dma_wait3A_391 : memref<100000x128xf32, #tpu.memory_space<hbm>>) dst(%dma_wait3A_386 : memref<72x128xf32, #tpu.memory_space<vmem>>)
    %scan3A_392 = arith.constant 0 : i32
    %scan3A_393 = arith.constant 0 : i32
    %scan3A_394 = arith.constant 200 : i32
    %scan3A_395 = arith.addi %scan3A_393, %scan3A_394 : i32
    %scan3A_396 = arith.constant 1 : i32
    scf.for %scan3A_566 = %scan3A_393 to %scan3A_395 step %scan3A_396  : i32 {
      %get3A = arith.index_cast %scan3A_566 : i32 to index
      %get3A_567 = arith.constant 0 : index
      %get3A_568 = tpu.vector_load %arg11[%get3A, %get3A_567] {strides = array<i32>} : memref<200x128xf32, #tpu.memory_space<vmem>>, vector<1x16xf32>,
      %get3A_569 = vector.shape_cast %get3A_568 : vector<1x16xf32> to vector<16xf32>
      %get3A_570 = arith.index_cast %scan3A_566 : i32 to index
      %get3A_571 = arith.constant 0 : index
      %get3A_572 = tpu.vector_load %arg6[%get3A_570, %get3A_571] {strides = array<i32>} : memref<200x128xf32, #tpu.memory_space<vmem>>, vector<1x16xf32>,
      %get3A_573 = vector.shape_cast %get3A_572 : vector<1x16xf32> to vector<16xf32>
      %add3A_574 = arith.addf %get3A_569, %get3A_573 : vector<16xf32>
      %swap3A = arith.index_cast %scan3A_566 : i32 to index
      %swap3A_575 = arith.constant 0 : index
      %swap3A_576 = tpu.vector_load %arg11[%swap3A, %swap3A_575] {strides = array<i32>} : memref<200x128xf32, #tpu.memory_space<vmem>>, vector<1x16xf32>,
      %swap3A_577 = vector.shape_cast %swap3A_576 : vector<1x16xf32> to vector<16xf32>
      %swap3A_578 = vector.shape_cast %add3A_574 : vector<16xf32> to vector<1x16xf32>
      tpu.vector_store %arg11[%swap3A, %swap3A_575], %swap3A_578 {strides = array<i32>} : memref<200x128xf32, #tpu.memory_space<vmem>>, vector<1x16xf32>,
      %get3A_579 = arith.index_cast %scan3A_566 : i32 to index
      %get3A_580 = arith.constant 16 : index
      %get3A_581 = tpu.vector_load %arg11[%get3A_579, %get3A_580] {strides = array<i32>} : memref<200x128xf32, #tpu.memory_space<vmem>>, vector<1x16xf32>,
      %get3A_582 = vector.shape_cast %get3A_581 : vector<1x16xf32> to vector<16xf32>
      %get3A_583 = arith.index_cast %scan3A_566 : i32 to index
      %get3A_584 = arith.constant 16 : index
      %get3A_585 = tpu.vector_load %arg6[%get3A_583, %get3A_584] {strides = array<i32>} : memref<200x128xf32, #tpu.memory_space<vmem>>, vector<1x16xf32>,
      %get3A_586 = vector.shape_cast %get3A_585 : vector<1x16xf32> to vector<16xf32>
      %add3A_587 = arith.addf %get3A_582, %get3A_586 : vector<16xf32>
      %swap3A_588 = arith.index_cast %scan3A_566 : i32 to index
      %swap3A_589 = arith.constant 16 : index
      %swap3A_590 = tpu.vector_load %arg11[%swap3A_588, %swap3A_589] {strides = array<i32>} : memref<200x128xf32, #tpu.memory_space<vmem>>, vector<1x16xf32>,
      %swap3A_591 = vector.shape_cast %swap3A_590 : vector<1x16xf32> to vector<16xf32>
      %swap3A_592 = vector.shape_cast %add3A_587 : vector<16xf32> to vector<1x16xf32>
      tpu.vector_store %arg11[%swap3A_588, %swap3A_589], %swap3A_592 {strides = array<i32>} : memref<200x128xf32, #tpu.memory_space<vmem>>, vector<1x16xf32>,
      %get3A_593 = arith.index_cast %scan3A_566 : i32 to index
      %get3A_594 = arith.constant 32 : index
      %get3A_595 = tpu.vector_load %arg11[%get3A_593, %get3A_594] {strides = array<i32>} : memref<200x128xf32, #tpu.memory_space<vmem>>, vector<1x16xf32>,
      %get3A_596 = vector.shape_cast %get3A_595 : vector<1x16xf32> to vector<16xf32>
      %get3A_597 = arith.index_cast %scan3A_566 : i32 to index
      %get3A_598 = arith.constant 32 : index
      %get3A_599 = tpu.vector_load %arg6[%get3A_597, %get3A_598] {strides = array<i32>} : memref<200x128xf32, #tpu.memory_space<vmem>>, vector<1x16xf32>,
      %get3A_600 = vector.shape_cast %get3A_599 : vector<1x16xf32> to vector<16xf32>
      %add3A_601 = arith.addf %get3A_596, %get3A_600 : vector<16xf32>
      %swap3A_602 = arith.index_cast %scan3A_566 : i32 to index
      %swap3A_603 = arith.constant 32 : index
      %swap3A_604 = tpu.vector_load %arg11[%swap3A_602, %swap3A_603] {strides = array<i32>} : memref<200x128xf32, #tpu.memory_space<vmem>>, vector<1x16xf32>,
      %swap3A_605 = vector.shape_cast %swap3A_604 : vector<1x16xf32> to vector<16xf32>
      %swap3A_606 = vector.shape_cast %add3A_601 : vector<16xf32> to vector<1x16xf32>
      tpu.vector_store %arg11[%swap3A_602, %swap3A_603], %swap3A_606 {strides = array<i32>} : memref<200x128xf32, #tpu.memory_space<vmem>>, vector<1x16xf32>,
      %get3A_607 = arith.index_cast %scan3A_566 : i32 to index
      %get3A_608 = arith.constant 48 : index
      %get3A_609 = tpu.vector_load %arg11[%get3A_607, %get3A_608] {strides = array<i32>} : memref<200x128xf32, #tpu.memory_space<vmem>>, vector<1x16xf32>,
      %get3A_610 = vector.shape_cast %get3A_609 : vector<1x16xf32> to vector<16xf32>
      %get3A_611 = arith.index_cast %scan3A_566 : i32 to index
      %get3A_612 = arith.constant 48 : index
      %get3A_613 = tpu.vector_load %arg6[%get3A_611, %get3A_612] {strides = array<i32>} : memref<200x128xf32, #tpu.memory_space<vmem>>, vector<1x16xf32>,
      %get3A_614 = vector.shape_cast %get3A_613 : vector<1x16xf32> to vector<16xf32>
      %add3A_615 = arith.addf %get3A_610, %get3A_614 : vector<16xf32>
      %swap3A_616 = arith.index_cast %scan3A_566 : i32 to index
      %swap3A_617 = arith.constant 48 : index
      %swap3A_618 = tpu.vector_load %arg11[%swap3A_616, %swap3A_617] {strides = array<i32>} : memref<200x128xf32, #tpu.memory_space<vmem>>, vector<1x16xf32>,
      %swap3A_619 = vector.shape_cast %swap3A_618 : vector<1x16xf32> to vector<16xf32>
      %swap3A_620 = vector.shape_cast %add3A_615 : vector<16xf32> to vector<1x16xf32>
      tpu.vector_store %arg11[%swap3A_616, %swap3A_617], %swap3A_620 {strides = array<i32>} : memref<200x128xf32, #tpu.memory_space<vmem>>, vector<1x16xf32>,
      %get3A_621 = arith.index_cast %scan3A_566 : i32 to index
      %get3A_622 = arith.constant 64 : index
      %get3A_623 = tpu.vector_load %arg11[%get3A_621, %get3A_622] {strides = array<i32>} : memref<200x128xf32, #tpu.memory_space<vmem>>, vector<1x16xf32>,
      %get3A_624 = vector.shape_cast %get3A_623 : vector<1x16xf32> to vector<16xf32>
      %get3A_625 = arith.index_cast %scan3A_566 : i32 to index
      %get3A_626 = arith.constant 64 : index
      %get3A_627 = tpu.vector_load %arg6[%get3A_625, %get3A_626] {strides = array<i32>} : memref<200x128xf32, #tpu.memory_space<vmem>>, vector<1x16xf32>,
      %get3A_628 = vector.shape_cast %get3A_627 : vector<1x16xf32> to vector<16xf32>
      %add3A_629 = arith.addf %get3A_624, %get3A_628 : vector<16xf32>
      %swap3A_630 = arith.index_cast %scan3A_566 : i32 to index
      %swap3A_631 = arith.constant 64 : index
      %swap3A_632 = tpu.vector_load %arg11[%swap3A_630, %swap3A_631] {strides = array<i32>} : memref<200x128xf32, #tpu.memory_space<vmem>>, vector<1x16xf32>,
      %swap3A_633 = vector.shape_cast %swap3A_632 : vector<1x16xf32> to vector<16xf32>
      %swap3A_634 = vector.shape_cast %add3A_629 : vector<16xf32> to vector<1x16xf32>
      tpu.vector_store %arg11[%swap3A_630, %swap3A_631], %swap3A_634 {strides = array<i32>} : memref<200x128xf32, #tpu.memory_space<vmem>>, vector<1x16xf32>,
      %get3A_635 = arith.index_cast %scan3A_566 : i32 to index
      %get3A_636 = arith.constant 80 : index
      %get3A_637 = tpu.vector_load %arg11[%get3A_635, %get3A_636] {strides = array<i32>} : memref<200x128xf32, #tpu.memory_space<vmem>>, vector<1x16xf32>,
      %get3A_638 = vector.shape_cast %get3A_637 : vector<1x16xf32> to vector<16xf32>
      %get3A_639 = arith.index_cast %scan3A_566 : i32 to index
      %get3A_640 = arith.constant 80 : index
      %get3A_641 = tpu.vector_load %arg6[%get3A_639, %get3A_640] {strides = array<i32>} : memref<200x128xf32, #tpu.memory_space<vmem>>, vector<1x16xf32>,
      %get3A_642 = vector.shape_cast %get3A_641 : vector<1x16xf32> to vector<16xf32>
      %add3A_643 = arith.addf %get3A_638, %get3A_642 : vector<16xf32>
      %swap3A_644 = arith.index_cast %scan3A_566 : i32 to index
      %swap3A_645 = arith.constant 80 : index
      %swap3A_646 = tpu.vector_load %arg11[%swap3A_644, %swap3A_645] {strides = array<i32>} : memref<200x128xf32, #tpu.memory_space<vmem>>, vector<1x16xf32>,
      %swap3A_647 = vector.shape_cast %swap3A_646 : vector<1x16xf32> to vector<16xf32>
      %swap3A_648 = vector.shape_cast %add3A_643 : vector<16xf32> to vector<1x16xf32>
      tpu.vector_store %arg11[%swap3A_644, %swap3A_645], %swap3A_648 {strides = array<i32>} : memref<200x128xf32, #tpu.memory_space<vmem>>, vector<1x16xf32>,
      %get3A_649 = arith.index_cast %scan3A_566 : i32 to index
      %get3A_650 = arith.constant 96 : index
      %get3A_651 = tpu.vector_load %arg11[%get3A_649, %get3A_650] {strides = array<i32>} : memref<200x128xf32, #tpu.memory_space<vmem>>, vector<1x16xf32>,
      %get3A_652 = vector.shape_cast %get3A_651 : vector<1x16xf32> to vector<16xf32>
      %get3A_653 = arith.index_cast %scan3A_566 : i32 to index
      %get3A_654 = arith.constant 96 : index
      %get3A_655 = tpu.vector_load %arg6[%get3A_653, %get3A_654] {strides = array<i32>} : memref<200x128xf32, #tpu.memory_space<vmem>>, vector<1x16xf32>,
      %get3A_656 = vector.shape_cast %get3A_655 : vector<1x16xf32> to vector<16xf32>
      %add3A_657 = arith.addf %get3A_652, %get3A_656 : vector<16xf32>
      %swap3A_658 = arith.index_cast %scan3A_566 : i32 to index
      %swap3A_659 = arith.constant 96 : index
      %swap3A_660 = tpu.vector_load %arg11[%swap3A_658, %swap3A_659] {strides = array<i32>} : memref<200x128xf32, #tpu.memory_space<vmem>>, vector<1x16xf32>,
      %swap3A_661 = vector.shape_cast %swap3A_660 : vector<1x16xf32> to vector<16xf32>
      %swap3A_662 = vector.shape_cast %add3A_657 : vector<16xf32> to vector<1x16xf32>
      tpu.vector_store %arg11[%swap3A_658, %swap3A_659], %swap3A_662 {strides = array<i32>} : memref<200x128xf32, #tpu.memory_space<vmem>>, vector<1x16xf32>,
      %get3A_663 = arith.index_cast %scan3A_566 : i32 to index
      %get3A_664 = arith.constant 112 : index
      %get3A_665 = tpu.vector_load %arg11[%get3A_663, %get3A_664] {strides = array<i32>} : memref<200x128xf32, #tpu.memory_space<vmem>>, vector<1x16xf32>,
      %get3A_666 = vector.shape_cast %get3A_665 : vector<1x16xf32> to vector<16xf32>
      %get3A_667 = arith.index_cast %scan3A_566 : i32 to index
      %get3A_668 = arith.constant 112 : index
      %get3A_669 = tpu.vector_load %arg6[%get3A_667, %get3A_668] {strides = array<i32>} : memref<200x128xf32, #tpu.memory_space<vmem>>, vector<1x16xf32>,
      %get3A_670 = vector.shape_cast %get3A_669 : vector<1x16xf32> to vector<16xf32>
      %add3A_671 = arith.addf %get3A_666, %get3A_670 : vector<16xf32>
      %swap3A_672 = arith.index_cast %scan3A_566 : i32 to index
      %swap3A_673 = arith.constant 112 : index
      %swap3A_674 = tpu.vector_load %arg11[%swap3A_672, %swap3A_673] {strides = array<i32>} : memref<200x128xf32, #tpu.memory_space<vmem>>, vector<1x16xf32>,
      %swap3A_675 = vector.shape_cast %swap3A_674 : vector<1x16xf32> to vector<16xf32>
      %swap3A_676 = vector.shape_cast %add3A_671 : vector<16xf32> to vector<1x16xf32>
      tpu.vector_store %arg11[%swap3A_672, %swap3A_673], %swap3A_676 {strides = array<i32>} : memref<200x128xf32, #tpu.memory_space<vmem>>, vector<1x16xf32>,
    }
    %scan3A_397 = arith.constant 200 : i32
    %add3A_398 = arith.constant 28 : i32
    %add3A_399 = arith.addi %mul3A_2, %add3A_398 : i32
    %dma_start3A_400 = arith.constant 0 : i32
    %dma_start3A_401 = arith.constant 0 : i32
    %dma_start3A_402 = tpu.memref_slice %arg5[%add3A_399, %dma_start3A_400, %dma_start3A_401] : memref<1024x200x128xf32, #tpu.memory_space<hbm>> -> memref<1x200x128xf32, #tpu.memory_space<hbm>>
    %dma_start3A_403 = tpu.memref_squeeze %dma_start3A_402 : memref<1x200x128xf32, #tpu.memory_space<hbm>> -> memref<200x128xf32, #tpu.memory_space<hbm>>
    %dma_start3A_404 = arith.constant 0 : i32
    %dma_start3A_405 = arith.constant 0 : i32
    %dma_start3A_406 = tpu.memref_slice %arg5[%add3A_399, %dma_start3A_404, %dma_start3A_405] : memref<1024x200x128xf32, #tpu.memory_space<hbm>> -> memref<1x200x128xf32, #tpu.memory_space<hbm>>
    %dma_start3A_407 = tpu.memref_squeeze %dma_start3A_406 : memref<1x200x128xf32, #tpu.memory_space<hbm>> -> memref<200x128xf32, #tpu.memory_space<hbm>>
    tpu.enqueue_dma source(%arg11 : memref<200x128xf32, #tpu.memory_space<vmem>>) target(%dma_start3A_407 : memref<200x128xf32, #tpu.memory_space<hbm>>) target_semaphore(%arg17 : memref<!tpu.dma_semaphore, #tpu.memory_space<semaphore_mem>>)
    %dma_wait3A_408 = arith.constant 0 : i32
    %dma_wait3A_409 = arith.constant 0 : i32
    %dma_wait3A_410 = tpu.memref_slice %arg5[%mul3A_2, %dma_wait3A_408, %dma_wait3A_409] : memref<1024x200x128xf32, #tpu.memory_space<hbm>> -> memref<1x200x128xf32, #tpu.memory_space<hbm>>
    %dma_wait3A_411 = tpu.memref_squeeze %dma_wait3A_410 : memref<1x200x128xf32, #tpu.memory_space<hbm>> -> memref<200x128xf32, #tpu.memory_space<hbm>>
    %dma_wait3A_412 = arith.constant 0 : i32
    %dma_wait3A_413 = arith.constant 0 : i32
    %dma_wait3A_414 = tpu.memref_slice %arg5[%mul3A_2, %dma_wait3A_412, %dma_wait3A_413] : memref<1024x200x128xf32, #tpu.memory_space<hbm>> -> memref<1x200x128xf32, #tpu.memory_space<hbm>>
    %dma_wait3A_415 = tpu.memref_squeeze %dma_wait3A_414 : memref<1x200x128xf32, #tpu.memory_space<hbm>> -> memref<200x128xf32, #tpu.memory_space<hbm>>
    tpu.wait_dma2 semaphore(%arg17 : memref<!tpu.dma_semaphore, #tpu.memory_space<semaphore_mem>>) src(%arg11 : memref<200x128xf32, #tpu.memory_space<vmem>>) dst(%dma_wait3A_415 : memref<200x128xf32, #tpu.memory_space<hbm>>)
    %dma_wait3A_416 = arith.constant 0 : i32
    %dma_wait3A_417 = tpu.memref_slice %arg2[%mul3A_2, %dma_wait3A_416] : memref<1024x200xi32, #tpu.memory_space<hbm>> -> memref<1x200xi32, #tpu.memory_space<hbm>>
    %dma_wait3A_418 = tpu.memref_squeeze %dma_wait3A_417 : memref<1x200xi32, #tpu.memory_space<hbm>> -> memref<200xi32, #tpu.memory_space<hbm>>
    %dma_wait3A_419 = arith.constant 0 : i32
    %dma_wait3A_420 = tpu.memref_slice %arg2[%mul3A_2, %dma_wait3A_419] : memref<1024x200xi32, #tpu.memory_space<hbm>> -> memref<1x200xi32, #tpu.memory_space<hbm>>
    %dma_wait3A_421 = tpu.memref_squeeze %dma_wait3A_420 : memref<1x200xi32, #tpu.memory_space<hbm>> -> memref<200xi32, #tpu.memory_space<hbm>>
    tpu.wait_dma2 semaphore(%arg15 : memref<!tpu.dma_semaphore, #tpu.memory_space<semaphore_mem>>) src(%dma_wait3A_421 : memref<200xi32, #tpu.memory_space<hbm>>) dst(%arg10 : memref<200xi32, #tpu.memory_space<vmem>>)
    %dma_start3A_422 = arith.constant 0 : i32
    %dma_start3A_423 = arith.constant 0 : i32
    %dma_start3A_424 = tpu.memref_slice %arg14[%dma_start3A_422, %dma_start3A_423] : memref<200x128xf32, #tpu.memory_space<vmem>> -> memref<128x128xf32, #tpu.memory_space<vmem>>
    %dma_start3A_425 = arith.constant 0 : i32
    %dma_start3A_426 = tpu.memref_slice %arg10[%dma_start3A_425] : memref<200xi32, #tpu.memory_space<vmem>> -> memref<128xi32, #tpu.memory_space<vmem>>
    %dma_start3A_427 = arith.constant 0 : i32
    %dma_start3A_428 = arith.constant 0 : i32
    %dma_start3A_429 = tpu.memref_slice %arg3[%dma_start3A_427, %dma_start3A_428] : memref<100000x128xf32, #tpu.memory_space<hbm>> -> memref<100000x128xf32, #tpu.memory_space<hbm>>
    tpu.enqueue_indirect_dma source(%dma_start3A_429 : memref<100000x128xf32, #tpu.memory_space<hbm>>) target(%dma_start3A_424 : memref<128x128xf32, #tpu.memory_space<vmem>>) offsets(%dma_start3A_426 : memref<128xi32, #tpu.memory_space<vmem>>) semaphore(%arg16 : memref<!tpu.dma_semaphore, #tpu.memory_space<semaphore_mem>>)
    %dma_start3A_430 = arith.constant 128 : i32
    %dma_start3A_431 = arith.constant 0 : i32
    %dma_start3A_432 = tpu.memref_slice %arg14[%dma_start3A_430, %dma_start3A_431] : memref<200x128xf32, #tpu.memory_space<vmem>> -> memref<72x128xf32, #tpu.memory_space<vmem>>
    %dma_start3A_433 = arith.constant 128 : i32
    %dma_start3A_434 = tpu.memref_slice %arg10[%dma_start3A_433] : memref<200xi32, #tpu.memory_space<vmem>> -> memref<72xi32, #tpu.memory_space<vmem>>
    %dma_start3A_435 = arith.constant 0 : i32
    %dma_start3A_436 = arith.constant 0 : i32
    %dma_start3A_437 = tpu.memref_slice %arg3[%dma_start3A_435, %dma_start3A_436] : memref<100000x128xf32, #tpu.memory_space<hbm>> -> memref<100000x128xf32, #tpu.memory_space<hbm>>
    tpu.enqueue_indirect_dma source(%dma_start3A_437 : memref<100000x128xf32, #tpu.memory_space<hbm>>) target(%dma_start3A_432 : memref<72x128xf32, #tpu.memory_space<vmem>>) offsets(%dma_start3A_434 : memref<72xi32, #tpu.memory_space<vmem>>) semaphore(%arg16 : memref<!tpu.dma_semaphore, #tpu.memory_space<semaphore_mem>>)
    %dma_wait3A_438 = arith.constant 0 : i32
    %dma_wait3A_439 = arith.constant 0 : i32
    %dma_wait3A_440 = tpu.memref_slice %arg12[%dma_wait3A_438, %dma_wait3A_439] : memref<200x128xf32, #tpu.memory_space<vmem>> -> memref<128x128xf32, #tpu.memory_space<vmem>>
    %dma_wait3A_441 = arith.constant 0 : i32
    %dma_wait3A_442 = tpu.memref_slice %arg8[%dma_wait3A_441] : memref<200xi32, #tpu.memory_space<vmem>> -> memref<128xi32, #tpu.memory_space<vmem>>
    %dma_wait3A_443 = arith.constant 0 : i32
    %dma_wait3A_444 = arith.constant 0 : i32
    %dma_wait3A_445 = tpu.memref_slice %arg3[%dma_wait3A_443, %dma_wait3A_444] : memref<100000x128xf32, #tpu.memory_space<hbm>> -> memref<100000x128xf32, #tpu.memory_space<hbm>>
    tpu.wait_indirect_dma semaphore(%arg16 : memref<!tpu.dma_semaphore, #tpu.memory_space<semaphore_mem>>) src(%dma_wait3A_445 : memref<100000x128xf32, #tpu.memory_space<hbm>>) dst(%dma_wait3A_440 : memref<128x128xf32, #tpu.memory_space<vmem>>)
    %dma_wait3A_446 = arith.constant 128 : i32
    %dma_wait3A_447 = arith.constant 0 : i32
    %dma_wait3A_448 = tpu.memref_slice %arg12[%dma_wait3A_446, %dma_wait3A_447] : memref<200x128xf32, #tpu.memory_space<vmem>> -> memref<72x128xf32, #tpu.memory_space<vmem>>
    %dma_wait3A_449 = arith.constant 128 : i32
    %dma_wait3A_450 = tpu.memref_slice %arg8[%dma_wait3A_449] : memref<200xi32, #tpu.memory_space<vmem>> -> memref<72xi32, #tpu.memory_space<vmem>>
    %dma_wait3A_451 = arith.constant 0 : i32
    %dma_wait3A_452 = arith.constant 0 : i32
    %dma_wait3A_453 = tpu.memref_slice %arg3[%dma_wait3A_451, %dma_wait3A_452] : memref<100000x128xf32, #tpu.memory_space<hbm>> -> memref<100000x128xf32, #tpu.memory_space<hbm>>
    tpu.wait_indirect_dma semaphore(%arg16 : memref<!tpu.dma_semaphore, #tpu.memory_space<semaphore_mem>>) src(%dma_wait3A_453 : memref<100000x128xf32, #tpu.memory_space<hbm>>) dst(%dma_wait3A_448 : memref<72x128xf32, #tpu.memory_space<vmem>>)
    %scan3A_454 = arith.constant 0 : i32
    %scan3A_455 = arith.constant 0 : i32
    %scan3A_456 = arith.constant 200 : i32
    %scan3A_457 = arith.addi %scan3A_455, %scan3A_456 : i32
    %scan3A_458 = arith.constant 1 : i32
    scf.for %scan3A_566 = %scan3A_455 to %scan3A_457 step %scan3A_458  : i32 {
      %get3A = arith.index_cast %scan3A_566 : i32 to index
      %get3A_567 = arith.constant 0 : index
      %get3A_568 = tpu.vector_load %arg12[%get3A, %get3A_567] {strides = array<i32>} : memref<200x128xf32, #tpu.memory_space<vmem>>, vector<1x16xf32>,
      %get3A_569 = vector.shape_cast %get3A_568 : vector<1x16xf32> to vector<16xf32>
      %get3A_570 = arith.index_cast %scan3A_566 : i32 to index
      %get3A_571 = arith.constant 0 : index
      %get3A_572 = tpu.vector_load %arg6[%get3A_570, %get3A_571] {strides = array<i32>} : memref<200x128xf32, #tpu.memory_space<vmem>>, vector<1x16xf32>,
      %get3A_573 = vector.shape_cast %get3A_572 : vector<1x16xf32> to vector<16xf32>
      %add3A_574 = arith.addf %get3A_569, %get3A_573 : vector<16xf32>
      %swap3A = arith.index_cast %scan3A_566 : i32 to index
      %swap3A_575 = arith.constant 0 : index
      %swap3A_576 = tpu.vector_load %arg12[%swap3A, %swap3A_575] {strides = array<i32>} : memref<200x128xf32, #tpu.memory_space<vmem>>, vector<1x16xf32>,
      %swap3A_577 = vector.shape_cast %swap3A_576 : vector<1x16xf32> to vector<16xf32>
      %swap3A_578 = vector.shape_cast %add3A_574 : vector<16xf32> to vector<1x16xf32>
      tpu.vector_store %arg12[%swap3A, %swap3A_575], %swap3A_578 {strides = array<i32>} : memref<200x128xf32, #tpu.memory_space<vmem>>, vector<1x16xf32>,
      %get3A_579 = arith.index_cast %scan3A_566 : i32 to index
      %get3A_580 = arith.constant 16 : index
      %get3A_581 = tpu.vector_load %arg12[%get3A_579, %get3A_580] {strides = array<i32>} : memref<200x128xf32, #tpu.memory_space<vmem>>, vector<1x16xf32>,
      %get3A_582 = vector.shape_cast %get3A_581 : vector<1x16xf32> to vector<16xf32>
      %get3A_583 = arith.index_cast %scan3A_566 : i32 to index
      %get3A_584 = arith.constant 16 : index
      %get3A_585 = tpu.vector_load %arg6[%get3A_583, %get3A_584] {strides = array<i32>} : memref<200x128xf32, #tpu.memory_space<vmem>>, vector<1x16xf32>,
      %get3A_586 = vector.shape_cast %get3A_585 : vector<1x16xf32> to vector<16xf32>
      %add3A_587 = arith.addf %get3A_582, %get3A_586 : vector<16xf32>
      %swap3A_588 = arith.index_cast %scan3A_566 : i32 to index
      %swap3A_589 = arith.constant 16 : index
      %swap3A_590 = tpu.vector_load %arg12[%swap3A_588, %swap3A_589] {strides = array<i32>} : memref<200x128xf32, #tpu.memory_space<vmem>>, vector<1x16xf32>,
      %swap3A_591 = vector.shape_cast %swap3A_590 : vector<1x16xf32> to vector<16xf32>
      %swap3A_592 = vector.shape_cast %add3A_587 : vector<16xf32> to vector<1x16xf32>
      tpu.vector_store %arg12[%swap3A_588, %swap3A_589], %swap3A_592 {strides = array<i32>} : memref<200x128xf32, #tpu.memory_space<vmem>>, vector<1x16xf32>,
      %get3A_593 = arith.index_cast %scan3A_566 : i32 to index
      %get3A_594 = arith.constant 32 : index
      %get3A_595 = tpu.vector_load %arg12[%get3A_593, %get3A_594] {strides = array<i32>} : memref<200x128xf32, #tpu.memory_space<vmem>>, vector<1x16xf32>,
      %get3A_596 = vector.shape_cast %get3A_595 : vector<1x16xf32> to vector<16xf32>
      %get3A_597 = arith.index_cast %scan3A_566 : i32 to index
      %get3A_598 = arith.constant 32 : index
      %get3A_599 = tpu.vector_load %arg6[%get3A_597, %get3A_598] {strides = array<i32>} : memref<200x128xf32, #tpu.memory_space<vmem>>, vector<1x16xf32>,
      %get3A_600 = vector.shape_cast %get3A_599 : vector<1x16xf32> to vector<16xf32>
      %add3A_601 = arith.addf %get3A_596, %get3A_600 : vector<16xf32>
      %swap3A_602 = arith.index_cast %scan3A_566 : i32 to index
      %swap3A_603 = arith.constant 32 : index
      %swap3A_604 = tpu.vector_load %arg12[%swap3A_602, %swap3A_603] {strides = array<i32>} : memref<200x128xf32, #tpu.memory_space<vmem>>, vector<1x16xf32>,
      %swap3A_605 = vector.shape_cast %swap3A_604 : vector<1x16xf32> to vector<16xf32>
      %swap3A_606 = vector.shape_cast %add3A_601 : vector<16xf32> to vector<1x16xf32>
      tpu.vector_store %arg12[%swap3A_602, %swap3A_603], %swap3A_606 {strides = array<i32>} : memref<200x128xf32, #tpu.memory_space<vmem>>, vector<1x16xf32>,
      %get3A_607 = arith.index_cast %scan3A_566 : i32 to index
      %get3A_608 = arith.constant 48 : index
      %get3A_609 = tpu.vector_load %arg12[%get3A_607, %get3A_608] {strides = array<i32>} : memref<200x128xf32, #tpu.memory_space<vmem>>, vector<1x16xf32>,
      %get3A_610 = vector.shape_cast %get3A_609 : vector<1x16xf32> to vector<16xf32>
      %get3A_611 = arith.index_cast %scan3A_566 : i32 to index
      %get3A_612 = arith.constant 48 : index
      %get3A_613 = tpu.vector_load %arg6[%get3A_611, %get3A_612] {strides = array<i32>} : memref<200x128xf32, #tpu.memory_space<vmem>>, vector<1x16xf32>,
      %get3A_614 = vector.shape_cast %get3A_613 : vector<1x16xf32> to vector<16xf32>
      %add3A_615 = arith.addf %get3A_610, %get3A_614 : vector<16xf32>
      %swap3A_616 = arith.index_cast %scan3A_566 : i32 to index
      %swap3A_617 = arith.constant 48 : index
      %swap3A_618 = tpu.vector_load %arg12[%swap3A_616, %swap3A_617] {strides = array<i32>} : memref<200x128xf32, #tpu.memory_space<vmem>>, vector<1x16xf32>,
      %swap3A_619 = vector.shape_cast %swap3A_618 : vector<1x16xf32> to vector<16xf32>
      %swap3A_620 = vector.shape_cast %add3A_615 : vector<16xf32> to vector<1x16xf32>
      tpu.vector_store %arg12[%swap3A_616, %swap3A_617], %swap3A_620 {strides = array<i32>} : memref<200x128xf32, #tpu.memory_space<vmem>>, vector<1x16xf32>,
      %get3A_621 = arith.index_cast %scan3A_566 : i32 to index
      %get3A_622 = arith.constant 64 : index
      %get3A_623 = tpu.vector_load %arg12[%get3A_621, %get3A_622] {strides = array<i32>} : memref<200x128xf32, #tpu.memory_space<vmem>>, vector<1x16xf32>,
      %get3A_624 = vector.shape_cast %get3A_623 : vector<1x16xf32> to vector<16xf32>
      %get3A_625 = arith.index_cast %scan3A_566 : i32 to index
      %get3A_626 = arith.constant 64 : index
      %get3A_627 = tpu.vector_load %arg6[%get3A_625, %get3A_626] {strides = array<i32>} : memref<200x128xf32, #tpu.memory_space<vmem>>, vector<1x16xf32>,
      %get3A_628 = vector.shape_cast %get3A_627 : vector<1x16xf32> to vector<16xf32>
      %add3A_629 = arith.addf %get3A_624, %get3A_628 : vector<16xf32>
      %swap3A_630 = arith.index_cast %scan3A_566 : i32 to index
      %swap3A_631 = arith.constant 64 : index
      %swap3A_632 = tpu.vector_load %arg12[%swap3A_630, %swap3A_631] {strides = array<i32>} : memref<200x128xf32, #tpu.memory_space<vmem>>, vector<1x16xf32>,
      %swap3A_633 = vector.shape_cast %swap3A_632 : vector<1x16xf32> to vector<16xf32>
      %swap3A_634 = vector.shape_cast %add3A_629 : vector<16xf32> to vector<1x16xf32>
      tpu.vector_store %arg12[%swap3A_630, %swap3A_631], %swap3A_634 {strides = array<i32>} : memref<200x128xf32, #tpu.memory_space<vmem>>, vector<1x16xf32>,
      %get3A_635 = arith.index_cast %scan3A_566 : i32 to index
      %get3A_636 = arith.constant 80 : index
      %get3A_637 = tpu.vector_load %arg12[%get3A_635, %get3A_636] {strides = array<i32>} : memref<200x128xf32, #tpu.memory_space<vmem>>, vector<1x16xf32>,
      %get3A_638 = vector.shape_cast %get3A_637 : vector<1x16xf32> to vector<16xf32>
      %get3A_639 = arith.index_cast %scan3A_566 : i32 to index
      %get3A_640 = arith.constant 80 : index
      %get3A_641 = tpu.vector_load %arg6[%get3A_639, %get3A_640] {strides = array<i32>} : memref<200x128xf32, #tpu.memory_space<vmem>>, vector<1x16xf32>,
      %get3A_642 = vector.shape_cast %get3A_641 : vector<1x16xf32> to vector<16xf32>
      %add3A_643 = arith.addf %get3A_638, %get3A_642 : vector<16xf32>
      %swap3A_644 = arith.index_cast %scan3A_566 : i32 to index
      %swap3A_645 = arith.constant 80 : index
      %swap3A_646 = tpu.vector_load %arg12[%swap3A_644, %swap3A_645] {strides = array<i32>} : memref<200x128xf32, #tpu.memory_space<vmem>>, vector<1x16xf32>,
      %swap3A_647 = vector.shape_cast %swap3A_646 : vector<1x16xf32> to vector<16xf32>
      %swap3A_648 = vector.shape_cast %add3A_643 : vector<16xf32> to vector<1x16xf32>
      tpu.vector_store %arg12[%swap3A_644, %swap3A_645], %swap3A_648 {strides = array<i32>} : memref<200x128xf32, #tpu.memory_space<vmem>>, vector<1x16xf32>,
      %get3A_649 = arith.index_cast %scan3A_566 : i32 to index
      %get3A_650 = arith.constant 96 : index
      %get3A_651 = tpu.vector_load %arg12[%get3A_649, %get3A_650] {strides = array<i32>} : memref<200x128xf32, #tpu.memory_space<vmem>>, vector<1x16xf32>,
      %get3A_652 = vector.shape_cast %get3A_651 : vector<1x16xf32> to vector<16xf32>
      %get3A_653 = arith.index_cast %scan3A_566 : i32 to index
      %get3A_654 = arith.constant 96 : index
      %get3A_655 = tpu.vector_load %arg6[%get3A_653, %get3A_654] {strides = array<i32>} : memref<200x128xf32, #tpu.memory_space<vmem>>, vector<1x16xf32>,
      %get3A_656 = vector.shape_cast %get3A_655 : vector<1x16xf32> to vector<16xf32>
      %add3A_657 = arith.addf %get3A_652, %get3A_656 : vector<16xf32>
      %swap3A_658 = arith.index_cast %scan3A_566 : i32 to index
      %swap3A_659 = arith.constant 96 : index
      %swap3A_660 = tpu.vector_load %arg12[%swap3A_658, %swap3A_659] {strides = array<i32>} : memref<200x128xf32, #tpu.memory_space<vmem>>, vector<1x16xf32>,
      %swap3A_661 = vector.shape_cast %swap3A_660 : vector<1x16xf32> to vector<16xf32>
      %swap3A_662 = vector.shape_cast %add3A_657 : vector<16xf32> to vector<1x16xf32>
      tpu.vector_store %arg12[%swap3A_658, %swap3A_659], %swap3A_662 {strides = array<i32>} : memref<200x128xf32, #tpu.memory_space<vmem>>, vector<1x16xf32>,
      %get3A_663 = arith.index_cast %scan3A_566 : i32 to index
      %get3A_664 = arith.constant 112 : index
      %get3A_665 = tpu.vector_load %arg12[%get3A_663, %get3A_664] {strides = array<i32>} : memref<200x128xf32, #tpu.memory_space<vmem>>, vector<1x16xf32>,
      %get3A_666 = vector.shape_cast %get3A_665 : vector<1x16xf32> to vector<16xf32>
      %get3A_667 = arith.index_cast %scan3A_566 : i32 to index
      %get3A_668 = arith.constant 112 : index
      %get3A_669 = tpu.vector_load %arg6[%get3A_667, %get3A_668] {strides = array<i32>} : memref<200x128xf32, #tpu.memory_space<vmem>>, vector<1x16xf32>,
      %get3A_670 = vector.shape_cast %get3A_669 : vector<1x16xf32> to vector<16xf32>
      %add3A_671 = arith.addf %get3A_666, %get3A_670 : vector<16xf32>
      %swap3A_672 = arith.index_cast %scan3A_566 : i32 to index
      %swap3A_673 = arith.constant 112 : index
      %swap3A_674 = tpu.vector_load %arg12[%swap3A_672, %swap3A_673] {strides = array<i32>} : memref<200x128xf32, #tpu.memory_space<vmem>>, vector<1x16xf32>,
      %swap3A_675 = vector.shape_cast %swap3A_674 : vector<1x16xf32> to vector<16xf32>
      %swap3A_676 = vector.shape_cast %add3A_671 : vector<16xf32> to vector<1x16xf32>
      tpu.vector_store %arg12[%swap3A_672, %swap3A_673], %swap3A_676 {strides = array<i32>} : memref<200x128xf32, #tpu.memory_space<vmem>>, vector<1x16xf32>,
    }
    %scan3A_459 = arith.constant 200 : i32
    %add3A_460 = arith.constant 29 : i32
    %add3A_461 = arith.addi %mul3A_2, %add3A_460 : i32
    %dma_start3A_462 = arith.constant 0 : i32
    %dma_start3A_463 = arith.constant 0 : i32
    %dma_start3A_464 = tpu.memref_slice %arg5[%add3A_461, %dma_start3A_462, %dma_start3A_463] : memref<1024x200x128xf32, #tpu.memory_space<hbm>> -> memref<1x200x128xf32, #tpu.memory_space<hbm>>
    %dma_start3A_465 = tpu.memref_squeeze %dma_start3A_464 : memref<1x200x128xf32, #tpu.memory_space<hbm>> -> memref<200x128xf32, #tpu.memory_space<hbm>>
    %dma_start3A_466 = arith.constant 0 : i32
    %dma_start3A_467 = arith.constant 0 : i32
    %dma_start3A_468 = tpu.memref_slice %arg5[%add3A_461, %dma_start3A_466, %dma_start3A_467] : memref<1024x200x128xf32, #tpu.memory_space<hbm>> -> memref<1x200x128xf32, #tpu.memory_space<hbm>>
    %dma_start3A_469 = tpu.memref_squeeze %dma_start3A_468 : memref<1x200x128xf32, #tpu.memory_space<hbm>> -> memref<200x128xf32, #tpu.memory_space<hbm>>
    tpu.enqueue_dma source(%arg12 : memref<200x128xf32, #tpu.memory_space<vmem>>) target(%dma_start3A_469 : memref<200x128xf32, #tpu.memory_space<hbm>>) target_semaphore(%arg17 : memref<!tpu.dma_semaphore, #tpu.memory_space<semaphore_mem>>)
    %dma_wait3A_470 = arith.constant 0 : i32
    %dma_wait3A_471 = arith.constant 0 : i32
    %dma_wait3A_472 = tpu.memref_slice %arg13[%dma_wait3A_470, %dma_wait3A_471] : memref<200x128xf32, #tpu.memory_space<vmem>> -> memref<128x128xf32, #tpu.memory_space<vmem>>
    %dma_wait3A_473 = arith.constant 0 : i32
    %dma_wait3A_474 = tpu.memref_slice %arg9[%dma_wait3A_473] : memref<200xi32, #tpu.memory_space<vmem>> -> memref<128xi32, #tpu.memory_space<vmem>>
    %dma_wait3A_475 = arith.constant 0 : i32
    %dma_wait3A_476 = arith.constant 0 : i32
    %dma_wait3A_477 = tpu.memref_slice %arg3[%dma_wait3A_475, %dma_wait3A_476] : memref<100000x128xf32, #tpu.memory_space<hbm>> -> memref<100000x128xf32, #tpu.memory_space<hbm>>
    tpu.wait_indirect_dma semaphore(%arg16 : memref<!tpu.dma_semaphore, #tpu.memory_space<semaphore_mem>>) src(%dma_wait3A_477 : memref<100000x128xf32, #tpu.memory_space<hbm>>) dst(%dma_wait3A_472 : memref<128x128xf32, #tpu.memory_space<vmem>>)
    %dma_wait3A_478 = arith.constant 128 : i32
    %dma_wait3A_479 = arith.constant 0 : i32
    %dma_wait3A_480 = tpu.memref_slice %arg13[%dma_wait3A_478, %dma_wait3A_479] : memref<200x128xf32, #tpu.memory_space<vmem>> -> memref<72x128xf32, #tpu.memory_space<vmem>>
    %dma_wait3A_481 = arith.constant 128 : i32
    %dma_wait3A_482 = tpu.memref_slice %arg9[%dma_wait3A_481] : memref<200xi32, #tpu.memory_space<vmem>> -> memref<72xi32, #tpu.memory_space<vmem>>
    %dma_wait3A_483 = arith.constant 0 : i32
    %dma_wait3A_484 = arith.constant 0 : i32
    %dma_wait3A_485 = tpu.memref_slice %arg3[%dma_wait3A_483, %dma_wait3A_484] : memref<100000x128xf32, #tpu.memory_space<hbm>> -> memref<100000x128xf32, #tpu.memory_space<hbm>>
    tpu.wait_indirect_dma semaphore(%arg16 : memref<!tpu.dma_semaphore, #tpu.memory_space<semaphore_mem>>) src(%dma_wait3A_485 : memref<100000x128xf32, #tpu.memory_space<hbm>>) dst(%dma_wait3A_480 : memref<72x128xf32, #tpu.memory_space<vmem>>)
    %scan3A_486 = arith.constant 0 : i32
    %scan3A_487 = arith.constant 0 : i32
    %scan3A_488 = arith.constant 200 : i32
    %scan3A_489 = arith.addi %scan3A_487, %scan3A_488 : i32
    %scan3A_490 = arith.constant 1 : i32
    scf.for %scan3A_566 = %scan3A_487 to %scan3A_489 step %scan3A_490  : i32 {
      %get3A = arith.index_cast %scan3A_566 : i32 to index
      %get3A_567 = arith.constant 0 : index
      %get3A_568 = tpu.vector_load %arg13[%get3A, %get3A_567] {strides = array<i32>} : memref<200x128xf32, #tpu.memory_space<vmem>>, vector<1x16xf32>,
      %get3A_569 = vector.shape_cast %get3A_568 : vector<1x16xf32> to vector<16xf32>
      %get3A_570 = arith.index_cast %scan3A_566 : i32 to index
      %get3A_571 = arith.constant 0 : index
      %get3A_572 = tpu.vector_load %arg6[%get3A_570, %get3A_571] {strides = array<i32>} : memref<200x128xf32, #tpu.memory_space<vmem>>, vector<1x16xf32>,
      %get3A_573 = vector.shape_cast %get3A_572 : vector<1x16xf32> to vector<16xf32>
      %add3A_574 = arith.addf %get3A_569, %get3A_573 : vector<16xf32>
      %swap3A = arith.index_cast %scan3A_566 : i32 to index
      %swap3A_575 = arith.constant 0 : index
      %swap3A_576 = tpu.vector_load %arg13[%swap3A, %swap3A_575] {strides = array<i32>} : memref<200x128xf32, #tpu.memory_space<vmem>>, vector<1x16xf32>,
      %swap3A_577 = vector.shape_cast %swap3A_576 : vector<1x16xf32> to vector<16xf32>
      %swap3A_578 = vector.shape_cast %add3A_574 : vector<16xf32> to vector<1x16xf32>
      tpu.vector_store %arg13[%swap3A, %swap3A_575], %swap3A_578 {strides = array<i32>} : memref<200x128xf32, #tpu.memory_space<vmem>>, vector<1x16xf32>,
      %get3A_579 = arith.index_cast %scan3A_566 : i32 to index
      %get3A_580 = arith.constant 16 : index
      %get3A_581 = tpu.vector_load %arg13[%get3A_579, %get3A_580] {strides = array<i32>} : memref<200x128xf32, #tpu.memory_space<vmem>>, vector<1x16xf32>,
      %get3A_582 = vector.shape_cast %get3A_581 : vector<1x16xf32> to vector<16xf32>
      %get3A_583 = arith.index_cast %scan3A_566 : i32 to index
      %get3A_584 = arith.constant 16 : index
      %get3A_585 = tpu.vector_load %arg6[%get3A_583, %get3A_584] {strides = array<i32>} : memref<200x128xf32, #tpu.memory_space<vmem>>, vector<1x16xf32>,
      %get3A_586 = vector.shape_cast %get3A_585 : vector<1x16xf32> to vector<16xf32>
      %add3A_587 = arith.addf %get3A_582, %get3A_586 : vector<16xf32>
      %swap3A_588 = arith.index_cast %scan3A_566 : i32 to index
      %swap3A_589 = arith.constant 16 : index
      %swap3A_590 = tpu.vector_load %arg13[%swap3A_588, %swap3A_589] {strides = array<i32>} : memref<200x128xf32, #tpu.memory_space<vmem>>, vector<1x16xf32>,
      %swap3A_591 = vector.shape_cast %swap3A_590 : vector<1x16xf32> to vector<16xf32>
      %swap3A_592 = vector.shape_cast %add3A_587 : vector<16xf32> to vector<1x16xf32>
      tpu.vector_store %arg13[%swap3A_588, %swap3A_589], %swap3A_592 {strides = array<i32>} : memref<200x128xf32, #tpu.memory_space<vmem>>, vector<1x16xf32>,
      %get3A_593 = arith.index_cast %scan3A_566 : i32 to index
      %get3A_594 = arith.constant 32 : index
      %get3A_595 = tpu.vector_load %arg13[%get3A_593, %get3A_594] {strides = array<i32>} : memref<200x128xf32, #tpu.memory_space<vmem>>, vector<1x16xf32>,
      %get3A_596 = vector.shape_cast %get3A_595 : vector<1x16xf32> to vector<16xf32>
      %get3A_597 = arith.index_cast %scan3A_566 : i32 to index
      %get3A_598 = arith.constant 32 : index
      %get3A_599 = tpu.vector_load %arg6[%get3A_597, %get3A_598] {strides = array<i32>} : memref<200x128xf32, #tpu.memory_space<vmem>>, vector<1x16xf32>,
      %get3A_600 = vector.shape_cast %get3A_599 : vector<1x16xf32> to vector<16xf32>
      %add3A_601 = arith.addf %get3A_596, %get3A_600 : vector<16xf32>
      %swap3A_602 = arith.index_cast %scan3A_566 : i32 to index
      %swap3A_603 = arith.constant 32 : index
      %swap3A_604 = tpu.vector_load %arg13[%swap3A_602, %swap3A_603] {strides = array<i32>} : memref<200x128xf32, #tpu.memory_space<vmem>>, vector<1x16xf32>,
      %swap3A_605 = vector.shape_cast %swap3A_604 : vector<1x16xf32> to vector<16xf32>
      %swap3A_606 = vector.shape_cast %add3A_601 : vector<16xf32> to vector<1x16xf32>
      tpu.vector_store %arg13[%swap3A_602, %swap3A_603], %swap3A_606 {strides = array<i32>} : memref<200x128xf32, #tpu.memory_space<vmem>>, vector<1x16xf32>,
      %get3A_607 = arith.index_cast %scan3A_566 : i32 to index
      %get3A_608 = arith.constant 48 : index
      %get3A_609 = tpu.vector_load %arg13[%get3A_607, %get3A_608] {strides = array<i32>} : memref<200x128xf32, #tpu.memory_space<vmem>>, vector<1x16xf32>,
      %get3A_610 = vector.shape_cast %get3A_609 : vector<1x16xf32> to vector<16xf32>
      %get3A_611 = arith.index_cast %scan3A_566 : i32 to index
      %get3A_612 = arith.constant 48 : index
      %get3A_613 = tpu.vector_load %arg6[%get3A_611, %get3A_612] {strides = array<i32>} : memref<200x128xf32, #tpu.memory_space<vmem>>, vector<1x16xf32>,
      %get3A_614 = vector.shape_cast %get3A_613 : vector<1x16xf32> to vector<16xf32>
      %add3A_615 = arith.addf %get3A_610, %get3A_614 : vector<16xf32>
      %swap3A_616 = arith.index_cast %scan3A_566 : i32 to index
      %swap3A_617 = arith.constant 48 : index
      %swap3A_618 = tpu.vector_load %arg13[%swap3A_616, %swap3A_617] {strides = array<i32>} : memref<200x128xf32, #tpu.memory_space<vmem>>, vector<1x16xf32>,
      %swap3A_619 = vector.shape_cast %swap3A_618 : vector<1x16xf32> to vector<16xf32>
      %swap3A_620 = vector.shape_cast %add3A_615 : vector<16xf32> to vector<1x16xf32>
      tpu.vector_store %arg13[%swap3A_616, %swap3A_617], %swap3A_620 {strides = array<i32>} : memref<200x128xf32, #tpu.memory_space<vmem>>, vector<1x16xf32>,
      %get3A_621 = arith.index_cast %scan3A_566 : i32 to index
      %get3A_622 = arith.constant 64 : index
      %get3A_623 = tpu.vector_load %arg13[%get3A_621, %get3A_622] {strides = array<i32>} : memref<200x128xf32, #tpu.memory_space<vmem>>, vector<1x16xf32>,
      %get3A_624 = vector.shape_cast %get3A_623 : vector<1x16xf32> to vector<16xf32>
      %get3A_625 = arith.index_cast %scan3A_566 : i32 to index
      %get3A_626 = arith.constant 64 : index
      %get3A_627 = tpu.vector_load %arg6[%get3A_625, %get3A_626] {strides = array<i32>} : memref<200x128xf32, #tpu.memory_space<vmem>>, vector<1x16xf32>,
      %get3A_628 = vector.shape_cast %get3A_627 : vector<1x16xf32> to vector<16xf32>
      %add3A_629 = arith.addf %get3A_624, %get3A_628 : vector<16xf32>
      %swap3A_630 = arith.index_cast %scan3A_566 : i32 to index
      %swap3A_631 = arith.constant 64 : index
      %swap3A_632 = tpu.vector_load %arg13[%swap3A_630, %swap3A_631] {strides = array<i32>} : memref<200x128xf32, #tpu.memory_space<vmem>>, vector<1x16xf32>,
      %swap3A_633 = vector.shape_cast %swap3A_632 : vector<1x16xf32> to vector<16xf32>
      %swap3A_634 = vector.shape_cast %add3A_629 : vector<16xf32> to vector<1x16xf32>
      tpu.vector_store %arg13[%swap3A_630, %swap3A_631], %swap3A_634 {strides = array<i32>} : memref<200x128xf32, #tpu.memory_space<vmem>>, vector<1x16xf32>,
      %get3A_635 = arith.index_cast %scan3A_566 : i32 to index
      %get3A_636 = arith.constant 80 : index
      %get3A_637 = tpu.vector_load %arg13[%get3A_635, %get3A_636] {strides = array<i32>} : memref<200x128xf32, #tpu.memory_space<vmem>>, vector<1x16xf32>,
      %get3A_638 = vector.shape_cast %get3A_637 : vector<1x16xf32> to vector<16xf32>
      %get3A_639 = arith.index_cast %scan3A_566 : i32 to index
      %get3A_640 = arith.constant 80 : index
      %get3A_641 = tpu.vector_load %arg6[%get3A_639, %get3A_640] {strides = array<i32>} : memref<200x128xf32, #tpu.memory_space<vmem>>, vector<1x16xf32>,
      %get3A_642 = vector.shape_cast %get3A_641 : vector<1x16xf32> to vector<16xf32>
      %add3A_643 = arith.addf %get3A_638, %get3A_642 : vector<16xf32>
      %swap3A_644 = arith.index_cast %scan3A_566 : i32 to index
      %swap3A_645 = arith.constant 80 : index
      %swap3A_646 = tpu.vector_load %arg13[%swap3A_644, %swap3A_645] {strides = array<i32>} : memref<200x128xf32, #tpu.memory_space<vmem>>, vector<1x16xf32>,
      %swap3A_647 = vector.shape_cast %swap3A_646 : vector<1x16xf32> to vector<16xf32>
      %swap3A_648 = vector.shape_cast %add3A_643 : vector<16xf32> to vector<1x16xf32>
      tpu.vector_store %arg13[%swap3A_644, %swap3A_645], %swap3A_648 {strides = array<i32>} : memref<200x128xf32, #tpu.memory_space<vmem>>, vector<1x16xf32>,
      %get3A_649 = arith.index_cast %scan3A_566 : i32 to index
      %get3A_650 = arith.constant 96 : index
      %get3A_651 = tpu.vector_load %arg13[%get3A_649, %get3A_650] {strides = array<i32>} : memref<200x128xf32, #tpu.memory_space<vmem>>, vector<1x16xf32>,
      %get3A_652 = vector.shape_cast %get3A_651 : vector<1x16xf32> to vector<16xf32>
      %get3A_653 = arith.index_cast %scan3A_566 : i32 to index
      %get3A_654 = arith.constant 96 : index
      %get3A_655 = tpu.vector_load %arg6[%get3A_653, %get3A_654] {strides = array<i32>} : memref<200x128xf32, #tpu.memory_space<vmem>>, vector<1x16xf32>,
      %get3A_656 = vector.shape_cast %get3A_655 : vector<1x16xf32> to vector<16xf32>
      %add3A_657 = arith.addf %get3A_652, %get3A_656 : vector<16xf32>
      %swap3A_658 = arith.index_cast %scan3A_566 : i32 to index
      %swap3A_659 = arith.constant 96 : index
      %swap3A_660 = tpu.vector_load %arg13[%swap3A_658, %swap3A_659] {strides = array<i32>} : memref<200x128xf32, #tpu.memory_space<vmem>>, vector<1x16xf32>,
      %swap3A_661 = vector.shape_cast %swap3A_660 : vector<1x16xf32> to vector<16xf32>
      %swap3A_662 = vector.shape_cast %add3A_657 : vector<16xf32> to vector<1x16xf32>
      tpu.vector_store %arg13[%swap3A_658, %swap3A_659], %swap3A_662 {strides = array<i32>} : memref<200x128xf32, #tpu.memory_space<vmem>>, vector<1x16xf32>,
      %get3A_663 = arith.index_cast %scan3A_566 : i32 to index
      %get3A_664 = arith.constant 112 : index
      %get3A_665 = tpu.vector_load %arg13[%get3A_663, %get3A_664] {strides = array<i32>} : memref<200x128xf32, #tpu.memory_space<vmem>>, vector<1x16xf32>,
      %get3A_666 = vector.shape_cast %get3A_665 : vector<1x16xf32> to vector<16xf32>
      %get3A_667 = arith.index_cast %scan3A_566 : i32 to index
      %get3A_668 = arith.constant 112 : index
      %get3A_669 = tpu.vector_load %arg6[%get3A_667, %get3A_668] {strides = array<i32>} : memref<200x128xf32, #tpu.memory_space<vmem>>, vector<1x16xf32>,
      %get3A_670 = vector.shape_cast %get3A_669 : vector<1x16xf32> to vector<16xf32>
      %add3A_671 = arith.addf %get3A_666, %get3A_670 : vector<16xf32>
      %swap3A_672 = arith.index_cast %scan3A_566 : i32 to index
      %swap3A_673 = arith.constant 112 : index
      %swap3A_674 = tpu.vector_load %arg13[%swap3A_672, %swap3A_673] {strides = array<i32>} : memref<200x128xf32, #tpu.memory_space<vmem>>, vector<1x16xf32>,
      %swap3A_675 = vector.shape_cast %swap3A_674 : vector<1x16xf32> to vector<16xf32>
      %swap3A_676 = vector.shape_cast %add3A_671 : vector<16xf32> to vector<1x16xf32>
      tpu.vector_store %arg13[%swap3A_672, %swap3A_673], %swap3A_676 {strides = array<i32>} : memref<200x128xf32, #tpu.memory_space<vmem>>, vector<1x16xf32>,
    }
    %scan3A_491 = arith.constant 200 : i32
    %add3A_492 = arith.constant 30 : i32
    %add3A_493 = arith.addi %mul3A_2, %add3A_492 : i32
    %dma_start3A_494 = arith.constant 0 : i32
    %dma_start3A_495 = arith.constant 0 : i32
    %dma_start3A_496 = tpu.memref_slice %arg5[%add3A_493, %dma_start3A_494, %dma_start3A_495] : memref<1024x200x128xf32, #tpu.memory_space<hbm>> -> memref<1x200x128xf32, #tpu.memory_space<hbm>>
    %dma_start3A_497 = tpu.memref_squeeze %dma_start3A_496 : memref<1x200x128xf32, #tpu.memory_space<hbm>> -> memref<200x128xf32, #tpu.memory_space<hbm>>
    %dma_start3A_498 = arith.constant 0 : i32
    %dma_start3A_499 = arith.constant 0 : i32
    %dma_start3A_500 = tpu.memref_slice %arg5[%add3A_493, %dma_start3A_498, %dma_start3A_499] : memref<1024x200x128xf32, #tpu.memory_space<hbm>> -> memref<1x200x128xf32, #tpu.memory_space<hbm>>
    %dma_start3A_501 = tpu.memref_squeeze %dma_start3A_500 : memref<1x200x128xf32, #tpu.memory_space<hbm>> -> memref<200x128xf32, #tpu.memory_space<hbm>>
    tpu.enqueue_dma source(%arg13 : memref<200x128xf32, #tpu.memory_space<vmem>>) target(%dma_start3A_501 : memref<200x128xf32, #tpu.memory_space<hbm>>) target_semaphore(%arg17 : memref<!tpu.dma_semaphore, #tpu.memory_space<semaphore_mem>>)
    %dma_wait3A_502 = arith.constant 0 : i32
    %dma_wait3A_503 = arith.constant 0 : i32
    %dma_wait3A_504 = tpu.memref_slice %arg14[%dma_wait3A_502, %dma_wait3A_503] : memref<200x128xf32, #tpu.memory_space<vmem>> -> memref<128x128xf32, #tpu.memory_space<vmem>>
    %dma_wait3A_505 = arith.constant 0 : i32
    %dma_wait3A_506 = tpu.memref_slice %arg10[%dma_wait3A_505] : memref<200xi32, #tpu.memory_space<vmem>> -> memref<128xi32, #tpu.memory_space<vmem>>
    %dma_wait3A_507 = arith.constant 0 : i32
    %dma_wait3A_508 = arith.constant 0 : i32
    %dma_wait3A_509 = tpu.memref_slice %arg3[%dma_wait3A_507, %dma_wait3A_508] : memref<100000x128xf32, #tpu.memory_space<hbm>> -> memref<100000x128xf32, #tpu.memory_space<hbm>>
    tpu.wait_indirect_dma semaphore(%arg16 : memref<!tpu.dma_semaphore, #tpu.memory_space<semaphore_mem>>) src(%dma_wait3A_509 : memref<100000x128xf32, #tpu.memory_space<hbm>>) dst(%dma_wait3A_504 : memref<128x128xf32, #tpu.memory_space<vmem>>)
    %dma_wait3A_510 = arith.constant 128 : i32
    %dma_wait3A_511 = arith.constant 0 : i32
    %dma_wait3A_512 = tpu.memref_slice %arg14[%dma_wait3A_510, %dma_wait3A_511] : memref<200x128xf32, #tpu.memory_space<vmem>> -> memref<72x128xf32, #tpu.memory_space<vmem>>
    %dma_wait3A_513 = arith.constant 128 : i32
    %dma_wait3A_514 = tpu.memref_slice %arg10[%dma_wait3A_513] : memref<200xi32, #tpu.memory_space<vmem>> -> memref<72xi32, #tpu.memory_space<vmem>>
    %dma_wait3A_515 = arith.constant 0 : i32
    %dma_wait3A_516 = arith.constant 0 : i32
    %dma_wait3A_517 = tpu.memref_slice %arg3[%dma_wait3A_515, %dma_wait3A_516] : memref<100000x128xf32, #tpu.memory_space<hbm>> -> memref<100000x128xf32, #tpu.memory_space<hbm>>
    tpu.wait_indirect_dma semaphore(%arg16 : memref<!tpu.dma_semaphore, #tpu.memory_space<semaphore_mem>>) src(%dma_wait3A_517 : memref<100000x128xf32, #tpu.memory_space<hbm>>) dst(%dma_wait3A_512 : memref<72x128xf32, #tpu.memory_space<vmem>>)
    %scan3A_518 = arith.constant 0 : i32
    %scan3A_519 = arith.constant 0 : i32
    %scan3A_520 = arith.constant 200 : i32
    %scan3A_521 = arith.addi %scan3A_519, %scan3A_520 : i32
    %scan3A_522 = arith.constant 1 : i32
    scf.for %scan3A_566 = %scan3A_519 to %scan3A_521 step %scan3A_522  : i32 {
      %get3A = arith.index_cast %scan3A_566 : i32 to index
      %get3A_567 = arith.constant 0 : index
      %get3A_568 = tpu.vector_load %arg14[%get3A, %get3A_567] {strides = array<i32>} : memref<200x128xf32, #tpu.memory_space<vmem>>, vector<1x16xf32>,
      %get3A_569 = vector.shape_cast %get3A_568 : vector<1x16xf32> to vector<16xf32>
      %get3A_570 = arith.index_cast %scan3A_566 : i32 to index
      %get3A_571 = arith.constant 0 : index
      %get3A_572 = tpu.vector_load %arg6[%get3A_570, %get3A_571] {strides = array<i32>} : memref<200x128xf32, #tpu.memory_space<vmem>>, vector<1x16xf32>,
      %get3A_573 = vector.shape_cast %get3A_572 : vector<1x16xf32> to vector<16xf32>
      %add3A_574 = arith.addf %get3A_569, %get3A_573 : vector<16xf32>
      %swap3A = arith.index_cast %scan3A_566 : i32 to index
      %swap3A_575 = arith.constant 0 : index
      %swap3A_576 = tpu.vector_load %arg14[%swap3A, %swap3A_575] {strides = array<i32>} : memref<200x128xf32, #tpu.memory_space<vmem>>, vector<1x16xf32>,
      %swap3A_577 = vector.shape_cast %swap3A_576 : vector<1x16xf32> to vector<16xf32>
      %swap3A_578 = vector.shape_cast %add3A_574 : vector<16xf32> to vector<1x16xf32>
      tpu.vector_store %arg14[%swap3A, %swap3A_575], %swap3A_578 {strides = array<i32>} : memref<200x128xf32, #tpu.memory_space<vmem>>, vector<1x16xf32>,
      %get3A_579 = arith.index_cast %scan3A_566 : i32 to index
      %get3A_580 = arith.constant 16 : index
      %get3A_581 = tpu.vector_load %arg14[%get3A_579, %get3A_580] {strides = array<i32>} : memref<200x128xf32, #tpu.memory_space<vmem>>, vector<1x16xf32>,
      %get3A_582 = vector.shape_cast %get3A_581 : vector<1x16xf32> to vector<16xf32>
      %get3A_583 = arith.index_cast %scan3A_566 : i32 to index
      %get3A_584 = arith.constant 16 : index
      %get3A_585 = tpu.vector_load %arg6[%get3A_583, %get3A_584] {strides = array<i32>} : memref<200x128xf32, #tpu.memory_space<vmem>>, vector<1x16xf32>,
      %get3A_586 = vector.shape_cast %get3A_585 : vector<1x16xf32> to vector<16xf32>
      %add3A_587 = arith.addf %get3A_582, %get3A_586 : vector<16xf32>
      %swap3A_588 = arith.index_cast %scan3A_566 : i32 to index
      %swap3A_589 = arith.constant 16 : index
      %swap3A_590 = tpu.vector_load %arg14[%swap3A_588, %swap3A_589] {strides = array<i32>} : memref<200x128xf32, #tpu.memory_space<vmem>>, vector<1x16xf32>,
      %swap3A_591 = vector.shape_cast %swap3A_590 : vector<1x16xf32> to vector<16xf32>
      %swap3A_592 = vector.shape_cast %add3A_587 : vector<16xf32> to vector<1x16xf32>
      tpu.vector_store %arg14[%swap3A_588, %swap3A_589], %swap3A_592 {strides = array<i32>} : memref<200x128xf32, #tpu.memory_space<vmem>>, vector<1x16xf32>,
      %get3A_593 = arith.index_cast %scan3A_566 : i32 to index
      %get3A_594 = arith.constant 32 : index
      %get3A_595 = tpu.vector_load %arg14[%get3A_593, %get3A_594] {strides = array<i32>} : memref<200x128xf32, #tpu.memory_space<vmem>>, vector<1x16xf32>,
      %get3A_596 = vector.shape_cast %get3A_595 : vector<1x16xf32> to vector<16xf32>
      %get3A_597 = arith.index_cast %scan3A_566 : i32 to index
      %get3A_598 = arith.constant 32 : index
      %get3A_599 = tpu.vector_load %arg6[%get3A_597, %get3A_598] {strides = array<i32>} : memref<200x128xf32, #tpu.memory_space<vmem>>, vector<1x16xf32>,
      %get3A_600 = vector.shape_cast %get3A_599 : vector<1x16xf32> to vector<16xf32>
      %add3A_601 = arith.addf %get3A_596, %get3A_600 : vector<16xf32>
      %swap3A_602 = arith.index_cast %scan3A_566 : i32 to index
      %swap3A_603 = arith.constant 32 : index
      %swap3A_604 = tpu.vector_load %arg14[%swap3A_602, %swap3A_603] {strides = array<i32>} : memref<200x128xf32, #tpu.memory_space<vmem>>, vector<1x16xf32>,
      %swap3A_605 = vector.shape_cast %swap3A_604 : vector<1x16xf32> to vector<16xf32>
      %swap3A_606 = vector.shape_cast %add3A_601 : vector<16xf32> to vector<1x16xf32>
      tpu.vector_store %arg14[%swap3A_602, %swap3A_603], %swap3A_606 {strides = array<i32>} : memref<200x128xf32, #tpu.memory_space<vmem>>, vector<1x16xf32>,
      %get3A_607 = arith.index_cast %scan3A_566 : i32 to index
      %get3A_608 = arith.constant 48 : index
      %get3A_609 = tpu.vector_load %arg14[%get3A_607, %get3A_608] {strides = array<i32>} : memref<200x128xf32, #tpu.memory_space<vmem>>, vector<1x16xf32>,
      %get3A_610 = vector.shape_cast %get3A_609 : vector<1x16xf32> to vector<16xf32>
      %get3A_611 = arith.index_cast %scan3A_566 : i32 to index
      %get3A_612 = arith.constant 48 : index
      %get3A_613 = tpu.vector_load %arg6[%get3A_611, %get3A_612] {strides = array<i32>} : memref<200x128xf32, #tpu.memory_space<vmem>>, vector<1x16xf32>,
      %get3A_614 = vector.shape_cast %get3A_613 : vector<1x16xf32> to vector<16xf32>
      %add3A_615 = arith.addf %get3A_610, %get3A_614 : vector<16xf32>
      %swap3A_616 = arith.index_cast %scan3A_566 : i32 to index
      %swap3A_617 = arith.constant 48 : index
      %swap3A_618 = tpu.vector_load %arg14[%swap3A_616, %swap3A_617] {strides = array<i32>} : memref<200x128xf32, #tpu.memory_space<vmem>>, vector<1x16xf32>,
      %swap3A_619 = vector.shape_cast %swap3A_618 : vector<1x16xf32> to vector<16xf32>
      %swap3A_620 = vector.shape_cast %add3A_615 : vector<16xf32> to vector<1x16xf32>
      tpu.vector_store %arg14[%swap3A_616, %swap3A_617], %swap3A_620 {strides = array<i32>} : memref<200x128xf32, #tpu.memory_space<vmem>>, vector<1x16xf32>,
      %get3A_621 = arith.index_cast %scan3A_566 : i32 to index
      %get3A_622 = arith.constant 64 : index
      %get3A_623 = tpu.vector_load %arg14[%get3A_621, %get3A_622] {strides = array<i32>} : memref<200x128xf32, #tpu.memory_space<vmem>>, vector<1x16xf32>,
      %get3A_624 = vector.shape_cast %get3A_623 : vector<1x16xf32> to vector<16xf32>
      %get3A_625 = arith.index_cast %scan3A_566 : i32 to index
      %get3A_626 = arith.constant 64 : index
      %get3A_627 = tpu.vector_load %arg6[%get3A_625, %get3A_626] {strides = array<i32>} : memref<200x128xf32, #tpu.memory_space<vmem>>, vector<1x16xf32>,
      %get3A_628 = vector.shape_cast %get3A_627 : vector<1x16xf32> to vector<16xf32>
      %add3A_629 = arith.addf %get3A_624, %get3A_628 : vector<16xf32>
      %swap3A_630 = arith.index_cast %scan3A_566 : i32 to index
      %swap3A_631 = arith.constant 64 : index
      %swap3A_632 = tpu.vector_load %arg14[%swap3A_630, %swap3A_631] {strides = array<i32>} : memref<200x128xf32, #tpu.memory_space<vmem>>, vector<1x16xf32>,
      %swap3A_633 = vector.shape_cast %swap3A_632 : vector<1x16xf32> to vector<16xf32>
      %swap3A_634 = vector.shape_cast %add3A_629 : vector<16xf32> to vector<1x16xf32>
      tpu.vector_store %arg14[%swap3A_630, %swap3A_631], %swap3A_634 {strides = array<i32>} : memref<200x128xf32, #tpu.memory_space<vmem>>, vector<1x16xf32>,
      %get3A_635 = arith.index_cast %scan3A_566 : i32 to index
      %get3A_636 = arith.constant 80 : index
      %get3A_637 = tpu.vector_load %arg14[%get3A_635, %get3A_636] {strides = array<i32>} : memref<200x128xf32, #tpu.memory_space<vmem>>, vector<1x16xf32>,
      %get3A_638 = vector.shape_cast %get3A_637 : vector<1x16xf32> to vector<16xf32>
      %get3A_639 = arith.index_cast %scan3A_566 : i32 to index
      %get3A_640 = arith.constant 80 : index
      %get3A_641 = tpu.vector_load %arg6[%get3A_639, %get3A_640] {strides = array<i32>} : memref<200x128xf32, #tpu.memory_space<vmem>>, vector<1x16xf32>,
      %get3A_642 = vector.shape_cast %get3A_641 : vector<1x16xf32> to vector<16xf32>
      %add3A_643 = arith.addf %get3A_638, %get3A_642 : vector<16xf32>
      %swap3A_644 = arith.index_cast %scan3A_566 : i32 to index
      %swap3A_645 = arith.constant 80 : index
      %swap3A_646 = tpu.vector_load %arg14[%swap3A_644, %swap3A_645] {strides = array<i32>} : memref<200x128xf32, #tpu.memory_space<vmem>>, vector<1x16xf32>,
      %swap3A_647 = vector.shape_cast %swap3A_646 : vector<1x16xf32> to vector<16xf32>
      %swap3A_648 = vector.shape_cast %add3A_643 : vector<16xf32> to vector<1x16xf32>
      tpu.vector_store %arg14[%swap3A_644, %swap3A_645], %swap3A_648 {strides = array<i32>} : memref<200x128xf32, #tpu.memory_space<vmem>>, vector<1x16xf32>,
      %get3A_649 = arith.index_cast %scan3A_566 : i32 to index
      %get3A_650 = arith.constant 96 : index
      %get3A_651 = tpu.vector_load %arg14[%get3A_649, %get3A_650] {strides = array<i32>} : memref<200x128xf32, #tpu.memory_space<vmem>>, vector<1x16xf32>,
      %get3A_652 = vector.shape_cast %get3A_651 : vector<1x16xf32> to vector<16xf32>
      %get3A_653 = arith.index_cast %scan3A_566 : i32 to index
      %get3A_654 = arith.constant 96 : index
      %get3A_655 = tpu.vector_load %arg6[%get3A_653, %get3A_654] {strides = array<i32>} : memref<200x128xf32, #tpu.memory_space<vmem>>, vector<1x16xf32>,
      %get3A_656 = vector.shape_cast %get3A_655 : vector<1x16xf32> to vector<16xf32>
      %add3A_657 = arith.addf %get3A_652, %get3A_656 : vector<16xf32>
      %swap3A_658 = arith.index_cast %scan3A_566 : i32 to index
      %swap3A_659 = arith.constant 96 : index
      %swap3A_660 = tpu.vector_load %arg14[%swap3A_658, %swap3A_659] {strides = array<i32>} : memref<200x128xf32, #tpu.memory_space<vmem>>, vector<1x16xf32>,
      %swap3A_661 = vector.shape_cast %swap3A_660 : vector<1x16xf32> to vector<16xf32>
      %swap3A_662 = vector.shape_cast %add3A_657 : vector<16xf32> to vector<1x16xf32>
      tpu.vector_store %arg14[%swap3A_658, %swap3A_659], %swap3A_662 {strides = array<i32>} : memref<200x128xf32, #tpu.memory_space<vmem>>, vector<1x16xf32>,
      %get3A_663 = arith.index_cast %scan3A_566 : i32 to index
      %get3A_664 = arith.constant 112 : index
      %get3A_665 = tpu.vector_load %arg14[%get3A_663, %get3A_664] {strides = array<i32>} : memref<200x128xf32, #tpu.memory_space<vmem>>, vector<1x16xf32>,
      %get3A_666 = vector.shape_cast %get3A_665 : vector<1x16xf32> to vector<16xf32>
      %get3A_667 = arith.index_cast %scan3A_566 : i32 to index
      %get3A_668 = arith.constant 112 : index
      %get3A_669 = tpu.vector_load %arg6[%get3A_667, %get3A_668] {strides = array<i32>} : memref<200x128xf32, #tpu.memory_space<vmem>>, vector<1x16xf32>,
      %get3A_670 = vector.shape_cast %get3A_669 : vector<1x16xf32> to vector<16xf32>
      %add3A_671 = arith.addf %get3A_666, %get3A_670 : vector<16xf32>
      %swap3A_672 = arith.index_cast %scan3A_566 : i32 to index
      %swap3A_673 = arith.constant 112 : index
      %swap3A_674 = tpu.vector_load %arg14[%swap3A_672, %swap3A_673] {strides = array<i32>} : memref<200x128xf32, #tpu.memory_space<vmem>>, vector<1x16xf32>,
      %swap3A_675 = vector.shape_cast %swap3A_674 : vector<1x16xf32> to vector<16xf32>
      %swap3A_676 = vector.shape_cast %add3A_671 : vector<16xf32> to vector<1x16xf32>
      tpu.vector_store %arg14[%swap3A_672, %swap3A_673], %swap3A_676 {strides = array<i32>} : memref<200x128xf32, #tpu.memory_space<vmem>>, vector<1x16xf32>,
    }
    %scan3A_523 = arith.constant 200 : i32
    %add3A_524 = arith.constant 31 : i32
    %add3A_525 = arith.addi %mul3A_2, %add3A_524 : i32
    %dma_start3A_526 = arith.constant 0 : i32
    %dma_start3A_527 = arith.constant 0 : i32
    %dma_start3A_528 = tpu.memref_slice %arg5[%add3A_525, %dma_start3A_526, %dma_start3A_527] : memref<1024x200x128xf32, #tpu.memory_space<hbm>> -> memref<1x200x128xf32, #tpu.memory_space<hbm>>
    %dma_start3A_529 = tpu.memref_squeeze %dma_start3A_528 : memref<1x200x128xf32, #tpu.memory_space<hbm>> -> memref<200x128xf32, #tpu.memory_space<hbm>>
    %dma_start3A_530 = arith.constant 0 : i32
    %dma_start3A_531 = arith.constant 0 : i32
    %dma_start3A_532 = tpu.memref_slice %arg5[%add3A_525, %dma_start3A_530, %dma_start3A_531] : memref<1024x200x128xf32, #tpu.memory_space<hbm>> -> memref<1x200x128xf32, #tpu.memory_space<hbm>>
    %dma_start3A_533 = tpu.memref_squeeze %dma_start3A_532 : memref<1x200x128xf32, #tpu.memory_space<hbm>> -> memref<200x128xf32, #tpu.memory_space<hbm>>
    tpu.enqueue_dma source(%arg14 : memref<200x128xf32, #tpu.memory_space<vmem>>) target(%dma_start3A_533 : memref<200x128xf32, #tpu.memory_space<hbm>>) target_semaphore(%arg17 : memref<!tpu.dma_semaphore, #tpu.memory_space<semaphore_mem>>)
    %dma_wait3A_534 = arith.constant 0 : i32
    %dma_wait3A_535 = arith.constant 0 : i32
    %dma_wait3A_536 = tpu.memref_slice %arg5[%mul3A_2, %dma_wait3A_534, %dma_wait3A_535] : memref<1024x200x128xf32, #tpu.memory_space<hbm>> -> memref<1x200x128xf32, #tpu.memory_space<hbm>>
    %dma_wait3A_537 = tpu.memref_squeeze %dma_wait3A_536 : memref<1x200x128xf32, #tpu.memory_space<hbm>> -> memref<200x128xf32, #tpu.memory_space<hbm>>
    %dma_wait3A_538 = arith.constant 0 : i32
    %dma_wait3A_539 = arith.constant 0 : i32
    %dma_wait3A_540 = tpu.memref_slice %arg5[%mul3A_2, %dma_wait3A_538, %dma_wait3A_539] : memref<1024x200x128xf32, #tpu.memory_space<hbm>> -> memref<1x200x128xf32, #tpu.memory_space<hbm>>
    %dma_wait3A_541 = tpu.memref_squeeze %dma_wait3A_540 : memref<1x200x128xf32, #tpu.memory_space<hbm>> -> memref<200x128xf32, #tpu.memory_space<hbm>>
    tpu.wait_dma2 semaphore(%arg17 : memref<!tpu.dma_semaphore, #tpu.memory_space<semaphore_mem>>) src(%arg11 : memref<200x128xf32, #tpu.memory_space<vmem>>) dst(%dma_wait3A_541 : memref<200x128xf32, #tpu.memory_space<hbm>>)
    %dma_wait3A_542 = arith.constant 0 : i32
    %dma_wait3A_543 = arith.constant 0 : i32
    %dma_wait3A_544 = tpu.memref_slice %arg5[%mul3A_2, %dma_wait3A_542, %dma_wait3A_543] : memref<1024x200x128xf32, #tpu.memory_space<hbm>> -> memref<1x200x128xf32, #tpu.memory_space<hbm>>
    %dma_wait3A_545 = tpu.memref_squeeze %dma_wait3A_544 : memref<1x200x128xf32, #tpu.memory_space<hbm>> -> memref<200x128xf32, #tpu.memory_space<hbm>>
    %dma_wait3A_546 = arith.constant 0 : i32
    %dma_wait3A_547 = arith.constant 0 : i32
    %dma_wait3A_548 = tpu.memref_slice %arg5[%mul3A_2, %dma_wait3A_546, %dma_wait3A_547] : memref<1024x200x128xf32, #tpu.memory_space<hbm>> -> memref<1x200x128xf32, #tpu.memory_space<hbm>>
    %dma_wait3A_549 = tpu.memref_squeeze %dma_wait3A_548 : memref<1x200x128xf32, #tpu.memory_space<hbm>> -> memref<200x128xf32, #tpu.memory_space<hbm>>
    tpu.wait_dma2 semaphore(%arg17 : memref<!tpu.dma_semaphore, #tpu.memory_space<semaphore_mem>>) src(%arg11 : memref<200x128xf32, #tpu.memory_space<vmem>>) dst(%dma_wait3A_549 : memref<200x128xf32, #tpu.memory_space<hbm>>)
    %dma_wait3A_550 = arith.constant 0 : i32
    %dma_wait3A_551 = arith.constant 0 : i32
    %dma_wait3A_552 = tpu.memref_slice %arg5[%mul3A_2, %dma_wait3A_550, %dma_wait3A_551] : memref<1024x200x128xf32, #tpu.memory_space<hbm>> -> memref<1x200x128xf32, #tpu.memory_space<hbm>>
    %dma_wait3A_553 = tpu.memref_squeeze %dma_wait3A_552 : memref<1x200x128xf32, #tpu.memory_space<hbm>> -> memref<200x128xf32, #tpu.memory_space<hbm>>
    %dma_wait3A_554 = arith.constant 0 : i32
    %dma_wait3A_555 = arith.constant 0 : i32
    %dma_wait3A_556 = tpu.memref_slice %arg5[%mul3A_2, %dma_wait3A_554, %dma_wait3A_555] : memref<1024x200x128xf32, #tpu.memory_space<hbm>> -> memref<1x200x128xf32, #tpu.memory_space<hbm>>
    %dma_wait3A_557 = tpu.memref_squeeze %dma_wait3A_556 : memref<1x200x128xf32, #tpu.memory_space<hbm>> -> memref<200x128xf32, #tpu.memory_space<hbm>>
    tpu.wait_dma2 semaphore(%arg17 : memref<!tpu.dma_semaphore, #tpu.memory_space<semaphore_mem>>) src(%arg11 : memref<200x128xf32, #tpu.memory_space<vmem>>) dst(%dma_wait3A_557 : memref<200x128xf32, #tpu.memory_space<hbm>>)
    %dma_wait3A_558 = arith.constant 0 : i32
    %dma_wait3A_559 = arith.constant 0 : i32
    %dma_wait3A_560 = tpu.memref_slice %arg5[%mul3A_2, %dma_wait3A_558, %dma_wait3A_559] : memref<1024x200x128xf32, #tpu.memory_space<hbm>> -> memref<1x200x128xf32, #tpu.memory_space<hbm>>
    %dma_wait3A_561 = tpu.memref_squeeze %dma_wait3A_560 : memref<1x200x128xf32, #tpu.memory_space<hbm>> -> memref<200x128xf32, #tpu.memory_space<hbm>>
    %dma_wait3A_562 = arith.constant 0 : i32
    %dma_wait3A_563 = arith.constant 0 : i32
    %dma_wait3A_564 = tpu.memref_slice %arg5[%mul3A_2, %dma_wait3A_562, %dma_wait3A_563] : memref<1024x200x128xf32, #tpu.memory_space<hbm>> -> memref<1x200x128xf32, #tpu.memory_space<hbm>>
    %dma_wait3A_565 = tpu.memref_squeeze %dma_wait3A_564 : memref<1x200x128xf32, #tpu.memory_space<hbm>> -> memref<200x128xf32, #tpu.memory_space<hbm>>
    tpu.wait_dma2 semaphore(%arg17 : memref<!tpu.dma_semaphore, #tpu.memory_space<semaphore_mem>>) src(%arg11 : memref<200x128xf32, #tpu.memory_space<vmem>>) dst(%dma_wait3A_565 : memref<200x128xf32, #tpu.memory_space<hbm>>)
    return
  }
}

</mosaic_0001>

<sc_bundles>
// kernel: kernel.3.cloned.1.call-start
scs
__scs_entry_jumppad:
0x0: {  	(pc) =	sbr.rel $0x88, $3  }
0x1: {  	(tag) =	ssettag $0x0;
	lr =	simm.s32 $0x1  }
0x2: {  	[smem:$0x3F9E] =	sst lr;
	_ =	strace $0xD0000000  }
0x3: {  	_ = 	snop  }
0x4: {  	_ = 	snop  }
0x5: {  	_ = 	snop  }
0x6: {  	_ = 	snop  }
0x7: {  	_ = 	snop  }
__scs_overlays_trampoline_lowered:
0x8: {  	[smem:$0x3FAD] =	sst s0  }
0x9: {  	[smem:$0x3FAE] =	sst s1  }
0xa: {  	[smem:$0x3FAF] =	sst s2  }
0xb: {  	[smem:$0x3FB0] =	sst s3  }
0xc: {  	[smem:$0x3FB1] =	sst s4  }
0xd: {  	[smem:$0x3FB2] =	sst s5  }
0xe: {  	[smem:$0x3FB3] =	sst s6  }
0xf: {  	[smem:$0x3FB4] =	sst s7  }
0x10: {  	[smem:$0x3FB5] =	sst s8  }
0x11: {  	[smem:$0x3FB6] =	sst s9;
	s0 =	simm.s32 @!p0 $0x0  }
0x12: {  	s1 =	sld [smem:$0x3F9C];
	s0 =	simm.s32 @p0 $0x1  }
0x13: {  	[smem:$0x3FB7] =	sst s0;
	s0 =	simm.s32 @!p1 $0x0  }
0x14: {  	s2 =	sld [smem:$0x3F9B];
	s0 =	simm.s32 @p1 $0x1  }
0x15: {  	[smem:$0x3FB8] =	sst s0;
	s0 =	simm.s32 @!p2 $0x0  }
0x16: {  	s3 =	sld [smem:$0x3FDB];
	s0 =	simm.s32 @p2 $0x1  }
0x17: {  	s4 =	simm.s32 $0x1BF5;
	[smem:$0x3FBA] =	sst s0  }
0x18: {  	s0 =	sld [smem:$0x3F9D];
	_ =	swait.ge [sflag:s4], $0x0  }
0x19: {  	s7 =	sld [smem:$0x3F9E]  }
0x1a: {  	s8 =	sadd.s32 $0xFFFFE003, lr  }
0x1b: {  	s9 =	sadd.s32 $0xFFFFFEF7, lr;
	s5 =	simm.s32 $0xFFFFFFFF;
	p2 =	slt.u32 s8, $0xFFFFF086  }
0x1c: {  	p1 =	slt.u32 s9, $0xF7A;
	s5 =	simm.s32 @!p2 $0x0  }
0x1d: {  	s5 =	simm.s32 @p1 $0x1;
	p0 =	seq.s32 s7, s2  }
0x1e: {  	s7 =	smul.u32 @!p0 $0xF7A, s2;
	p2 =	seq.s32 @!p0 s5, $0x0  }
0x1f: {  	s9 =	smul.u32 $0xF7A, s1;
	s8 =	simm.s32 @!p0 $0x1BF5;
	p2 =	por !p2, p0  }
0x20: {  	[sflag:s8] =	ssyncset.s32 @!p0 $0xFFFFF086;
	s6 =	sadd.s32 @!p0 s3, s7;
	s7 =	simm.s32 @!p0 $0x108  }
0x21: {  	s3 =	sadd.s32 s3, s9;
	s6 =	sadd.s32 @!p0 $0x88, s6;
	s7 =	simm.s32 @p2 $0x1082  }
0x22: {  	[simem:s7], [sflag:s8] =	dma.local @!p0 [hbm:s6], $0xF7A  }
0x23: {  	s9 =	sor.u32 $0xD0000000, s2;
	s6 =	simm.s32 $0x108;
	_ =	swait.ge @!p0 [sflag:s8], $0x0  }
0x24: {  	s3 =	sadd.s32 $0x88, s3;
	s6 =	simm.s32 @!p1 $0x1082;
	[sflag:s4] =	ssyncset.s32 $0xFFFFF086  }
0x25: {  	[simem:s6], [sflag:s4] =	dma.local [hbm:s3], $0xF7A  }
0x26: {  	[smem:$0x3F9E] =	sst s1;
	(tag) =	ssettag s2;
	_ =	strace s9  }
0x27: {  	s1 =	sld [smem:$0x3FAE]  }
0x28: {  	s2 =	sld [smem:$0x3FAF]  }
0x29: {  	s4 =	sld [smem:$0x3FB1]  }
0x2a: {  	p0 =	seq.s32 s5, $0x0;
	s5 =	sld [smem:$0x3FB2]  }
0x2b: {  	s6 =	sld [smem:$0x3FB3]  }
0x2c: {  	s7 =	sld [smem:$0x3FB4]  }
0x2d: {  	s3 =	simm.s32 $0x108;
	s8 =	sld [smem:$0x3FB5]  }
0x2e: {  	s3 =	simm.s32 @!p0 $0x1082;
	s9 =	sld [smem:$0x3FB6]  }
0x2f: {  	lr =	sadd.s32 s0, s3;
	s0 =	sld [smem:$0x3FAD]  }
0x30: {  	s3 =	sld [smem:$0x3FB0]  }
0x31: {  	[smem:$0x3FB9] =	sst s10  }
0x32: {  	s10 =	sld [smem:$0x3FB7];
	_ =	sdelay $0x3  }
0x33: {  	p0 =	seq.s32 s10, $0x1;
	s10 =	sld [smem:$0x3FB9];
	_ =	sdelay $0x3  }
0x34: {  	[smem:$0x3FB9] =	sst s10  }
0x35: {  	s10 =	sld [smem:$0x3FB8];
	_ =	sdelay $0x3  }
0x36: {  	p1 =	seq.s32 s10, $0x1;
	s10 =	sld [smem:$0x3FB9];
	_ =	sdelay $0x3  }
0x37: {  	[smem:$0x3FB9] =	sst s10  }
0x38: {  	s10 =	sld [smem:$0x3FBA]  }
0x39: {  	_ = 	snop;
	(pc) =	sbr.ind lr, $3  }
0x3a: {  	_ = 	snop  }
0x3b: {  	_ = 	snop  }
0x3c: {  	p2 =	seq.s32 s10, $0x1;
	s10 =	sld [smem:$0x3FB9]  }
0x3d: {  	_ =	shalt  }
0x3e: {  	_ =	shalt  }
0x3f: {  	_ =	shalt  }
0x40: {  	_ =	shalt  }
0x41: {  	_ =	shalt  }
0x42: {  	_ =	shalt  }
0x43: {  	_ =	shalt  }
0x44: {  	_ =	shalt  }
0x45: {  	_ =	shalt  }
0x46: {  	_ =	shalt  }
0x47: {  	_ =	shalt  }
0x48: {  	_ =	shalt  }
0x49: {  	_ =	shalt  }
0x4a: {  	_ =	shalt  }
0x4b: {  	_ =	shalt  }
0x4c: {  	_ =	shalt  }
0x4d: {  	_ =	shalt  }
0x4e: {  	_ =	shalt  }
0x4f: {  	_ =	shalt  }
0x50: {  	_ =	shalt  }
0x51: {  	_ =	shalt  }
0x52: {  	_ =	shalt  }
0x53: {  	_ =	shalt  }
0x54: {  	_ =	shalt  }
0x55: {  	_ =	shalt  }
0x56: {  	_ =	shalt  }
0x57: {  	_ =	shalt  }
0x58: {  	_ =	shalt  }
0x59: {  	_ =	shalt  }
0x5a: {  	_ =	shalt  }
0x5b: {  	_ =	shalt  }
0x5c: {  	_ =	shalt  }
0x5d: {  	_ =	shalt  }
0x5e: {  	_ =	shalt  }
0x5f: {  	_ =	shalt  }
0x60: {  	_ =	shalt  }
0x61: {  	_ =	shalt  }
0x62: {  	_ =	shalt  }
0x63: {  	_ =	shalt  }
0x64: {  	_ =	shalt  }
0x65: {  	_ =	shalt  }
0x66: {  	_ =	shalt  }
0x67: {  	_ =	shalt  }
0x68: {  	_ =	shalt  }
0x69: {  	_ =	shalt  }
0x6a: {  	_ =	shalt  }
0x6b: {  	_ =	shalt  }
0x6c: {  	_ =	shalt  }
0x6d: {  	_ =	shalt  }
0x6e: {  	_ =	shalt  }
0x6f: {  	_ =	shalt  }
0x70: {  	_ =	shalt  }
0x71: {  	_ =	shalt  }
0x72: {  	_ =	shalt  }
0x73: {  	_ =	shalt  }
0x74: {  	_ =	shalt  }
0x75: {  	_ =	shalt  }
0x76: {  	_ =	shalt  }
0x77: {  	_ =	shalt  }
0x78: {  	_ =	shalt  }
0x79: {  	_ =	shalt  }
0x7a: {  	_ =	shalt  }
0x7b: {  	_ =	shalt  }
0x7c: {  	_ =	shalt  }
0x7d: {  	_ =	shalt  }
0x7e: {  	_ =	shalt  }
0x7f: {  	_ =	shalt  }
0x80: {  	_ =	shalt  }
0x81: {  	_ =	shalt  }
0x82: {  	_ =	shalt  }
0x83: {  	_ =	shalt  }
0x84: {  	_ =	shalt  }
0x85: {  	_ =	shalt  }
0x86: {  	_ =	shalt  }
0x87: {  	_ =	shalt  }
.Lfunc_end0:
.L_simem_size_0:
called_computation_lowered:
.L_overlay_start_0:
0x88: {  	s2 =	sld [smem:$0x3FD9]  }
0x89: {  	s3 =	sld [smem:$0x3FFE];
	_ =	sdelay $0x1  }
0x8a: {  	s1 =	srdreg.scid  }
0x8b: {  	s0 =	sand.u32 $0x1, s1  }
0x8c: {  	s17 =	sshll.u32 s0, $0xA;
	s2 =	sadd.s32 s3, s2  }
0x8d: {  	s2 =	sadd.s32 s2, s17  }
0x8e: {  	[smem:$0x3FC5] =	sst s2  }
0x8f: {  	_ = 	snop  }
0x90: {  	s2 =	sld [smem:$0x3FC8]  }
0x91: {  	s18 =	sld [smem:$0x3FC7]  }
0x92: {  	s4 =	sld [smem:$0x3FD0];
	(tm) =	ssettm $0x1  }
0x93: {  	s5 =	sld [smem:$0x3FFB];
	_ =	sdelay $0x3  }
0x94: {  	_ =	strace s5  }
0x95: {  	s5 =	sld [smem:$0x3FFC];
	_ =	sdelay $0x3  }
0x96: {  	_ =	strace s5  }
0x97: {  	s5 =	sld [smem:$0x3FFD];
	_ =	sdelay $0x3  }
0x98: {  	_ =	strace s5  }
0x99: {  	_ =	strace $0x8FFFFFFF  }
0x9a: {  	s19 =	sld [smem:$0x3FDB];
	_ =	sdelay $0x1  }
0x9b: {  	s6 =	simm.s32 $_scs_section_size  }
0x9c: {  	s7 =	simm.s32 $_size__tile_overlayer_lowered;
	s8 =	simm.s32 $_tile_overlayer_lowered  }
0x9d: {  	s22 =	simm.s32 $0x1BFF;
	s21 =	sshll.u32 s8, $0x1;
	s5 =	sadd.s32 s6, s19  }
0x9e: {  	s9 =	simm.s32 $0x0;
	s20 =	sshll.u32 s7, $0x1;
	s7 =	sadd.s32 s21, s5  }
0x9f: {  	[timem:s9], [sflag:s22] =	dma.local [hbm:s7], s20  }
0xa0: {  	_ =	swait.ge [sflag:s22], s20  }
0xa1: {  	s6 =	ssub.s32 $0x0, s20;
	[sflag:s22] =	ssyncset.done $0x0  }
0xa2: {  	[sflag:s22] =	ssyncadd.s32 s6;
	_ =	sdelay $0x1  }
0xa3: {  	s23 =	simm.s32 $0x1B8B  }
0xa4: {  	_ =	swait.ge [sflag:s23], $0x1  }
0xa5: {  	[sflag:s23] =	ssyncset.done $0x0  }
0xa6: {  	s25 =	simm.s32 $0x1B8E;
	s24 =	sld [smem:$0x3FFE];
	[sflag:s23] =	ssyncadd.s32 $0xFFFFFFFF  }
0xa7: {  	s26 =	simm.s32 $execute0_lowered;
	[smem:$0x3FD2] =	sst s25  }
0xa8: {  	s7 =	sshll.u32 s26, $0x1;
	_ =	strace $0x80000046;
	[dreg:$0x1] =	wrdreg $0xFFFFFFFF  }
0xa9: {  	s28 =	simm.s32 $_size_execute0_lowered;
	s5 =	sadd.s32 s5, s7;
	[dreg:$0x0] =	wrdreg $0x0  }
0xaa: {  	s7 =	sshll.u32 s28, $0x1;
	[dreg:$0x2] =	wrdreg s5  }
0xab: {  	[dreg:$0x3] =	wrdreg s7  }
0xac: {  	[dreg:$0x4] =	wrdreg $0xC0  }
0xad: {  	_ =	task [dreg:s9], $0x5FFFF  }
0xae: {  	[dreg:$0x1] =	wrdreg $0xFFFFFFFF  }
0xaf: {  	[dreg:$0x0] =	wrdreg $0x60  }
0xb0: {  	[dreg:$0x2] =	wrdreg s24  }
0xb1: {  	[dreg:$0x3] =	wrdreg s2  }
0xb2: {  	[dreg:$0x4] =	wrdreg s18  }
0xb3: {  	[dreg:$0x5] =	wrdreg s4  }
0xb4: {  	[dreg:$0x6] =	wrdreg $0x9  }
0xb5: {  	_ =	task.clear_ibuf [dreg:s9], $0x7FFFF;
	_ =	strace $0x90000046  }
0xb6: {  	s29 =	simm.s32 $0x9;
	_ =	strace $0x80000048  }
0xb7: {  	_ =	swait.ge [sflag:s29], $0x1  }
0xb8: {  	[sflag:s29] =	ssyncadd.s32 $0xFFFFFFFF  }
0xb9: {  	_ =	strace $0x90000048  }
0xba: {  	_ =	sfence  }
0xbb: {  	s30 =	sld [smem:$0x0];
	_ =	sdelay $0x2  }
0xbc: {  	s31 =	sshll.u32 s1, $0xD;
	s1 =	sshrl.u32 s1, $0x2  }
0xbd: {  	s3 =	sand.u32 $0x4000, s31;
	s1 =	sadd.s32 s1, s30  }
0xbe: {  	s0 =	sor.u32 s3, s0;
	s1 =	sshll.u32 s1, $0x11  }
0xbf: {  	s0 =	sor.u32 s1, s0  }
0xc0: {  	s0 =	sadd.s32 $0x8F2B, s0  }
0xc1: {  	[sflag:s0] =	ssyncadd.remote.s32 $0x1  }
0xc2: {  	_ =	sfence.sel $0xFFFF  }
0xc3: {  	[dreg:$0x0] =	wrdreg $0xFFFFFFFF;
	(pc) =	sbr.abs _section_cstart, $3  }
0xc4: {  	[dreg:$0x1] =	wrdreg $0xFFFFFFFF  }
0xc5: {  	_ =	task.clear_ibuf [dreg:s9], $0x2FFFF;
	_ =	strace $0x9FFFFFFF  }
0xc6: {  	(tm) =	ssettm $0x7FFFFFFF  }
0xc7: {  	_ =	shalt  }
tec
execute0_lowered:
.L_overlay_start_1:
0x0: {  	(tag) =	ssettag $0x1  }
0x1: {  	s0 =	rddreg [dreg:$0x0]  }
0x2: {  	s1 =	rddreg [dreg:$0x1]  }
0x3: {  	s4 =	rddreg [dreg:$0x3]  }
0x4: {  	s2 =	srdreg.scid;
	s9 =	simm.s32 $0x0;
	s3 =	stileid.u32  }
0x5: {  	s28 =	simm.s32 $0x6400;
	s29 =	simm.s32 $0x6500;
	s30 =	simm.s32 $0x6600  }
0x6: {  	s31 =	simm.s32 $0x1;
	s2 =	sand.u32 $0x1, s2;
	[smem:$0x7FF] =	sst s9  }
0x7: {  	s3 =	sshll.u32 s3, $0x6;
	s7 =	sadd.s32 $0x400, s0;
	s5 =	sshll.u32 s2, $0x5  }
0x8: {  	_ =	strace $0x80000047;
	s6 =	sor.u32 s5, s3;
	s5 =	ssub.s32 $0x2, s2  }
0x9: {  	s10 =	sshll.u32 s6, $0x5;
	s11 =	sshrl.u32 s5, $0x1;
	s12 =	smul.u32 $0xC80, s6  }
0xa: {  	s14 =	smul.u32 $0x6400, s6;
	s20 =	sor.u32 $0x1F, s6;
	s8 =	sadd.s32 s7, s10  }
0xb: {  	s0 =	ssub.s32 s5, s11;
	s13 =	sadd.s32 $0x10, s8;
	[dreg:$0x5] =	wrdreg s8  }
0xc: {  	s21 =	sshll.u32 s20, $0x5;
	s15 =	sadd.s32 $0x20, s8;
	[dreg:$0x6] =	wrdreg s13  }
0xd: {  	s3 =	smul.u32 $0xC80, s20;
	s16 =	sadd.s32 $0x30, s8;
	[dreg:$0x7] =	wrdreg s15  }
0xe: {  	s11 =	simm.s32 $0x6580;
	s18 =	sadd.s32 $0x40, s8;
	[dreg:$0x8] =	wrdreg s16  }
0xf: {  	s20 =	simm.s32 $0x19400;
	s17 =	sadd.s32 s4, s12;
	[dreg:$0xa] =	wrdreg s18  }
0x10: {  	s19 =	sshrl.u32 s14, $0x3;
	s10 =	sadd.s32 $0x50, s8;
	[dreg:$0x9] =	wrdreg s17  }
0x11: {  	s8 =	sadd.s32 $0x60, s8;
	s0 =	smax.u32 s0, $0x1;
	[dreg:$0xc] =	wrdreg s10  }
0x12: {  	s14 =	simm.s32 $0x3;
	s5 =	sadd.s32 $0xC80, s17;
	[dreg:$0xe] =	wrdreg s8  }
0x13: {  	s2 =	sadd.s32 s4, s19;
	s26 =	sadd.s32 s4, s3;
	[dreg:$0x15] =	wrdreg s0  }
0x14: {  	s0 =	simm.s32 $0x6800;
	s3 =	simm.s32 $0x48;
	s10 =	simm.s32 $0xCC00  }
0x15: {  	s13 =	simm.s32 $0x10C00;
	s15 =	simm.s32 $0x6700;
	s16 =	simm.s32 $0x13000  }
0x16: {  	s17 =	simm.s32 $0x6680;
	s18 =	simm.s32 $0x17000;
	[dreg:$0xb] =	wrdreg s5  }
0x17: {  	s19 =	simm.s32 $0x2;
	s22 =	sadd.s32 $0x1900, s2;
	[dreg:$0x14] =	wrdreg s26  }
0x18: {  	s5 =	sand.u32 $0x7F00, s21;
	s23 =	sadd.s32 $0x2580, s2;
	[dreg:$0xd] =	wrdreg s22  }
0x19: {  	s24 =	sadd.s32 $0x15E00, s2;
	s25 =	sadd.s32 $0x16A80, s2;
	[dreg:$0xf] =	wrdreg s23  }
0x1a: {  	s2 =	sadd.s32 $0x17700, s2;
	s26 =	simm.s32 $0x400;
	[dreg:$0x11] =	wrdreg s24  }
0x1b: {  	s21 =	simm.s32 $0x6780;
	s5 =	sadd.s32 s5, s7;
	[dreg:$0x12] =	wrdreg s25  }
0x1c: {  	[dreg:$0x13] =	wrdreg s2;
	s25 =	simm.s32 $0x80;
	s5 =	sadd.s32 $0x70, s5  }
0x1d: {  	s22 =	simm.s32 $0x1D400;
	[dreg:$0x10] =	wrdreg s5;
	s5 =	simm.s32 $0x0  }
.LBB2_1:
0x1e: {  	[dreg:$0x16] =	wrdreg s5  }
0x1f: {  	s2 =	rddreg [dreg:$0x2]  }
0x20: {  	[tilespmem:s9], [sflag:$0x3] =	stream.linear.gather [hbm4b:s2+s9], $0x6400, $0x38;
	[tilespmem:$0x1F800] =	vst v63  }
0x21: {  	s24 =	rddreg [dreg:$0x5]  }
0x22: {  	[tilespmem:s28], [sflag:$0x1] =	stream.strided.gather [hbm4b:s24+s25], $0x100, s26, s25, $0x38;
	[tilespmem:$0x1F800] =	vst v63  }
0x23: {  	s5 =	rddreg [dreg:$0x6]  }
0x24: {  	[tilespmem:s29], [sflag:$0x1] =	stream.strided.gather [hbm4b:s5+s25], $0x100, s26, s25, $0x38;
	[tilespmem:$0x1F800] =	vst v63  }
0x25: {  	s8 =	rddreg [dreg:$0x7]  }
0x26: {  	[tilespmem:s30], [sflag:$0x1] =	stream.strided.gather [hbm4b:s8+s25], $0x100, s26, s25, $0x38;
	[tilespmem:$0x1F800] =	vst v63  }
0x27: {  	_ =	swait.ge [sflag:s31], $0x100  }
0x28: {  	[sflag:s31] =	ssyncset.done $0x0  }
0x29: {  	[sflag:s31] =	ssyncadd.s32 $0xFFFFFF00  }
0x2a: {  	[tilespmem:s0], [sflag:$0x2] =	stream.indirect.gather [hbm4b:s1+s25], $0x80, s28, s25, $0xb8;
	[tilespmem:$0x1F800] =	vst v63  }
0x2b: {  	s12 =	simm.s32 $0x6480;
	s23 =	simm.s32 $0xA800  }
0x2c: {  	[tilespmem:s23], [sflag:$0x2] =	stream.indirect.gather [hbm4b:s1+s3], $0x80, s12, s3, $0xb8;
	[tilespmem:$0x1F800] =	vst v63  }
0x2d: {  	_ =	swait.ge [sflag:s31], $0x100  }
0x2e: {  	[sflag:s31] =	ssyncset.done $0x0  }
0x2f: {  	[sflag:s31] =	ssyncadd.s32 $0xFFFFFF00  }
0x30: {  	[tilespmem:s10], [sflag:$0x2] =	stream.indirect.gather [hbm4b:s1+s25], $0x80, s29, s25, $0xb8;
	[tilespmem:$0x1F800] =	vst v63  }
0x31: {  	_ = 	snop  }
0x32: {  	[tilespmem:s13], [sflag:$0x2] =	stream.indirect.gather [hbm4b:s1+s3], $0x80, s11, s3, $0xb8;
	[tilespmem:$0x1F800] =	vst v63  }
0x33: {  	_ =	swait.ge [sflag:s14], $0x6400  }
0x34: {  	[sflag:s14] =	ssyncset.done $0x0  }
0x35: {  	s24 =	rddreg [dreg:$0x8];
	[sflag:s14] =	ssyncadd.s32 $0xFFFF9C00  }
0x36: {  	[tilespmem:s15], [sflag:$0x1] =	stream.strided.gather [hbm4b:s24+s25], $0x100, s26, s25, $0x38;
	[tilespmem:$0x1F800] =	vst v63  }
0x37: {  	_ =	swait.ge [sflag:s31], $0x100  }
0x38: {  	[sflag:s31] =	ssyncset.done $0x0  }
0x39: {  	[sflag:s31] =	ssyncadd.s32 $0xFFFFFF00  }
0x3a: {  	[tilespmem:s16], [sflag:$0x2] =	stream.indirect.gather [hbm4b:s1+s25], $0x80, s30, s25, $0xb8;
	[tilespmem:$0x1F800] =	vst v63  }
0x3b: {  	_ = 	snop  }
0x3c: {  	[tilespmem:s18], [sflag:$0x2] =	stream.indirect.gather [hbm4b:s1+s3], $0x80, s17, s3, $0xb8;
	[tilespmem:$0x1F800] =	vst v63  }
0x3d: {  	_ =	swait.ge [sflag:s19], $0x4000  }
0x3e: {  	[sflag:s19] =	ssyncset.done $0x0  }
0x3f: {  	[sflag:s19] =	ssyncadd.s32 $0xFFFFC000  }
0x40: {  	_ =	swait.ge [sflag:s19], $0x2400  }
0x41: {  	[sflag:s19] =	ssyncset.done $0x0  }
0x42: {  	s5 =	simm.s32 $0x0;
	[sflag:s19] =	ssyncadd.s32 $0xFFFFDC00  }
0x43: {  	v7 =	vld [tilespmem:s5+$0x0]  }
0x44: {  	v11 =	vld [tilespmem:s5+$0x10]  }
0x45: {  	v5 =	vld [tilespmem:s5+$0x20]  }
0x46: {  	v4 =	vld [tilespmem:s5+$0x30]  }
0x47: {  	v3 =	vld [tilespmem:s5+$0x40]  }
0x48: {  	v2 =	vld [tilespmem:s5+$0x50]  }
0x49: {  	v1 =	vld [tilespmem:s5+$0x60]  }
0x4a: {  	v0 =	vld [tilespmem:s5+$0x70]  }
0x4b: {  	v12 =	vld [tilespmem:s5+$0x6800]  }
0x4c: {  	v13 =	vld [tilespmem:s5+$0x6810]  }
0x4d: {  	v10 =	vld [tilespmem:s5+$0x6820]  }
0x4e: {  	v9 =	vld [tilespmem:s5+$0x6830]  }
0x4f: {  	v8 =	vld [tilespmem:s5+$0x6840]  }
0x50: {  	v6 =	vld [tilespmem:s5+$0x6850];
	v12 =	vadd.f32 v7, v12  }
0x51: {  	s8 =	simm.s32 $0x200;
	v11 =	vadd.f32 v11, v13;
	v7 =	vld [tilespmem:s5+$0x6860]  }
.LBB2_2:
0x52: {  	s2 =	sshra.s32 s8, $0x2;
	p0 =	sne.s32 s8, $0x18E00;
	[tilespmem:s5+$0x6800] =	vst v12;
	v5 =	vadd.f32 v5, v10;
	v10 =	vld [tilespmem:s5+$0x6870]  }
0x53: {  	v12 =	vld [tilespmem:s2+$0x0];
	[tilespmem:s5+$0x6810] =	vst v11;
	v4 =	vadd.f32 v4, v9  }
0x54: {  	v11 =	vld [tilespmem:s2+$0x10];
	[tilespmem:s5+$0x6820] =	vst v5;
	v3 =	vadd.f32 v3, v8  }
0x55: {  	v5 =	vld [tilespmem:s2+$0x20];
	[tilespmem:s5+$0x6830] =	vst v4;
	v2 =	vadd.f32 v2, v6  }
0x56: {  	v4 =	vld [tilespmem:s2+$0x30];
	[tilespmem:s5+$0x6840] =	vst v3;
	v1 =	vadd.f32 v1, v7  }
0x57: {  	v3 =	vld [tilespmem:s2+$0x40];
	[tilespmem:s5+$0x6850] =	vst v2;
	v0 =	vadd.f32 v0, v10  }
0x58: {  	v2 =	vld [tilespmem:s2+$0x50];
	[tilespmem:s5+$0x6860] =	vst v1  }
0x59: {  	v1 =	vld [tilespmem:s2+$0x60];
	[tilespmem:s5+$0x6870] =	vst v0;
	s5 =	smov.u32 s2  }
0x5a: {  	v0 =	vld [tilespmem:s5+$0x70]  }
0x5b: {  	v6 =	vld [tilespmem:s5+$0x6800]  }
0x5c: {  	v7 =	vld [tilespmem:s5+$0x6810]  }
.Ltmp0:
0x5d: {  	v10 =	vld [tilespmem:s5+$0x6820];
	(pc) =	sbr.rel @p0 .LBB2_2-.Ltmp0, $4  }
0x5e: {  	v9 =	vld [tilespmem:s5+$0x6830]  }
0x5f: {  	v8 =	vld [tilespmem:s5+$0x6840]  }
0x60: {  	v12 =	vadd.f32 v12, v6;
	v6 =	vld [tilespmem:s5+$0x6850]  }
0x61: {  	s8 =	sadd.s32 $0x200, s8;
	v11 =	vadd.f32 v11, v7;
	v7 =	vld [tilespmem:s5+$0x6860]  }
0x62: {  	[tilespmem:s5+$0x6800] =	vst v12;
	v5 =	vadd.f32 v5, v10;
	v10 =	vld [tilespmem:s5+$0x6870]  }
0x63: {  	[tilespmem:s5+$0x6810] =	vst v11;
	v4 =	vadd.f32 v4, v9  }
0x64: {  	[tilespmem:s5+$0x6820] =	vst v5;
	v3 =	vadd.f32 v3, v8  }
0x65: {  	[tilespmem:s5+$0x6830] =	vst v4;
	v2 =	vadd.f32 v2, v6  }
0x66: {  	[tilespmem:s5+$0x6840] =	vst v3;
	v1 =	vadd.f32 v1, v7  }
0x67: {  	[tilespmem:s5+$0x6850] =	vst v2;
	v0 =	vadd.f32 v0, v10  }
0x68: {  	[tilespmem:s5+$0x6860] =	vst v1  }
0x69: {  	s2 =	simm.s32 $0x0;
	s23 =	rddreg [dreg:$0x9];
	[tilespmem:s5+$0x6870] =	vst v0  }
0x6a: {  	[hbm4b:s23+s2] =	stream.linear.scatter [tilespmem:s0], [sflag:$0x3], $0x6400, $0x38;
	[tilespmem:$0x1F800] =	vst v63  }
0x6b: {  	s24 =	rddreg [dreg:$0xa]  }
0x6c: {  	[tilespmem:s28], [sflag:$0x1] =	stream.strided.gather [hbm4b:s24+s25], $0x100, s26, s25, $0x38;
	[tilespmem:$0x1F800] =	vst v63  }
0x6d: {  	_ =	swait.ge [sflag:s31], $0x100  }
0x6e: {  	[sflag:s31] =	ssyncset.done $0x0  }
0x6f: {  	[sflag:s31] =	ssyncadd.s32 $0xFFFFFF00  }
0x70: {  	[tilespmem:s20], [sflag:$0x2] =	stream.indirect.gather [hbm4b:s1+s25], $0x80, s15, s25, $0xb8;
	[tilespmem:$0x1F800] =	vst v63  }
0x71: {  	_ = 	snop  }
0x72: {  	[tilespmem:s22], [sflag:$0x2] =	stream.indirect.gather [hbm4b:s1+s3], $0x80, s21, s3, $0xb8;
	[tilespmem:$0x1F800] =	vst v63  }
0x73: {  	_ =	swait.ge [sflag:s19], $0x4000  }
0x74: {  	[sflag:s19] =	ssyncset.done $0x0  }
0x75: {  	[sflag:s19] =	ssyncadd.s32 $0xFFFFC000  }
0x76: {  	_ =	swait.ge [sflag:s19], $0x2400  }
0x77: {  	[sflag:s19] =	ssyncset.done $0x0  }
0x78: {  	s5 =	simm.s32 $0x0;
	[sflag:s19] =	ssyncadd.s32 $0xFFFFDC00  }
0x79: {  	v7 =	vld [tilespmem:s5+$0x0]  }
0x7a: {  	v11 =	vld [tilespmem:s5+$0x10]  }
0x7b: {  	v5 =	vld [tilespmem:s5+$0x20]  }
0x7c: {  	v4 =	vld [tilespmem:s5+$0x30]  }
0x7d: {  	v3 =	vld [tilespmem:s5+$0x40]  }
0x7e: {  	v2 =	vld [tilespmem:s5+$0x50]  }
0x7f: {  	v1 =	vld [tilespmem:s5+$0x60]  }
0x80: {  	v0 =	vld [tilespmem:s5+$0x70]  }
0x81: {  	v12 =	vld [tilespmem:s5+$0xCC00]  }
0x82: {  	v13 =	vld [tilespmem:s5+$0xCC10]  }
0x83: {  	v10 =	vld [tilespmem:s5+$0xCC20]  }
0x84: {  	v9 =	vld [tilespmem:s5+$0xCC30]  }
0x85: {  	v8 =	vld [tilespmem:s5+$0xCC40]  }
0x86: {  	v6 =	vld [tilespmem:s5+$0xCC50];
	v12 =	vadd.f32 v7, v12  }
0x87: {  	s8 =	simm.s32 $0x200;
	v11 =	vadd.f32 v11, v13;
	v7 =	vld [tilespmem:s5+$0xCC60]  }
.LBB2_4:
0x88: {  	s2 =	sshra.s32 s8, $0x2;
	p0 =	sne.s32 s8, $0x18E00;
	[tilespmem:s5+$0xCC00] =	vst v12;
	v5 =	vadd.f32 v5, v10;
	v10 =	vld [tilespmem:s5+$0xCC70]  }
0x89: {  	v12 =	vld [tilespmem:s2+$0x0];
	[tilespmem:s5+$0xCC10] =	vst v11;
	v4 =	vadd.f32 v4, v9  }
0x8a: {  	v11 =	vld [tilespmem:s2+$0x10];
	[tilespmem:s5+$0xCC20] =	vst v5;
	v3 =	vadd.f32 v3, v8  }
0x8b: {  	v5 =	vld [tilespmem:s2+$0x20];
	[tilespmem:s5+$0xCC30] =	vst v4;
	v2 =	vadd.f32 v2, v6  }
0x8c: {  	v4 =	vld [tilespmem:s2+$0x30];
	[tilespmem:s5+$0xCC40] =	vst v3;
	v1 =	vadd.f32 v1, v7  }
0x8d: {  	v3 =	vld [tilespmem:s2+$0x40];
	[tilespmem:s5+$0xCC50] =	vst v2;
	v0 =	vadd.f32 v0, v10  }
0x8e: {  	v2 =	vld [tilespmem:s2+$0x50];
	[tilespmem:s5+$0xCC60] =	vst v1  }
0x8f: {  	v1 =	vld [tilespmem:s2+$0x60];
	[tilespmem:s5+$0xCC70] =	vst v0;
	s5 =	smov.u32 s2  }
0x90: {  	v0 =	vld [tilespmem:s5+$0x70]  }
0x91: {  	v6 =	vld [tilespmem:s5+$0xCC00]  }
0x92: {  	v7 =	vld [tilespmem:s5+$0xCC10]  }
.Ltmp1:
0x93: {  	v10 =	vld [tilespmem:s5+$0xCC20];
	(pc) =	sbr.rel @p0 .LBB2_4-.Ltmp1, $4  }
0x94: {  	v9 =	vld [tilespmem:s5+$0xCC30]  }
0x95: {  	v8 =	vld [tilespmem:s5+$0xCC40]  }
0x96: {  	v12 =	vadd.f32 v12, v6;
	v6 =	vld [tilespmem:s5+$0xCC50]  }
0x97: {  	s8 =	sadd.s32 $0x200, s8;
	v11 =	vadd.f32 v11, v7;
	v7 =	vld [tilespmem:s5+$0xCC60]  }
0x98: {  	[tilespmem:s5+$0xCC00] =	vst v12;
	v5 =	vadd.f32 v5, v10;
	v10 =	vld [tilespmem:s5+$0xCC70]  }
0x99: {  	[tilespmem:s5+$0xCC10] =	vst v11;
	v4 =	vadd.f32 v4, v9  }
0x9a: {  	[tilespmem:s5+$0xCC20] =	vst v5;
	v3 =	vadd.f32 v3, v8  }
0x9b: {  	[tilespmem:s5+$0xCC30] =	vst v4;
	v2 =	vadd.f32 v2, v6  }
0x9c: {  	[tilespmem:s5+$0xCC40] =	vst v3;
	v1 =	vadd.f32 v1, v7  }
0x9d: {  	[tilespmem:s5+$0xCC50] =	vst v2;
	v0 =	vadd.f32 v0, v10  }
0x9e: {  	[tilespmem:s5+$0xCC60] =	vst v1  }
0x9f: {  	s2 =	simm.s32 $0x0;
	s8 =	rddreg [dreg:$0xb];
	[tilespmem:s5+$0xCC70] =	vst v0  }
0xa0: {  	[hbm4b:s8+s2] =	stream.linear.scatter [tilespmem:s10], [sflag:$0x3], $0x6400, $0x38;
	[tilespmem:$0x1F800] =	vst v63  }
0xa1: {  	s12 =	rddreg [dreg:$0xc]  }
0xa2: {  	[tilespmem:s29], [sflag:$0x1] =	stream.strided.gather [hbm4b:s12+s25], $0x100, s26, s25, $0x38;
	[tilespmem:$0x1F800] =	vst v63  }
0xa3: {  	_ =	swait.ge [sflag:s14], $0x6400  }
0xa4: {  	[sflag:s14] =	ssyncset.done $0x0  }
0xa5: {  	[sflag:s14] =	ssyncadd.s32 $0xFFFF9C00  }
0xa6: {  	_ =	swait.ge [sflag:s31], $0x100  }
0xa7: {  	[sflag:s31] =	ssyncset.done $0x0  }
0xa8: {  	[sflag:s31] =	ssyncadd.s32 $0xFFFFFF00  }
0xa9: {  	[tilespmem:s0], [sflag:$0x2] =	stream.indirect.gather [hbm4b:s1+s25], $0x80, s28, s25, $0xb8;
	[tilespmem:$0x1F800] =	vst v63  }
0xaa: {  	s23 =	simm.s32 $0x6480;
	s24 =	simm.s32 $0xA800  }
0xab: {  	[tilespmem:s24], [sflag:$0x2] =	stream.indirect.gather [hbm4b:s1+s3], $0x80, s23, s3, $0xb8;
	[tilespmem:$0x1F800] =	vst v63  }
0xac: {  	_ =	swait.ge [sflag:s19], $0x4000  }
0xad: {  	[sflag:s19] =	ssyncset.done $0x0  }
0xae: {  	[sflag:s19] =	ssyncadd.s32 $0xFFFFC000  }
0xaf: {  	_ =	swait.ge [sflag:s19], $0x2400  }
0xb0: {  	[sflag:s19] =	ssyncset.done $0x0  }
0xb1: {  	s5 =	simm.s32 $0x0;
	[sflag:s19] =	ssyncadd.s32 $0xFFFFDC00  }
0xb2: {  	v7 =	vld [tilespmem:s5+$0x0]  }
0xb3: {  	v11 =	vld [tilespmem:s5+$0x10]  }
0xb4: {  	v5 =	vld [tilespmem:s5+$0x20]  }
0xb5: {  	v4 =	vld [tilespmem:s5+$0x30]  }
0xb6: {  	v3 =	vld [tilespmem:s5+$0x40]  }
0xb7: {  	v2 =	vld [tilespmem:s5+$0x50]  }
0xb8: {  	v1 =	vld [tilespmem:s5+$0x60]  }
0xb9: {  	v0 =	vld [tilespmem:s5+$0x70]  }
0xba: {  	v12 =	vld [tilespmem:s5+$0x13000]  }
0xbb: {  	v13 =	vld [tilespmem:s5+$0x13010]  }
0xbc: {  	v10 =	vld [tilespmem:s5+$0x13020]  }
0xbd: {  	v9 =	vld [tilespmem:s5+$0x13030]  }
0xbe: {  	v8 =	vld [tilespmem:s5+$0x13040]  }
0xbf: {  	v6 =	vld [tilespmem:s5+$0x13050];
	v12 =	vadd.f32 v7, v12  }
0xc0: {  	s8 =	simm.s32 $0x200;
	v11 =	vadd.f32 v11, v13;
	v7 =	vld [tilespmem:s5+$0x13060]  }
.LBB2_6:
0xc1: {  	s2 =	sshra.s32 s8, $0x2;
	p0 =	sne.s32 s8, $0x18E00;
	[tilespmem:s5+$0x13000] =	vst v12;
	v5 =	vadd.f32 v5, v10;
	v10 =	vld [tilespmem:s5+$0x13070]  }
0xc2: {  	v12 =	vld [tilespmem:s2+$0x0];
	[tilespmem:s5+$0x13010] =	vst v11;
	v4 =	vadd.f32 v4, v9  }
0xc3: {  	v11 =	vld [tilespmem:s2+$0x10];
	[tilespmem:s5+$0x13020] =	vst v5;
	v3 =	vadd.f32 v3, v8  }
0xc4: {  	v5 =	vld [tilespmem:s2+$0x20];
	[tilespmem:s5+$0x13030] =	vst v4;
	v2 =	vadd.f32 v2, v6  }
0xc5: {  	v4 =	vld [tilespmem:s2+$0x30];
	[tilespmem:s5+$0x13040] =	vst v3;
	v1 =	vadd.f32 v1, v7  }
0xc6: {  	v3 =	vld [tilespmem:s2+$0x40];
	[tilespmem:s5+$0x13050] =	vst v2;
	v0 =	vadd.f32 v0, v10  }
0xc7: {  	v2 =	vld [tilespmem:s2+$0x50];
	[tilespmem:s5+$0x13060] =	vst v1  }
0xc8: {  	v1 =	vld [tilespmem:s2+$0x60];
	[tilespmem:s5+$0x13070] =	vst v0;
	s5 =	smov.u32 s2  }
0xc9: {  	v0 =	vld [tilespmem:s5+$0x70]  }
0xca: {  	v6 =	vld [tilespmem:s5+$0x13000]  }
0xcb: {  	v7 =	vld [tilespmem:s5+$0x13010]  }
.Ltmp2:
0xcc: {  	v10 =	vld [tilespmem:s5+$0x13020];
	(pc) =	sbr.rel @p0 .LBB2_6-.Ltmp2, $4  }
0xcd: {  	v9 =	vld [tilespmem:s5+$0x13030]  }
0xce: {  	v8 =	vld [tilespmem:s5+$0x13040]  }
0xcf: {  	v12 =	vadd.f32 v12, v6;
	v6 =	vld [tilespmem:s5+$0x13050]  }
0xd0: {  	s8 =	sadd.s32 $0x200, s8;
	v11 =	vadd.f32 v11, v7;
	v7 =	vld [tilespmem:s5+$0x13060]  }
0xd1: {  	[tilespmem:s5+$0x13000] =	vst v12;
	v5 =	vadd.f32 v5, v10;
	v10 =	vld [tilespmem:s5+$0x13070]  }
0xd2: {  	[tilespmem:s5+$0x13010] =	vst v11;
	v4 =	vadd.f32 v4, v9  }
0xd3: {  	[tilespmem:s5+$0x13020] =	vst v5;
	v3 =	vadd.f32 v3, v8  }
0xd4: {  	[tilespmem:s5+$0x13030] =	vst v4;
	v2 =	vadd.f32 v2, v6  }
0xd5: {  	[tilespmem:s5+$0x13040] =	vst v3;
	v1 =	vadd.f32 v1, v7  }
0xd6: {  	[tilespmem:s5+$0x13050] =	vst v2;
	v0 =	vadd.f32 v0, v10  }
0xd7: {  	[tilespmem:s5+$0x13060] =	vst v1  }
0xd8: {  	s2 =	simm.s32 $0x0;
	s23 =	rddreg [dreg:$0xd];
	[tilespmem:s5+$0x13070] =	vst v0  }
0xd9: {  	[hbm4b:s23+s2] =	stream.linear.scatter [tilespmem:s16], [sflag:$0x3], $0x6400, $0x38;
	[tilespmem:$0x1F800] =	vst v63  }
0xda: {  	s24 =	rddreg [dreg:$0xe]  }
0xdb: {  	[tilespmem:s30], [sflag:$0x1] =	stream.strided.gather [hbm4b:s24+s25], $0x100, s26, s25, $0x38;
	[tilespmem:$0x1F800] =	vst v63  }
0xdc: {  	_ =	swait.ge [sflag:s14], $0x6400  }
0xdd: {  	[sflag:s14] =	ssyncset.done $0x0  }
0xde: {  	[sflag:s14] =	ssyncadd.s32 $0xFFFF9C00  }
0xdf: {  	_ =	swait.ge [sflag:s31], $0x100  }
0xe0: {  	[sflag:s31] =	ssyncset.done $0x0  }
0xe1: {  	[sflag:s31] =	ssyncadd.s32 $0xFFFFFF00  }
0xe2: {  	[tilespmem:s10], [sflag:$0x2] =	stream.indirect.gather [hbm4b:s1+s25], $0x80, s29, s25, $0xb8;
	[tilespmem:$0x1F800] =	vst v63  }
0xe3: {  	_ = 	snop  }
0xe4: {  	[tilespmem:s13], [sflag:$0x2] =	stream.indirect.gather [hbm4b:s1+s3], $0x80, s11, s3, $0xb8;
	[tilespmem:$0x1F800] =	vst v63  }
0xe5: {  	_ =	swait.ge [sflag:s19], $0x4000  }
0xe6: {  	[sflag:s19] =	ssyncset.done $0x0  }
0xe7: {  	[sflag:s19] =	ssyncadd.s32 $0xFFFFC000  }
0xe8: {  	_ =	swait.ge [sflag:s19], $0x2400  }
0xe9: {  	[sflag:s19] =	ssyncset.done $0x0  }
0xea: {  	s5 =	simm.s32 $0x0;
	[sflag:s19] =	ssyncadd.s32 $0xFFFFDC00  }
0xeb: {  	v7 =	vld [tilespmem:s5+$0x0]  }
0xec: {  	v11 =	vld [tilespmem:s5+$0x10]  }
0xed: {  	v5 =	vld [tilespmem:s5+$0x20]  }
0xee: {  	v4 =	vld [tilespmem:s5+$0x30]  }
0xef: {  	v3 =	vld [tilespmem:s5+$0x40]  }
0xf0: {  	v2 =	vld [tilespmem:s5+$0x50]  }
0xf1: {  	v1 =	vld [tilespmem:s5+$0x60]  }
0xf2: {  	v0 =	vld [tilespmem:s5+$0x70]  }
0xf3: {  	v12 =	vld [tilespmem:s5+$0x19400]  }
0xf4: {  	v13 =	vld [tilespmem:s5+$0x19410]  }
0xf5: {  	v10 =	vld [tilespmem:s5+$0x19420]  }
0xf6: {  	v9 =	vld [tilespmem:s5+$0x19430]  }
0xf7: {  	v8 =	vld [tilespmem:s5+$0x19440]  }
0xf8: {  	v6 =	vld [tilespmem:s5+$0x19450];
	v12 =	vadd.f32 v7, v12  }
0xf9: {  	s8 =	simm.s32 $0x200;
	v11 =	vadd.f32 v11, v13;
	v7 =	vld [tilespmem:s5+$0x19460]  }
.LBB2_8:
0xfa: {  	s2 =	sshra.s32 s8, $0x2;
	p0 =	sne.s32 s8, $0x18E00;
	[tilespmem:s5+$0x19400] =	vst v12;
	v5 =	vadd.f32 v5, v10;
	v10 =	vld [tilespmem:s5+$0x19470]  }
0xfb: {  	v12 =	vld [tilespmem:s2+$0x0];
	[tilespmem:s5+$0x19410] =	vst v11;
	v4 =	vadd.f32 v4, v9  }
0xfc: {  	v11 =	vld [tilespmem:s2+$0x10];
	[tilespmem:s5+$0x19420] =	vst v5;
	v3 =	vadd.f32 v3, v8  }
0xfd: {  	v5 =	vld [tilespmem:s2+$0x20];
	[tilespmem:s5+$0x19430] =	vst v4;
	v2 =	vadd.f32 v2, v6  }
0xfe: {  	v4 =	vld [tilespmem:s2+$0x30];
	[tilespmem:s5+$0x19440] =	vst v3;
	v1 =	vadd.f32 v1, v7  }
0xff: {  	v3 =	vld [tilespmem:s2+$0x40];
	[tilespmem:s5+$0x19450] =	vst v2;
	v0 =	vadd.f32 v0, v10  }
0x100: {  	v2 =	vld [tilespmem:s2+$0x50];
	[tilespmem:s5+$0x19460] =	vst v1  }
0x101: {  	v1 =	vld [tilespmem:s2+$0x60];
	[tilespmem:s5+$0x19470] =	vst v0;
	s5 =	smov.u32 s2  }
0x102: {  	v0 =	vld [tilespmem:s5+$0x70]  }
0x103: {  	v6 =	vld [tilespmem:s5+$0x19400]  }
0x104: {  	v7 =	vld [tilespmem:s5+$0x19410]  }
.Ltmp3:
0x105: {  	v10 =	vld [tilespmem:s5+$0x19420];
	(pc) =	sbr.rel @p0 .LBB2_8-.Ltmp3, $4  }
0x106: {  	v9 =	vld [tilespmem:s5+$0x19430]  }
0x107: {  	v8 =	vld [tilespmem:s5+$0x19440]  }
0x108: {  	v12 =	vadd.f32 v12, v6;
	v6 =	vld [tilespmem:s5+$0x19450]  }
0x109: {  	s8 =	sadd.s32 $0x200, s8;
	v11 =	vadd.f32 v11, v7;
	v7 =	vld [tilespmem:s5+$0x19460]  }
0x10a: {  	[tilespmem:s5+$0x19400] =	vst v12;
	v5 =	vadd.f32 v5, v10;
	v63 =	vld [tilespmem:s5+$0x19470]  }
0x10b: {  	[tilespmem:s5+$0x19410] =	vst v11;
	v4 =	vadd.f32 v4, v9  }
0x10c: {  	[tilespmem:s5+$0x19420] =	vst v5;
	v3 =	vadd.f32 v3, v8  }
0x10d: {  	[tilespmem:s5+$0x19430] =	vst v4;
	v2 =	vadd.f32 v2, v6  }
0x10e: {  	[tilespmem:s5+$0x19440] =	vst v3;
	v1 =	vadd.f32 v1, v7  }
0x10f: {  	[tilespmem:s5+$0x19450] =	vst v2;
	v0 =	vadd.f32 v0, v63  }
0x110: {  	[tilespmem:s5+$0x19460] =	vst v1  }
0x111: {  	s2 =	rddreg [dreg:$0xf];
	s24 =	simm.s32 $0x1;
	[tilespmem:s5+$0x19470] =	vst v0  }
0x112: {  	[hbm4b:s2+s9] =	stream.linear.scatter [tilespmem:s20], [sflag:$0x3], $0x6400, $0x38;
	[tilespmem:$0x1F800] =	vst v63  }
.LBB2_10:
0x113: {  	s2 =	sshllo.u32 s24, $0x2  }
0x114: {  	s12 =	sor.u32 s6, s2;
	s2 =	sshll.u32 s2, $0x4  }
0x115: {  	s5 =	sshll.u32 s12, $0x5;
	s2 =	sand.u32 $0x70, s2  }
0x116: {  	s5 =	sand.u32 $0x7F00, s5;
	s2 =	sadd.s32 s7, s2  }
0x117: {  	s2 =	sadd.s32 s5, s2  }
0x118: {  	[tilespmem:s15], [sflag:$0x1] =	stream.strided.gather [hbm4b:s2+s25], $0x100, s26, s25, $0x38;
	[tilespmem:$0x1F800] =	vst v63  }
0x119: {  	_ =	swait.ge [sflag:s14], $0x6400  }
0x11a: {  	[sflag:s14] =	ssyncset.done $0x0  }
0x11b: {  	[sflag:s14] =	ssyncadd.s32 $0xFFFF9C00  }
0x11c: {  	_ =	swait.ge [sflag:s31], $0x100  }
0x11d: {  	[sflag:s31] =	ssyncset.done $0x0  }
0x11e: {  	[sflag:s31] =	ssyncadd.s32 $0xFFFFFF00  }
0x11f: {  	[tilespmem:s16], [sflag:$0x2] =	stream.indirect.gather [hbm4b:s1+s25], $0x80, s30, s25, $0xb8;
	[tilespmem:$0x1F800] =	vst v63  }
0x120: {  	_ = 	snop  }
0x121: {  	[tilespmem:s18], [sflag:$0x2] =	stream.indirect.gather [hbm4b:s1+s3], $0x80, s17, s3, $0xb8;
	[tilespmem:$0x1F800] =	vst v63  }
0x122: {  	_ =	swait.ge [sflag:s19], $0x4000  }
0x123: {  	[sflag:s19] =	ssyncset.done $0x0  }
0x124: {  	[sflag:s19] =	ssyncadd.s32 $0xFFFFC000  }
0x125: {  	_ =	swait.ge [sflag:s19], $0x2400  }
0x126: {  	[sflag:s19] =	ssyncset.done $0x0  }
0x127: {  	s23 =	simm.s32 $0x0;
	[sflag:s19] =	ssyncadd.s32 $0xFFFFDC00  }
0x128: {  	v7 =	vld [tilespmem:s23+$0x0]  }
0x129: {  	v11 =	vld [tilespmem:s23+$0x10]  }
0x12a: {  	v5 =	vld [tilespmem:s23+$0x20]  }
0x12b: {  	v4 =	vld [tilespmem:s23+$0x30]  }
0x12c: {  	v3 =	vld [tilespmem:s23+$0x40]  }
0x12d: {  	v2 =	vld [tilespmem:s23+$0x50]  }
0x12e: {  	v1 =	vld [tilespmem:s23+$0x60]  }
0x12f: {  	v0 =	vld [tilespmem:s23+$0x70]  }
0x130: {  	v12 =	vld [tilespmem:s23+$0x6800]  }
0x131: {  	v13 =	vld [tilespmem:s23+$0x6810]  }
0x132: {  	v10 =	vld [tilespmem:s23+$0x6820]  }
0x133: {  	v9 =	vld [tilespmem:s23+$0x6830]  }
0x134: {  	v8 =	vld [tilespmem:s23+$0x6840]  }
0x135: {  	v6 =	vld [tilespmem:s23+$0x6850];
	v12 =	vadd.f32 v7, v12  }
0x136: {  	s8 =	sshll.u32 s24, $0x2;
	s5 =	simm.s32 $0x200;
	v11 =	vadd.f32 v11, v13;
	v7 =	vld [tilespmem:s23+$0x6860]  }
.LBB2_11:
0x137: {  	s2 =	sshra.s32 s5, $0x2;
	p0 =	sne.s32 s5, $0x18E00;
	[tilespmem:s23+$0x6800] =	vst v12;
	v5 =	vadd.f32 v5, v10;
	v10 =	vld [tilespmem:s23+$0x6870]  }
0x138: {  	v12 =	vld [tilespmem:s2+$0x0];
	[tilespmem:s23+$0x6810] =	vst v11;
	v4 =	vadd.f32 v4, v9  }
0x139: {  	v11 =	vld [tilespmem:s2+$0x10];
	[tilespmem:s23+$0x6820] =	vst v5;
	v3 =	vadd.f32 v3, v8  }
0x13a: {  	v5 =	vld [tilespmem:s2+$0x20];
	[tilespmem:s23+$0x6830] =	vst v4;
	v2 =	vadd.f32 v2, v6  }
0x13b: {  	v4 =	vld [tilespmem:s2+$0x30];
	[tilespmem:s23+$0x6840] =	vst v3;
	v1 =	vadd.f32 v1, v7  }
0x13c: {  	v3 =	vld [tilespmem:s2+$0x40];
	[tilespmem:s23+$0x6850] =	vst v2;
	v0 =	vadd.f32 v0, v10  }
0x13d: {  	v2 =	vld [tilespmem:s2+$0x50];
	[tilespmem:s23+$0x6860] =	vst v1  }
0x13e: {  	v1 =	vld [tilespmem:s2+$0x60];
	[tilespmem:s23+$0x6870] =	vst v0;
	s23 =	smov.u32 s2  }
0x13f: {  	v0 =	vld [tilespmem:s23+$0x70]  }
0x140: {  	v6 =	vld [tilespmem:s23+$0x6800]  }
0x141: {  	v7 =	vld [tilespmem:s23+$0x6810]  }
.Ltmp4:
0x142: {  	v10 =	vld [tilespmem:s23+$0x6820];
	(pc) =	sbr.rel @p0 .LBB2_11-.Ltmp4, $4  }
0x143: {  	v9 =	vld [tilespmem:s23+$0x6830]  }
0x144: {  	v8 =	vld [tilespmem:s23+$0x6840]  }
0x145: {  	v12 =	vadd.f32 v12, v6;
	v6 =	vld [tilespmem:s23+$0x6850]  }
0x146: {  	s5 =	sadd.s32 $0x200, s5;
	v11 =	vadd.f32 v11, v7;
	v7 =	vld [tilespmem:s23+$0x6860]  }
0x147: {  	[tilespmem:s23+$0x6800] =	vst v12;
	v5 =	vadd.f32 v5, v10;
	v10 =	vld [tilespmem:s23+$0x6870]  }
0x148: {  	[tilespmem:s23+$0x6810] =	vst v11;
	v4 =	vadd.f32 v4, v9  }
0x149: {  	[tilespmem:s23+$0x6820] =	vst v5;
	v3 =	vadd.f32 v3, v8  }
0x14a: {  	[tilespmem:s23+$0x6830] =	vst v4;
	v2 =	vadd.f32 v2, v6  }
0x14b: {  	s2 =	sadd.s32 s6, s8;
	[tilespmem:s23+$0x6840] =	vst v3;
	v1 =	vadd.f32 v1, v7  }
0x14c: {  	s2 =	smul.u32 $0xC80, s2;
	[tilespmem:s23+$0x6850] =	vst v2;
	v0 =	vadd.f32 v0, v10  }
0x14d: {  	[tilespmem:s23+$0x6860] =	vst v1  }
0x14e: {  	s5 =	simm.s32 $0x0;
	s9 =	sadd.s32 $0x4, s8;
	s2 =	sadd.s32 s4, s2;
	[tilespmem:s23+$0x6870] =	vst v0  }
0x14f: {  	[hbm4b:s2+s5] =	stream.linear.scatter [tilespmem:s0], [sflag:$0x3], $0x6400, $0x38;
	[tilespmem:$0x1F800] =	vst v63  }
0x150: {  	s23 =	sadd.s32 s6, s9;
	s2 =	sshll.u32 s9, $0x4  }
0x151: {  	s5 =	sshll.u32 s23, $0x5;
	s2 =	sand.u32 $0x40, s2  }
0x152: {  	s5 =	sand.u32 $0xFF00, s5;
	s2 =	sadd.s32 s7, s2  }
0x153: {  	s2 =	sadd.s32 s5, s2  }
0x154: {  	[tilespmem:s28], [sflag:$0x1] =	stream.strided.gather [hbm4b:s2+s25], $0x100, s26, s25, $0x38;
	[tilespmem:$0x1F800] =	vst v63  }
0x155: {  	_ =	swait.ge [sflag:s14], $0x6400  }
0x156: {  	[sflag:s14] =	ssyncset.done $0x0  }
0x157: {  	[sflag:s14] =	ssyncadd.s32 $0xFFFF9C00  }
0x158: {  	_ =	swait.ge [sflag:s31], $0x100  }
0x159: {  	[sflag:s31] =	ssyncset.done $0x0  }
0x15a: {  	[sflag:s31] =	ssyncadd.s32 $0xFFFFFF00  }
0x15b: {  	[tilespmem:s20], [sflag:$0x2] =	stream.indirect.gather [hbm4b:s1+s25], $0x80, s15, s25, $0xb8;
	[tilespmem:$0x1F800] =	vst v63  }
0x15c: {  	_ = 	snop  }
0x15d: {  	[tilespmem:s22], [sflag:$0x2] =	stream.indirect.gather [hbm4b:s1+s3], $0x80, s21, s3, $0xb8;
	[tilespmem:$0x1F800] =	vst v63  }
0x15e: {  	_ =	swait.ge [sflag:s19], $0x4000  }
0x15f: {  	[sflag:s19] =	ssyncset.done $0x0  }
0x160: {  	[sflag:s19] =	ssyncadd.s32 $0xFFFFC000  }
0x161: {  	_ =	swait.ge [sflag:s19], $0x2400  }
0x162: {  	[sflag:s19] =	ssyncset.done $0x0  }
0x163: {  	s5 =	simm.s32 $0x0;
	[sflag:s19] =	ssyncadd.s32 $0xFFFFDC00  }
0x164: {  	v6 =	vld [tilespmem:s5+$0x0]  }
0x165: {  	v11 =	vld [tilespmem:s5+$0x10]  }
0x166: {  	v5 =	vld [tilespmem:s5+$0x20]  }
0x167: {  	v4 =	vld [tilespmem:s5+$0x30]  }
0x168: {  	v3 =	vld [tilespmem:s5+$0x40]  }
0x169: {  	v2 =	vld [tilespmem:s5+$0x50]  }
0x16a: {  	v1 =	vld [tilespmem:s5+$0x60]  }
0x16b: {  	v0 =	vld [tilespmem:s5+$0x70]  }
0x16c: {  	v12 =	vld [tilespmem:s5+$0xCC00]  }
0x16d: {  	v13 =	vld [tilespmem:s5+$0xCC10]  }
0x16e: {  	v10 =	vld [tilespmem:s5+$0xCC20]  }
0x16f: {  	v9 =	vld [tilespmem:s5+$0xCC30]  }
0x170: {  	v8 =	vld [tilespmem:s5+$0xCC40]  }
0x171: {  	v7 =	vld [tilespmem:s5+$0xCC50];
	v12 =	vadd.f32 v6, v12  }
0x172: {  	s23 =	simm.s32 $0x200;
	v11 =	vadd.f32 v11, v13;
	v6 =	vld [tilespmem:s5+$0xCC60]  }
.LBB2_13:
0x173: {  	s2 =	sshra.s32 s23, $0x2;
	p0 =	sne.s32 s23, $0x18E00;
	[tilespmem:s5+$0xCC00] =	vst v12;
	v5 =	vadd.f32 v5, v10;
	v10 =	vld [tilespmem:s5+$0xCC70]  }
0x174: {  	v12 =	vld [tilespmem:s2+$0x0];
	[tilespmem:s5+$0xCC10] =	vst v11;
	v4 =	vadd.f32 v4, v9  }
0x175: {  	v11 =	vld [tilespmem:s2+$0x10];
	[tilespmem:s5+$0xCC20] =	vst v5;
	v3 =	vadd.f32 v3, v8  }
0x176: {  	v5 =	vld [tilespmem:s2+$0x20];
	[tilespmem:s5+$0xCC30] =	vst v4;
	v2 =	vadd.f32 v2, v7  }
0x177: {  	v4 =	vld [tilespmem:s2+$0x30];
	[tilespmem:s5+$0xCC40] =	vst v3;
	v1 =	vadd.f32 v1, v6  }
0x178: {  	v3 =	vld [tilespmem:s2+$0x40];
	[tilespmem:s5+$0xCC50] =	vst v2;
	v0 =	vadd.f32 v0, v10  }
0x179: {  	v2 =	vld [tilespmem:s2+$0x50];
	[tilespmem:s5+$0xCC60] =	vst v1  }
0x17a: {  	v1 =	vld [tilespmem:s2+$0x60];
	[tilespmem:s5+$0xCC70] =	vst v0;
	s5 =	smov.u32 s2  }
0x17b: {  	v0 =	vld [tilespmem:s5+$0x70]  }
0x17c: {  	v6 =	vld [tilespmem:s5+$0xCC00]  }
0x17d: {  	v13 =	vld [tilespmem:s5+$0xCC10]  }
.Ltmp5:
0x17e: {  	v10 =	vld [tilespmem:s5+$0xCC20];
	(pc) =	sbr.rel @p0 .LBB2_13-.Ltmp5, $4  }
0x17f: {  	v9 =	vld [tilespmem:s5+$0xCC30]  }
0x180: {  	v8 =	vld [tilespmem:s5+$0xCC40]  }
0x181: {  	v12 =	vadd.f32 v12, v6;
	v7 =	vld [tilespmem:s5+$0xCC50]  }
0x182: {  	s23 =	sadd.s32 $0x200, s23;
	v11 =	vadd.f32 v11, v13;
	v6 =	vld [tilespmem:s5+$0xCC60]  }
0x183: {  	[tilespmem:s5+$0xCC00] =	vst v12;
	v5 =	vadd.f32 v5, v10;
	v10 =	vld [tilespmem:s5+$0xCC70]  }
0x184: {  	[tilespmem:s5+$0xCC10] =	vst v11;
	v4 =	vadd.f32 v4, v9  }
0x185: {  	[tilespmem:s5+$0xCC20] =	vst v5;
	v3 =	vadd.f32 v3, v8  }
0x186: {  	s2 =	sadd.s32 s8, s6;
	[tilespmem:s5+$0xCC30] =	vst v4;
	v2 =	vadd.f32 v2, v7  }
0x187: {  	s2 =	smul.u32 $0xC80, s2;
	[tilespmem:s5+$0xCC40] =	vst v3;
	v1 =	vadd.f32 v1, v6  }
0x188: {  	[tilespmem:s5+$0xCC50] =	vst v2;
	v0 =	vadd.f32 v0, v10  }
0x189: {  	s23 =	sadd.s32 s4, s2;
	[tilespmem:s5+$0xCC60] =	vst v1  }
0x18a: {  	s9 =	simm.s32 $0x0;
	s2 =	sadd.s32 $0xC80, s23;
	[tilespmem:s5+$0xCC70] =	vst v0;
	s5 =	sadd.s32 $0x5, s8  }
0x18b: {  	[hbm4b:s2+s9] =	stream.linear.scatter [tilespmem:s10], [sflag:$0x3], $0x6400, $0x38;
	[tilespmem:$0x1F800] =	vst v63  }
0x18c: {  	s9 =	sadd.s32 s6, s5;
	s2 =	sshll.u32 s5, $0x4  }
0x18d: {  	s5 =	sshll.u32 s9, $0x5;
	s2 =	sand.u32 $0x50, s2  }
0x18e: {  	s5 =	sand.u32 $0xFF00, s5;
	s2 =	sadd.s32 s7, s2  }
0x18f: {  	s2 =	sadd.s32 s5, s2  }
0x190: {  	[tilespmem:s29], [sflag:$0x1] =	stream.strided.gather [hbm4b:s2+s25], $0x100, s26, s25, $0x38;
	[tilespmem:$0x1F800] =	vst v63  }
0x191: {  	_ =	swait.ge [sflag:s14], $0x6400  }
0x192: {  	[sflag:s14] =	ssyncset.done $0x0  }
0x193: {  	[sflag:s14] =	ssyncadd.s32 $0xFFFF9C00  }
0x194: {  	_ =	swait.ge [sflag:s31], $0x100  }
0x195: {  	[sflag:s31] =	ssyncset.done $0x0  }
0x196: {  	[sflag:s31] =	ssyncadd.s32 $0xFFFFFF00  }
0x197: {  	[tilespmem:s0], [sflag:$0x2] =	stream.indirect.gather [hbm4b:s1+s25], $0x80, s28, s25, $0xb8;
	[tilespmem:$0x1F800] =	vst v63  }
0x198: {  	s9 =	simm.s32 $0xA800;
	s5 =	simm.s32 $0x6480  }
0x199: {  	[tilespmem:s9], [sflag:$0x2] =	stream.indirect.gather [hbm4b:s1+s3], $0x80, s5, s3, $0xb8;
	[tilespmem:$0x1F800] =	vst v63  }
0x19a: {  	_ =	swait.ge [sflag:s19], $0x4000  }
0x19b: {  	[sflag:s19] =	ssyncset.done $0x0  }
0x19c: {  	[sflag:s19] =	ssyncadd.s32 $0xFFFFC000  }
0x19d: {  	_ =	swait.ge [sflag:s19], $0x2400  }
0x19e: {  	[sflag:s19] =	ssyncset.done $0x0  }
0x19f: {  	s5 =	simm.s32 $0x0;
	[sflag:s19] =	ssyncadd.s32 $0xFFFFDC00  }
0x1a0: {  	v7 =	vld [tilespmem:s5+$0x0]  }
0x1a1: {  	v11 =	vld [tilespmem:s5+$0x10]  }
0x1a2: {  	v5 =	vld [tilespmem:s5+$0x20]  }
0x1a3: {  	v4 =	vld [tilespmem:s5+$0x30]  }
0x1a4: {  	v3 =	vld [tilespmem:s5+$0x40]  }
0x1a5: {  	v2 =	vld [tilespmem:s5+$0x50]  }
0x1a6: {  	v1 =	vld [tilespmem:s5+$0x60]  }
0x1a7: {  	v0 =	vld [tilespmem:s5+$0x70]  }
0x1a8: {  	v12 =	vld [tilespmem:s5+$0x13000]  }
0x1a9: {  	v13 =	vld [tilespmem:s5+$0x13010]  }
0x1aa: {  	v10 =	vld [tilespmem:s5+$0x13020]  }
0x1ab: {  	v9 =	vld [tilespmem:s5+$0x13030]  }
0x1ac: {  	v8 =	vld [tilespmem:s5+$0x13040]  }
0x1ad: {  	v6 =	vld [tilespmem:s5+$0x13050];
	v12 =	vadd.f32 v7, v12  }
0x1ae: {  	s2 =	simm.s32 $0x200;
	v11 =	vadd.f32 v11, v13;
	v7 =	vld [tilespmem:s5+$0x13060]  }
.LBB2_15:
0x1af: {  	s9 =	sshra.s32 s2, $0x2;
	p0 =	sne.s32 s2, $0x18E00;
	[tilespmem:s5+$0x13000] =	vst v12;
	v5 =	vadd.f32 v5, v10;
	v10 =	vld [tilespmem:s5+$0x13070]  }
0x1b0: {  	v12 =	vld [tilespmem:s9+$0x0];
	[tilespmem:s5+$0x13010] =	vst v11;
	v4 =	vadd.f32 v4, v9  }
0x1b1: {  	v11 =	vld [tilespmem:s9+$0x10];
	[tilespmem:s5+$0x13020] =	vst v5;
	v3 =	vadd.f32 v3, v8  }
0x1b2: {  	v5 =	vld [tilespmem:s9+$0x20];
	[tilespmem:s5+$0x13030] =	vst v4;
	v2 =	vadd.f32 v2, v6  }
0x1b3: {  	v4 =	vld [tilespmem:s9+$0x30];
	[tilespmem:s5+$0x13040] =	vst v3;
	v1 =	vadd.f32 v1, v7  }
0x1b4: {  	v3 =	vld [tilespmem:s9+$0x40];
	[tilespmem:s5+$0x13050] =	vst v2;
	v0 =	vadd.f32 v0, v10  }
0x1b5: {  	v2 =	vld [tilespmem:s9+$0x50];
	[tilespmem:s5+$0x13060] =	vst v1  }
0x1b6: {  	v1 =	vld [tilespmem:s9+$0x60];
	[tilespmem:s5+$0x13070] =	vst v0;
	s5 =	smov.u32 s9  }
0x1b7: {  	v0 =	vld [tilespmem:s5+$0x70]  }
0x1b8: {  	v6 =	vld [tilespmem:s5+$0x13000]  }
0x1b9: {  	v7 =	vld [tilespmem:s5+$0x13010]  }
.Ltmp6:
0x1ba: {  	v10 =	vld [tilespmem:s5+$0x13020];
	(pc) =	sbr.rel @p0 .LBB2_15-.Ltmp6, $4  }
0x1bb: {  	v9 =	vld [tilespmem:s5+$0x13030]  }
0x1bc: {  	v8 =	vld [tilespmem:s5+$0x13040]  }
0x1bd: {  	v12 =	vadd.f32 v12, v6;
	v6 =	vld [tilespmem:s5+$0x13050]  }
0x1be: {  	s2 =	sadd.s32 $0x200, s2;
	v11 =	vadd.f32 v11, v7;
	v7 =	vld [tilespmem:s5+$0x13060]  }
0x1bf: {  	[tilespmem:s5+$0x13000] =	vst v12;
	v5 =	vadd.f32 v5, v10;
	v10 =	vld [tilespmem:s5+$0x13070]  }
0x1c0: {  	[tilespmem:s5+$0x13010] =	vst v11;
	v4 =	vadd.f32 v4, v9  }
0x1c1: {  	[tilespmem:s5+$0x13020] =	vst v5;
	v3 =	vadd.f32 v3, v8  }
0x1c2: {  	[tilespmem:s5+$0x13030] =	vst v4;
	v2 =	vadd.f32 v2, v6  }
0x1c3: {  	[tilespmem:s5+$0x13040] =	vst v3;
	v1 =	vadd.f32 v1, v7  }
0x1c4: {  	[tilespmem:s5+$0x13050] =	vst v2;
	v0 =	vadd.f32 v0, v10  }
0x1c5: {  	[tilespmem:s5+$0x13060] =	vst v1  }
0x1c6: {  	s2 =	sadd.s32 $0x1900, s23;
	s23 =	simm.s32 $0x0;
	s9 =	sadd.s32 $0x6, s8;
	[tilespmem:s5+$0x13070] =	vst v0  }
0x1c7: {  	[hbm4b:s2+s23] =	stream.linear.scatter [tilespmem:s16], [sflag:$0x3], $0x6400, $0x38;
	[tilespmem:$0x1F800] =	vst v63  }
0x1c8: {  	s23 =	sadd.s32 s6, s9;
	s2 =	sshll.u32 s9, $0x4  }
0x1c9: {  	s5 =	sshll.u32 s23, $0x5;
	s2 =	sand.u32 $0x60, s2  }
0x1ca: {  	s5 =	sand.u32 $0xFF00, s5;
	s2 =	sadd.s32 s7, s2  }
0x1cb: {  	s2 =	sadd.s32 s5, s2  }
0x1cc: {  	[tilespmem:s30], [sflag:$0x1] =	stream.strided.gather [hbm4b:s2+s25], $0x100, s26, s25, $0x38;
	[tilespmem:$0x1F800] =	vst v63  }
0x1cd: {  	_ =	swait.ge [sflag:s14], $0x6400  }
0x1ce: {  	[sflag:s14] =	ssyncset.done $0x0  }
0x1cf: {  	[sflag:s14] =	ssyncadd.s32 $0xFFFF9C00  }
0x1d0: {  	_ =	swait.ge [sflag:s31], $0x100  }
0x1d1: {  	[sflag:s31] =	ssyncset.done $0x0  }
0x1d2: {  	[sflag:s31] =	ssyncadd.s32 $0xFFFFFF00  }
0x1d3: {  	[tilespmem:s10], [sflag:$0x2] =	stream.indirect.gather [hbm4b:s1+s25], $0x80, s29, s25, $0xb8;
	[tilespmem:$0x1F800] =	vst v63  }
0x1d4: {  	_ = 	snop  }
0x1d5: {  	[tilespmem:s13], [sflag:$0x2] =	stream.indirect.gather [hbm4b:s1+s3], $0x80, s11, s3, $0xb8;
	[tilespmem:$0x1F800] =	vst v63  }
0x1d6: {  	_ =	swait.ge [sflag:s19], $0x4000  }
0x1d7: {  	[sflag:s19] =	ssyncset.done $0x0  }
0x1d8: {  	[sflag:s19] =	ssyncadd.s32 $0xFFFFC000  }
0x1d9: {  	_ =	swait.ge [sflag:s19], $0x2400  }
0x1da: {  	[sflag:s19] =	ssyncset.done $0x0  }
0x1db: {  	s5 =	simm.s32 $0x0;
	[sflag:s19] =	ssyncadd.s32 $0xFFFFDC00  }
0x1dc: {  	v7 =	vld [tilespmem:s5+$0x0]  }
0x1dd: {  	v11 =	vld [tilespmem:s5+$0x10]  }
0x1de: {  	v5 =	vld [tilespmem:s5+$0x20]  }
0x1df: {  	v4 =	vld [tilespmem:s5+$0x30]  }
0x1e0: {  	v3 =	vld [tilespmem:s5+$0x40]  }
0x1e1: {  	v2 =	vld [tilespmem:s5+$0x50]  }
0x1e2: {  	v1 =	vld [tilespmem:s5+$0x60]  }
0x1e3: {  	v0 =	vld [tilespmem:s5+$0x70]  }
0x1e4: {  	v12 =	vld [tilespmem:s5+$0x19400]  }
0x1e5: {  	v13 =	vld [tilespmem:s5+$0x19410]  }
0x1e6: {  	v10 =	vld [tilespmem:s5+$0x19420]  }
0x1e7: {  	v9 =	vld [tilespmem:s5+$0x19430]  }
0x1e8: {  	v8 =	vld [tilespmem:s5+$0x19440]  }
0x1e9: {  	v6 =	vld [tilespmem:s5+$0x19450];
	v12 =	vadd.f32 v7, v12  }
0x1ea: {  	s2 =	simm.s32 $0x200;
	v11 =	vadd.f32 v11, v13;
	v7 =	vld [tilespmem:s5+$0x19460]  }
.LBB2_17:
0x1eb: {  	s8 =	sshra.s32 s2, $0x2;
	p0 =	sne.s32 s2, $0x18E00;
	[tilespmem:s5+$0x19400] =	vst v12;
	v5 =	vadd.f32 v5, v10;
	v10 =	vld [tilespmem:s5+$0x19470]  }
0x1ec: {  	v12 =	vld [tilespmem:s8+$0x0];
	[tilespmem:s5+$0x19410] =	vst v11;
	v4 =	vadd.f32 v4, v9  }
0x1ed: {  	v11 =	vld [tilespmem:s8+$0x10];
	[tilespmem:s5+$0x19420] =	vst v5;
	v3 =	vadd.f32 v3, v8  }
0x1ee: {  	v5 =	vld [tilespmem:s8+$0x20];
	[tilespmem:s5+$0x19430] =	vst v4;
	v2 =	vadd.f32 v2, v6  }
0x1ef: {  	v4 =	vld [tilespmem:s8+$0x30];
	[tilespmem:s5+$0x19440] =	vst v3;
	v1 =	vadd.f32 v1, v7  }
0x1f0: {  	v3 =	vld [tilespmem:s8+$0x40];
	[tilespmem:s5+$0x19450] =	vst v2;
	v0 =	vadd.f32 v0, v10  }
0x1f1: {  	v2 =	vld [tilespmem:s8+$0x50];
	[tilespmem:s5+$0x19460] =	vst v1  }
0x1f2: {  	v1 =	vld [tilespmem:s8+$0x60];
	[tilespmem:s5+$0x19470] =	vst v0;
	s5 =	smov.u32 s8  }
0x1f3: {  	v0 =	vld [tilespmem:s5+$0x70]  }
0x1f4: {  	v6 =	vld [tilespmem:s5+$0x19400]  }
0x1f5: {  	v7 =	vld [tilespmem:s5+$0x19410]  }
.Ltmp7:
0x1f6: {  	v10 =	vld [tilespmem:s5+$0x19420];
	(pc) =	sbr.rel @p0 .LBB2_17-.Ltmp7, $4  }
0x1f7: {  	v9 =	vld [tilespmem:s5+$0x19430]  }
0x1f8: {  	v8 =	vld [tilespmem:s5+$0x19440]  }
0x1f9: {  	v12 =	vadd.f32 v12, v6;
	v6 =	vld [tilespmem:s5+$0x19450]  }
0x1fa: {  	s2 =	sadd.s32 $0x200, s2;
	v11 =	vadd.f32 v11, v7;
	v7 =	vld [tilespmem:s5+$0x19460]  }
0x1fb: {  	[tilespmem:s5+$0x19400] =	vst v12;
	v5 =	vadd.f32 v5, v10;
	v63 =	vld [tilespmem:s5+$0x19470]  }
0x1fc: {  	[tilespmem:s5+$0x19410] =	vst v11;
	v4 =	vadd.f32 v4, v9  }
0x1fd: {  	s24 =	sadd.s32 $0x1, s24;
	[tilespmem:s5+$0x19420] =	vst v5;
	v3 =	vadd.f32 v3, v8  }
0x1fe: {  	p0 =	sne.s32 s24, $0x7;
	[tilespmem:s5+$0x19430] =	vst v4;
	v2 =	vadd.f32 v2, v6  }
.Ltmp8:
0x1ff: {  	[tilespmem:s5+$0x19440] =	vst v3;
	v1 =	vadd.f32 v1, v7;
	(pc) =	sbr.rel @p0 .LBB2_10-.Ltmp8, $4  }
0x200: {  	s2 =	smul.u32 $0xC80, s12;
	[tilespmem:s5+$0x19450] =	vst v2;
	v0 =	vadd.f32 v0, v63  }
0x201: {  	[tilespmem:s5+$0x19460] =	vst v1  }
0x202: {  	s9 =	simm.s32 $0x0;
	s2 =	sadd.s32 s4, s2;
	[tilespmem:s5+$0x19470] =	vst v0  }
0x203: {  	[hbm4b:s2+s9] =	stream.linear.scatter [tilespmem:s20], [sflag:$0x3], $0x6400, $0x38;
	[tilespmem:$0x1F800] =	vst v63  }
0x204: {  	s2 =	rddreg [dreg:$0x10]  }
0x205: {  	[tilespmem:s15], [sflag:$0x1] =	stream.strided.gather [hbm4b:s2+s25], $0x100, s26, s25, $0x38;
	[tilespmem:$0x1F800] =	vst v63  }
0x206: {  	_ =	swait.ge [sflag:s14], $0x6400  }
0x207: {  	[sflag:s14] =	ssyncset.done $0x0  }
0x208: {  	[sflag:s14] =	ssyncadd.s32 $0xFFFF9C00  }
0x209: {  	_ =	swait.ge [sflag:s31], $0x100  }
0x20a: {  	[sflag:s31] =	ssyncset.done $0x0  }
0x20b: {  	[sflag:s31] =	ssyncadd.s32 $0xFFFFFF00  }
0x20c: {  	[tilespmem:s16], [sflag:$0x2] =	stream.indirect.gather [hbm4b:s1+s25], $0x80, s30, s25, $0xb8;
	[tilespmem:$0x1F800] =	vst v63  }
0x20d: {  	_ = 	snop  }
0x20e: {  	[tilespmem:s18], [sflag:$0x2] =	stream.indirect.gather [hbm4b:s1+s3], $0x80, s17, s3, $0xb8;
	[tilespmem:$0x1F800] =	vst v63  }
0x20f: {  	_ =	swait.ge [sflag:s19], $0x4000  }
0x210: {  	[sflag:s19] =	ssyncset.done $0x0  }
0x211: {  	[sflag:s19] =	ssyncadd.s32 $0xFFFFC000  }
0x212: {  	_ =	swait.ge [sflag:s19], $0x2400  }
0x213: {  	[sflag:s19] =	ssyncset.done $0x0  }
0x214: {  	s5 =	simm.s32 $0x0;
	[sflag:s19] =	ssyncadd.s32 $0xFFFFDC00  }
0x215: {  	v7 =	vld [tilespmem:s5+$0x0]  }
0x216: {  	v11 =	vld [tilespmem:s5+$0x10]  }
0x217: {  	v5 =	vld [tilespmem:s5+$0x20]  }
0x218: {  	v4 =	vld [tilespmem:s5+$0x30]  }
0x219: {  	v3 =	vld [tilespmem:s5+$0x40]  }
0x21a: {  	v2 =	vld [tilespmem:s5+$0x50]  }
0x21b: {  	v1 =	vld [tilespmem:s5+$0x60]  }
0x21c: {  	v0 =	vld [tilespmem:s5+$0x70]  }
0x21d: {  	v12 =	vld [tilespmem:s5+$0x6800]  }
0x21e: {  	v13 =	vld [tilespmem:s5+$0x6810]  }
0x21f: {  	v10 =	vld [tilespmem:s5+$0x6820]  }
0x220: {  	v9 =	vld [tilespmem:s5+$0x6830]  }
0x221: {  	v8 =	vld [tilespmem:s5+$0x6840]  }
0x222: {  	v6 =	vld [tilespmem:s5+$0x6850];
	v12 =	vadd.f32 v7, v12  }
0x223: {  	s2 =	simm.s32 $0x200;
	v11 =	vadd.f32 v11, v13;
	v7 =	vld [tilespmem:s5+$0x6860]  }
.LBB2_20:
0x224: {  	s8 =	sshra.s32 s2, $0x2;
	p0 =	sne.s32 s2, $0x18E00;
	[tilespmem:s5+$0x6800] =	vst v12;
	v5 =	vadd.f32 v5, v10;
	v10 =	vld [tilespmem:s5+$0x6870]  }
0x225: {  	v12 =	vld [tilespmem:s8+$0x0];
	[tilespmem:s5+$0x6810] =	vst v11;
	v4 =	vadd.f32 v4, v9  }
0x226: {  	v11 =	vld [tilespmem:s8+$0x10];
	[tilespmem:s5+$0x6820] =	vst v5;
	v3 =	vadd.f32 v3, v8  }
0x227: {  	v5 =	vld [tilespmem:s8+$0x20];
	[tilespmem:s5+$0x6830] =	vst v4;
	v2 =	vadd.f32 v2, v6  }
0x228: {  	v4 =	vld [tilespmem:s8+$0x30];
	[tilespmem:s5+$0x6840] =	vst v3;
	v1 =	vadd.f32 v1, v7  }
0x229: {  	v3 =	vld [tilespmem:s8+$0x40];
	[tilespmem:s5+$0x6850] =	vst v2;
	v0 =	vadd.f32 v0, v10  }
0x22a: {  	v2 =	vld [tilespmem:s8+$0x50];
	[tilespmem:s5+$0x6860] =	vst v1  }
0x22b: {  	v1 =	vld [tilespmem:s8+$0x60];
	[tilespmem:s5+$0x6870] =	vst v0;
	s5 =	smov.u32 s8  }
0x22c: {  	v0 =	vld [tilespmem:s5+$0x70]  }
0x22d: {  	v6 =	vld [tilespmem:s5+$0x6800]  }
0x22e: {  	v7 =	vld [tilespmem:s5+$0x6810]  }
.Ltmp9:
0x22f: {  	v10 =	vld [tilespmem:s5+$0x6820];
	(pc) =	sbr.rel @p0 .LBB2_20-.Ltmp9, $4  }
0x230: {  	v9 =	vld [tilespmem:s5+$0x6830]  }
0x231: {  	v8 =	vld [tilespmem:s5+$0x6840]  }
0x232: {  	v12 =	vadd.f32 v12, v6;
	v6 =	vld [tilespmem:s5+$0x6850]  }
0x233: {  	s2 =	sadd.s32 $0x200, s2;
	v11 =	vadd.f32 v11, v7;
	v7 =	vld [tilespmem:s5+$0x6860]  }
0x234: {  	[tilespmem:s5+$0x6800] =	vst v12;
	v5 =	vadd.f32 v5, v10;
	v10 =	vld [tilespmem:s5+$0x6870]  }
0x235: {  	[tilespmem:s5+$0x6810] =	vst v11;
	v4 =	vadd.f32 v4, v9  }
0x236: {  	[tilespmem:s5+$0x6820] =	vst v5;
	v3 =	vadd.f32 v3, v8  }
0x237: {  	[tilespmem:s5+$0x6830] =	vst v4;
	v2 =	vadd.f32 v2, v6  }
0x238: {  	[tilespmem:s5+$0x6840] =	vst v3;
	v1 =	vadd.f32 v1, v7  }
0x239: {  	[tilespmem:s5+$0x6850] =	vst v2;
	v0 =	vadd.f32 v0, v10  }
0x23a: {  	[tilespmem:s5+$0x6860] =	vst v1  }
0x23b: {  	s2 =	simm.s32 $0x0;
	s24 =	rddreg [dreg:$0x11];
	[tilespmem:s5+$0x6870] =	vst v0  }
0x23c: {  	[hbm4b:s24+s2] =	stream.linear.scatter [tilespmem:s0], [sflag:$0x3], $0x6400, $0x38;
	[tilespmem:$0x1F800] =	vst v63  }
0x23d: {  	_ =	swait.ge [sflag:s14], $0x6400  }
0x23e: {  	[sflag:s14] =	ssyncset.done $0x0  }
0x23f: {  	[sflag:s14] =	ssyncadd.s32 $0xFFFF9C00  }
0x240: {  	_ =	swait.ge [sflag:s31], $0x100  }
0x241: {  	[sflag:s31] =	ssyncset.done $0x0  }
0x242: {  	[sflag:s31] =	ssyncadd.s32 $0xFFFFFF00  }
0x243: {  	[tilespmem:s20], [sflag:$0x2] =	stream.indirect.gather [hbm4b:s1+s25], $0x80, s15, s25, $0xb8;
	[tilespmem:$0x1F800] =	vst v63  }
0x244: {  	_ = 	snop  }
0x245: {  	[tilespmem:s22], [sflag:$0x2] =	stream.indirect.gather [hbm4b:s1+s3], $0x80, s21, s3, $0xb8;
	[tilespmem:$0x1F800] =	vst v63  }
0x246: {  	_ =	swait.ge [sflag:s19], $0x4000  }
0x247: {  	[sflag:s19] =	ssyncset.done $0x0  }
0x248: {  	[sflag:s19] =	ssyncadd.s32 $0xFFFFC000  }
0x249: {  	_ =	swait.ge [sflag:s19], $0x2400  }
0x24a: {  	[sflag:s19] =	ssyncset.done $0x0  }
0x24b: {  	s5 =	simm.s32 $0x0;
	[sflag:s19] =	ssyncadd.s32 $0xFFFFDC00  }
0x24c: {  	v7 =	vld [tilespmem:s5+$0x0]  }
0x24d: {  	v11 =	vld [tilespmem:s5+$0x10]  }
0x24e: {  	v5 =	vld [tilespmem:s5+$0x20]  }
0x24f: {  	v4 =	vld [tilespmem:s5+$0x30]  }
0x250: {  	v3 =	vld [tilespmem:s5+$0x40]  }
0x251: {  	v2 =	vld [tilespmem:s5+$0x50]  }
0x252: {  	v1 =	vld [tilespmem:s5+$0x60]  }
0x253: {  	v0 =	vld [tilespmem:s5+$0x70]  }
0x254: {  	v12 =	vld [tilespmem:s5+$0xCC00]  }
0x255: {  	v13 =	vld [tilespmem:s5+$0xCC10]  }
0x256: {  	v10 =	vld [tilespmem:s5+$0xCC20]  }
0x257: {  	v9 =	vld [tilespmem:s5+$0xCC30]  }
0x258: {  	v8 =	vld [tilespmem:s5+$0xCC40]  }
0x259: {  	v6 =	vld [tilespmem:s5+$0xCC50];
	v12 =	vadd.f32 v7, v12  }
0x25a: {  	s2 =	simm.s32 $0x200;
	v11 =	vadd.f32 v11, v13;
	v7 =	vld [tilespmem:s5+$0xCC60]  }
.LBB2_22:
0x25b: {  	s8 =	sshra.s32 s2, $0x2;
	p0 =	sne.s32 s2, $0x18E00;
	[tilespmem:s5+$0xCC00] =	vst v12;
	v5 =	vadd.f32 v5, v10;
	v10 =	vld [tilespmem:s5+$0xCC70]  }
0x25c: {  	v12 =	vld [tilespmem:s8+$0x0];
	[tilespmem:s5+$0xCC10] =	vst v11;
	v4 =	vadd.f32 v4, v9  }
0x25d: {  	v11 =	vld [tilespmem:s8+$0x10];
	[tilespmem:s5+$0xCC20] =	vst v5;
	v3 =	vadd.f32 v3, v8  }
0x25e: {  	v5 =	vld [tilespmem:s8+$0x20];
	[tilespmem:s5+$0xCC30] =	vst v4;
	v2 =	vadd.f32 v2, v6  }
0x25f: {  	v4 =	vld [tilespmem:s8+$0x30];
	[tilespmem:s5+$0xCC40] =	vst v3;
	v1 =	vadd.f32 v1, v7  }
0x260: {  	v3 =	vld [tilespmem:s8+$0x40];
	[tilespmem:s5+$0xCC50] =	vst v2;
	v0 =	vadd.f32 v0, v10  }
0x261: {  	v2 =	vld [tilespmem:s8+$0x50];
	[tilespmem:s5+$0xCC60] =	vst v1  }
0x262: {  	v1 =	vld [tilespmem:s8+$0x60];
	[tilespmem:s5+$0xCC70] =	vst v0;
	s5 =	smov.u32 s8  }
0x263: {  	v0 =	vld [tilespmem:s5+$0x70]  }
0x264: {  	v6 =	vld [tilespmem:s5+$0xCC00]  }
0x265: {  	v7 =	vld [tilespmem:s5+$0xCC10]  }
.Ltmp10:
0x266: {  	v10 =	vld [tilespmem:s5+$0xCC20];
	(pc) =	sbr.rel @p0 .LBB2_22-.Ltmp10, $4  }
0x267: {  	v9 =	vld [tilespmem:s5+$0xCC30]  }
0x268: {  	v8 =	vld [tilespmem:s5+$0xCC40]  }
0x269: {  	v12 =	vadd.f32 v12, v6;
	v6 =	vld [tilespmem:s5+$0xCC50]  }
0x26a: {  	s2 =	sadd.s32 $0x200, s2;
	v11 =	vadd.f32 v11, v7;
	v7 =	vld [tilespmem:s5+$0xCC60]  }
0x26b: {  	[tilespmem:s5+$0xCC00] =	vst v12;
	v5 =	vadd.f32 v5, v10;
	v10 =	vld [tilespmem:s5+$0xCC70]  }
0x26c: {  	[tilespmem:s5+$0xCC10] =	vst v11;
	v4 =	vadd.f32 v4, v9  }
0x26d: {  	[tilespmem:s5+$0xCC20] =	vst v5;
	v3 =	vadd.f32 v3, v8  }
0x26e: {  	[tilespmem:s5+$0xCC30] =	vst v4;
	v2 =	vadd.f32 v2, v6  }
0x26f: {  	[tilespmem:s5+$0xCC40] =	vst v3;
	v1 =	vadd.f32 v1, v7  }
0x270: {  	[tilespmem:s5+$0xCC50] =	vst v2;
	v0 =	vadd.f32 v0, v10  }
0x271: {  	[tilespmem:s5+$0xCC60] =	vst v1  }
0x272: {  	s2 =	simm.s32 $0x0;
	s24 =	rddreg [dreg:$0x12];
	[tilespmem:s5+$0xCC70] =	vst v0  }
0x273: {  	[hbm4b:s24+s2] =	stream.linear.scatter [tilespmem:s10], [sflag:$0x3], $0x6400, $0x38;
	[tilespmem:$0x1F800] =	vst v63  }
0x274: {  	_ =	swait.ge [sflag:s19], $0x4000  }
0x275: {  	[sflag:s19] =	ssyncset.done $0x0  }
0x276: {  	[sflag:s19] =	ssyncadd.s32 $0xFFFFC000  }
0x277: {  	_ =	swait.ge [sflag:s19], $0x2400  }
0x278: {  	[sflag:s19] =	ssyncset.done $0x0  }
0x279: {  	s5 =	simm.s32 $0x0;
	[sflag:s19] =	ssyncadd.s32 $0xFFFFDC00  }
0x27a: {  	v7 =	vld [tilespmem:s5+$0x0]  }
0x27b: {  	v11 =	vld [tilespmem:s5+$0x10]  }
0x27c: {  	v5 =	vld [tilespmem:s5+$0x20]  }
0x27d: {  	v4 =	vld [tilespmem:s5+$0x30]  }
0x27e: {  	v3 =	vld [tilespmem:s5+$0x40]  }
0x27f: {  	v2 =	vld [tilespmem:s5+$0x50]  }
0x280: {  	v1 =	vld [tilespmem:s5+$0x60]  }
0x281: {  	v0 =	vld [tilespmem:s5+$0x70]  }
0x282: {  	v12 =	vld [tilespmem:s5+$0x13000]  }
0x283: {  	v13 =	vld [tilespmem:s5+$0x13010]  }
0x284: {  	v10 =	vld [tilespmem:s5+$0x13020]  }
0x285: {  	v9 =	vld [tilespmem:s5+$0x13030]  }
0x286: {  	v8 =	vld [tilespmem:s5+$0x13040]  }
0x287: {  	v6 =	vld [tilespmem:s5+$0x13050];
	v12 =	vadd.f32 v7, v12  }
0x288: {  	s2 =	simm.s32 $0x200;
	v11 =	vadd.f32 v11, v13;
	v7 =	vld [tilespmem:s5+$0x13060]  }
.LBB2_24:
0x289: {  	s8 =	sshra.s32 s2, $0x2;
	p0 =	sne.s32 s2, $0x18E00;
	[tilespmem:s5+$0x13000] =	vst v12;
	v5 =	vadd.f32 v5, v10;
	v10 =	vld [tilespmem:s5+$0x13070]  }
0x28a: {  	v12 =	vld [tilespmem:s8+$0x0];
	[tilespmem:s5+$0x13010] =	vst v11;
	v4 =	vadd.f32 v4, v9  }
0x28b: {  	v11 =	vld [tilespmem:s8+$0x10];
	[tilespmem:s5+$0x13020] =	vst v5;
	v3 =	vadd.f32 v3, v8  }
0x28c: {  	v5 =	vld [tilespmem:s8+$0x20];
	[tilespmem:s5+$0x13030] =	vst v4;
	v2 =	vadd.f32 v2, v6  }
0x28d: {  	v4 =	vld [tilespmem:s8+$0x30];
	[tilespmem:s5+$0x13040] =	vst v3;
	v1 =	vadd.f32 v1, v7  }
0x28e: {  	v3 =	vld [tilespmem:s8+$0x40];
	[tilespmem:s5+$0x13050] =	vst v2;
	v0 =	vadd.f32 v0, v10  }
0x28f: {  	v2 =	vld [tilespmem:s8+$0x50];
	[tilespmem:s5+$0x13060] =	vst v1  }
0x290: {  	v1 =	vld [tilespmem:s8+$0x60];
	[tilespmem:s5+$0x13070] =	vst v0;
	s5 =	smov.u32 s8  }
0x291: {  	v0 =	vld [tilespmem:s5+$0x70]  }
0x292: {  	v6 =	vld [tilespmem:s5+$0x13000]  }
0x293: {  	v7 =	vld [tilespmem:s5+$0x13010]  }
.Ltmp11:
0x294: {  	v10 =	vld [tilespmem:s5+$0x13020];
	(pc) =	sbr.rel @p0 .LBB2_24-.Ltmp11, $4  }
0x295: {  	v9 =	vld [tilespmem:s5+$0x13030]  }
0x296: {  	v8 =	vld [tilespmem:s5+$0x13040]  }
0x297: {  	v12 =	vadd.f32 v12, v6;
	v6 =	vld [tilespmem:s5+$0x13050]  }
0x298: {  	s2 =	sadd.s32 $0x200, s2;
	v11 =	vadd.f32 v11, v7;
	v7 =	vld [tilespmem:s5+$0x13060]  }
0x299: {  	[tilespmem:s5+$0x13000] =	vst v12;
	v5 =	vadd.f32 v5, v10;
	v10 =	vld [tilespmem:s5+$0x13070]  }
0x29a: {  	[tilespmem:s5+$0x13010] =	vst v11;
	v4 =	vadd.f32 v4, v9  }
0x29b: {  	[tilespmem:s5+$0x13020] =	vst v5;
	v3 =	vadd.f32 v3, v8  }
0x29c: {  	[tilespmem:s5+$0x13030] =	vst v4;
	v2 =	vadd.f32 v2, v6  }
0x29d: {  	[tilespmem:s5+$0x13040] =	vst v3;
	v1 =	vadd.f32 v1, v7  }
0x29e: {  	[tilespmem:s5+$0x13050] =	vst v2;
	v0 =	vadd.f32 v0, v10  }
0x29f: {  	[tilespmem:s5+$0x13060] =	vst v1  }
0x2a0: {  	s2 =	simm.s32 $0x0;
	s24 =	rddreg [dreg:$0x13];
	[tilespmem:s5+$0x13070] =	vst v0  }
0x2a1: {  	[hbm4b:s24+s2] =	stream.linear.scatter [tilespmem:s16], [sflag:$0x3], $0x6400, $0x38;
	[tilespmem:$0x1F800] =	vst v63  }
0x2a2: {  	_ =	swait.ge [sflag:s19], $0x4000  }
0x2a3: {  	[sflag:s19] =	ssyncset.done $0x0  }
0x2a4: {  	[sflag:s19] =	ssyncadd.s32 $0xFFFFC000  }
0x2a5: {  	_ =	swait.ge [sflag:s19], $0x2400  }
0x2a6: {  	[sflag:s19] =	ssyncset.done $0x0  }
0x2a7: {  	s5 =	simm.s32 $0x0;
	[sflag:s19] =	ssyncadd.s32 $0xFFFFDC00  }
0x2a8: {  	v7 =	vld [tilespmem:s5+$0x0]  }
0x2a9: {  	v11 =	vld [tilespmem:s5+$0x10]  }
0x2aa: {  	v5 =	vld [tilespmem:s5+$0x20]  }
0x2ab: {  	v4 =	vld [tilespmem:s5+$0x30]  }
0x2ac: {  	v3 =	vld [tilespmem:s5+$0x40]  }
0x2ad: {  	v2 =	vld [tilespmem:s5+$0x50]  }
0x2ae: {  	v1 =	vld [tilespmem:s5+$0x60]  }
0x2af: {  	v0 =	vld [tilespmem:s5+$0x70]  }
0x2b0: {  	v12 =	vld [tilespmem:s5+$0x19400]  }
0x2b1: {  	v13 =	vld [tilespmem:s5+$0x19410]  }
0x2b2: {  	v10 =	vld [tilespmem:s5+$0x19420]  }
0x2b3: {  	v9 =	vld [tilespmem:s5+$0x19430]  }
0x2b4: {  	v8 =	vld [tilespmem:s5+$0x19440]  }
0x2b5: {  	v6 =	vld [tilespmem:s5+$0x19450];
	v12 =	vadd.f32 v7, v12  }
0x2b6: {  	s2 =	simm.s32 $0x200;
	v11 =	vadd.f32 v11, v13;
	v7 =	vld [tilespmem:s5+$0x19460]  }
.LBB2_26:
0x2b7: {  	s8 =	sshra.s32 s2, $0x2;
	p0 =	sne.s32 s2, $0x18E00;
	[tilespmem:s5+$0x19400] =	vst v12;
	v5 =	vadd.f32 v5, v10;
	v10 =	vld [tilespmem:s5+$0x19470]  }
0x2b8: {  	v12 =	vld [tilespmem:s8+$0x0];
	[tilespmem:s5+$0x19410] =	vst v11;
	v4 =	vadd.f32 v4, v9  }
0x2b9: {  	v11 =	vld [tilespmem:s8+$0x10];
	[tilespmem:s5+$0x19420] =	vst v5;
	v3 =	vadd.f32 v3, v8  }
0x2ba: {  	v5 =	vld [tilespmem:s8+$0x20];
	[tilespmem:s5+$0x19430] =	vst v4;
	v2 =	vadd.f32 v2, v6  }
0x2bb: {  	v4 =	vld [tilespmem:s8+$0x30];
	[tilespmem:s5+$0x19440] =	vst v3;
	v1 =	vadd.f32 v1, v7  }
0x2bc: {  	v3 =	vld [tilespmem:s8+$0x40];
	[tilespmem:s5+$0x19450] =	vst v2;
	v0 =	vadd.f32 v0, v10  }
0x2bd: {  	v2 =	vld [tilespmem:s8+$0x50];
	[tilespmem:s5+$0x19460] =	vst v1  }
0x2be: {  	v1 =	vld [tilespmem:s8+$0x60];
	[tilespmem:s5+$0x19470] =	vst v0;
	s5 =	smov.u32 s8  }
0x2bf: {  	v0 =	vld [tilespmem:s5+$0x70]  }
0x2c0: {  	v6 =	vld [tilespmem:s5+$0x19400]  }
0x2c1: {  	v7 =	vld [tilespmem:s5+$0x19410]  }
.Ltmp12:
0x2c2: {  	v10 =	vld [tilespmem:s5+$0x19420];
	(pc) =	sbr.rel @p0 .LBB2_26-.Ltmp12, $4  }
0x2c3: {  	v9 =	vld [tilespmem:s5+$0x19430]  }
0x2c4: {  	v8 =	vld [tilespmem:s5+$0x19440]  }
0x2c5: {  	v12 =	vadd.f32 v12, v6;
	v6 =	vld [tilespmem:s5+$0x19450]  }
0x2c6: {  	s2 =	sadd.s32 $0x200, s2;
	v11 =	vadd.f32 v11, v7;
	v7 =	vld [tilespmem:s5+$0x19460]  }
0x2c7: {  	[tilespmem:s5+$0x19400] =	vst v12;
	v5 =	vadd.f32 v5, v10;
	v63 =	vld [tilespmem:s5+$0x19470]  }
0x2c8: {  	[tilespmem:s5+$0x19410] =	vst v11;
	v4 =	vadd.f32 v4, v9  }
0x2c9: {  	[tilespmem:s5+$0x19420] =	vst v5;
	v3 =	vadd.f32 v3, v8  }
0x2ca: {  	[tilespmem:s5+$0x19430] =	vst v4;
	v2 =	vadd.f32 v2, v6  }
0x2cb: {  	[tilespmem:s5+$0x19440] =	vst v3;
	v1 =	vadd.f32 v1, v7  }
0x2cc: {  	[tilespmem:s5+$0x19450] =	vst v2;
	v0 =	vadd.f32 v0, v63  }
0x2cd: {  	[tilespmem:s5+$0x19460] =	vst v1  }
0x2ce: {  	s2 =	rddreg [dreg:$0x14];
	[tilespmem:s5+$0x19470] =	vst v0  }
0x2cf: {  	[hbm4b:s2+s9] =	stream.linear.scatter [tilespmem:s20], [sflag:$0x3], $0x6400, $0x38;
	[tilespmem:$0x1F800] =	vst v63  }
0x2d0: {  	_ =	swait.ge [sflag:s14], $0x6400  }
0x2d1: {  	[sflag:s14] =	ssyncset.done $0x0  }
0x2d2: {  	[sflag:s14] =	ssyncadd.s32 $0xFFFF9C00  }
0x2d3: {  	_ =	swait.ge [sflag:s14], $0x6400  }
0x2d4: {  	[sflag:s14] =	ssyncset.done $0x0  }
0x2d5: {  	[sflag:s14] =	ssyncadd.s32 $0xFFFF9C00  }
0x2d6: {  	_ =	swait.ge [sflag:s14], $0x6400  }
0x2d7: {  	[sflag:s14] =	ssyncset.done $0x0  }
0x2d8: {  	[sflag:s14] =	ssyncadd.s32 $0xFFFF9C00  }
0x2d9: {  	_ =	swait.ge [sflag:s14], $0x6400  }
0x2da: {  	s23 =	rddreg [dreg:$0x16]  }
0x2db: {  	s24 =	rddreg [dreg:$0x15];
	s5 =	sadd.s32 $0x1, s23  }
0x2dc: {  	p0 =	sne.s32 s5, s24  }
.Ltmp13:
0x2dd: {  	_ = 	snop;
	(pc) =	sbr.rel @p0 .LBB2_1-.Ltmp13, $3  }
0x2de: {  	_ =	sdelay $0x1  }
0x2df: {  	[sflag:s14] =	ssyncset.done $0x0  }
0x2e0: {  	[sflag:s14] =	ssyncadd.s32 $0xFFFF9C00  }
0x2e1: {  	_ =	sfence.sel $0x180000  }
0x2e2: {  	[bflag:$0x0] =	sbarrier.arrive $0xFFFF  }
0x2e3: {  	_ =	strace $0x90000047  }
0x2e4: {  	s0 =	stileid.u32;
	[bflag:$0x2] =	sbarrier.arrive $0xFFFF  }
0x2e5: {  	p0 =	sne.s32 s0, $0x0;
	s0 =	rddreg [dreg:$0x4]  }
0x2e6: {  	s0 =	sadd.s32 @!p0 $0x100000, s0  }
0x2e7: {  	[sflag:s0] =	ssyncadd.tile.s32 @!p0 $0x1;
	_ =	shalt  }
.Lfunc_end2:
_tile_overlayer_lowered:
.L_overlay_start_2:
0x2e8: {  	(tag) =	ssettag $0x2  }
0x2e9: {  	s0 =	rddreg [dreg:$0x0];
	s2 =	stileid.u32  }
0x2ea: {  	s1 =	rddreg [dreg:$0x1];
	p0 =	sne.s32 s2, $0x0  }
0x2eb: {  	s3 =	rddreg [dreg:$0x2];
	[bflag:$0x3] =	sbarrier.arrive $0xFFFF;
	s2 =	simm.s32 @!p0 $0x1C04  }
0x2ec: {  	[timem:s3], [sflag:s2] =	dma.local @!p0 [hbm:s0], s1  }
0x2ed: {  	s0 =	simm.s32 @!p0 $0x4  }
0x2ee: {  	_ =	swait.ge @!p0 [sflag:s0], s1  }
0x2ef: {  	s1 =	ssub.s32 @!p0 $0x0, s1;
	[sflag:s0] =	ssyncset.done @!p0 $0x0  }
0x2f0: {  	[sflag:s0] =	ssyncadd.s32 @!p0 s1  }
0x2f1: {  	[bflag:$0x3] =	sbarrier.arrive $0xFFFF  }
0x2f2: {  	_ =	shalt  }

</sc_bundles>
